<compile_context>
chip_gen: v7x
topology: tpu7x:2x2x1
jax: 0.10.2.dev20260603
libtpu: 0.0.44.dev20260713+nightly
codegen_flags: <defaults>
</compile_context>

<pallas_src>
import functools

import jax
import jax.numpy as jnp
from jax import lax
from jax.experimental import pallas as pl
from jax.experimental.pallas import tpu as pltpu
from jax.experimental.pallas import tpu_sc as plsc

N_NODES = 10000
N_EDGES = 320000
D = 128
D_EDGE = 16
N_GRAPHS = 64

NC = 2
NS = 16
NW = NC * NS
EDGES_PER_W = N_EDGES // NW
CHUNK = 80
NCHUNK = EDGES_PER_W // CHUNK
N_PAD = 10240
ROWS_PER_TILE = N_PAD // NS

F32 = jnp.float32


@functools.cache
def _sc_kernels():
    mesh = plsc.VectorSubcoreMesh(
        core_axis_name="c", subcore_axis_name="s",
        num_cores=NC, num_subcores=NS)

    @functools.partial(
        pl.kernel,
        out_type=[jax.ShapeDtypeStruct((N_EDGES, D), jnp.int32),
                  jax.ShapeDtypeStruct((N_EDGES, D), jnp.int32)],
        mesh=mesh,
        scratch_types=[pltpu.VMEM((CHUNK,), jnp.int32),
                       pltpu.VMEM((CHUNK,), jnp.int32),
                       pltpu.VMEM((CHUNK,), jnp.int32),
                       pltpu.VMEM((CHUNK,), jnp.int32),
                       pltpu.VMEM((CHUNK, D), jnp.int32),
                       pltpu.VMEM((CHUNK, D), jnp.int32),
                       pltpu.VMEM((CHUNK, D), jnp.int32),
                       pltpu.VMEM((CHUNK, D), jnp.int32),
                       pltpu.SemaphoreType.DMA,
                       pltpu.SemaphoreType.DMA,
                       pltpu.SemaphoreType.DMA,
                       pltpu.SemaphoreType.DMA],
    )
    def _sc_gather(pd_hbm, ps_hbm, src_hbm, dst_hbm, gd_out, gs_out,
                   ida_d, ida_s, idb_d, idb_s,
                   rowsa_d, rowsa_s, rowsb_d, rowsb_s,
                   sema_d, sema_s, semb_d, semb_s):
        c = lax.axis_index("c")
        s = lax.axis_index("s")
        w = c * NS + s
        first = w * EDGES_PER_W

        def load_idx(base, id_d, id_s):
            pltpu.sync_copy(dst_hbm.at[pl.ds(base, CHUNK)], id_d)
            pltpu.sync_copy(src_hbm.at[pl.ds(base, CHUNK)], id_s)

        def start(id_d, id_s, r_d, r_s, se_d, se_s):
            pltpu.async_copy(pd_hbm.at[id_d], r_d, se_d)
            pltpu.async_copy(ps_hbm.at[id_s], r_s, se_s)

        def drain(id_d, id_s, r_d, r_s, se_d, se_s):
            pltpu.make_async_copy(pd_hbm.at[id_d], r_d, se_d).wait()
            pltpu.make_async_copy(ps_hbm.at[id_s], r_s, se_s).wait()

        def store(base, r_d, r_s):
            pltpu.sync_copy(r_d, gd_out.at[pl.ds(base, CHUNK)])
            pltpu.sync_copy(r_s, gs_out.at[pl.ds(base, CHUNK)])

        load_idx(first, ida_d, ida_s)
        start(ida_d, ida_s, rowsa_d, rowsa_s, sema_d, sema_s)

        def body(i, carry):
            base_a = first + 2 * i * CHUNK
            base_b = base_a + CHUNK
            load_idx(base_b, idb_d, idb_s)
            start(idb_d, idb_s, rowsb_d, rowsb_s, semb_d, semb_s)
            drain(ida_d, ida_s, rowsa_d, rowsa_s, sema_d, sema_s)
            store(base_a, rowsa_d, rowsa_s)
            load_idx(base_b + CHUNK, ida_d, ida_s)
            start(ida_d, ida_s, rowsa_d, rowsa_s, sema_d, sema_s)
            drain(idb_d, idb_s, rowsb_d, rowsb_s, semb_d, semb_s)
            store(base_b, rowsb_d, rowsb_s)
            return carry

        lax.fori_loop(0, (NCHUNK - 1) // 2, body, 0)
        drain(ida_d, ida_s, rowsa_d, rowsa_s, sema_d, sema_s)
        store(first + (NCHUNK - 1) * CHUNK, rowsa_d, rowsa_s)

    @functools.partial(
        pl.kernel,
        out_type=[jax.ShapeDtypeStruct((N_PAD, D), F32),
                  jax.ShapeDtypeStruct((N_PAD, D), F32)],
        mesh=mesh,
        scratch_types=[pltpu.VMEM((CHUNK,), jnp.int32),
                       pltpu.VMEM((CHUNK,), jnp.int32),
                       pltpu.VMEM((CHUNK, D), F32),
                       pltpu.VMEM((CHUNK, D), F32),
                       pltpu.MemorySpace.VMEM_SHARED((N_PAD, D), F32),
                       pltpu.SemaphoreType.DMA,
                       pltpu.SemaphoreType.DMA],
    )
    def _sc_scatter(msg_hbm, dst_hbm, zeros_hbm, out_a, out_b,
                    idxa, idxb, msga, msgb, agg_sh, sema, semb):
        c = lax.axis_index("c")
        s = lax.axis_index("s")
        row0 = s * ROWS_PER_TILE
        first = (c * NS + s) * EDGES_PER_W
        pltpu.sync_copy(zeros_hbm.at[pl.ds(row0, ROWS_PER_TILE)],
                        agg_sh.at[pl.ds(row0, ROWS_PER_TILE)])
        plsc.subcore_barrier()

        def load(base, idx_v, msg_v):
            pltpu.sync_copy(dst_hbm.at[pl.ds(base, CHUNK)], idx_v)
            pltpu.sync_copy(msg_hbm.at[pl.ds(base, CHUNK)], msg_v)

        load(first, idxa, msga)

        def body(i, carry):
            base_b = first + (2 * i + 1) * CHUNK
            pltpu.async_copy(msga, agg_sh.at[idxa], sema, add=True)
            load(base_b, idxb, msgb)
            pltpu.make_async_copy(msga, agg_sh.at[idxa], sema).wait()
            pltpu.async_copy(msgb, agg_sh.at[idxb], semb, add=True)
            load(base_b + CHUNK, idxa, msga)
            pltpu.make_async_copy(msgb, agg_sh.at[idxb], semb).wait()
            return carry

        lax.fori_loop(0, (NCHUNK - 1) // 2, body, 0)
        pltpu.async_copy(msga, agg_sh.at[idxa], sema, add=True)
        pltpu.make_async_copy(msga, agg_sh.at[idxa], sema).wait()
        plsc.subcore_barrier()

        @pl.when(c == 0)
        def _():
            pltpu.sync_copy(agg_sh.at[pl.ds(row0, ROWS_PER_TILE)],
                            out_a.at[pl.ds(row0, ROWS_PER_TILE)])

        @pl.when(c == 1)
        def _():
            pltpu.sync_copy(agg_sh.at[pl.ds(row0, ROWS_PER_TILE)],
                            out_b.at[pl.ds(row0, ROWS_PER_TILE)])

    return _sc_gather, _sc_scatter


_NODE_BLK = 1000
_N_NODE_BLKS = N_NODES // _NODE_BLK
_EDGE_BLK = 2000
_N_EDGE_BLKS = N_EDGES // _EDGE_BLK


def _bf16_bits(x):
    u = jax.lax.bitcast_convert_type(x, jnp.int32)
    r = u + jnp.int32(0x7FFF) + ((u >> 16) & jnp.int32(1))
    return jax.lax.shift_right_logical(r, 16)


def _pack_pair(f, s):
    return _bf16_bits(f) | jax.lax.shift_left(_bf16_bits(s), jnp.int32(16))


def _norm_matmul_body(y_ref, ac_ref, w_ref, h_ref, pd_ref, ps_ref):
    a = ac_ref[0:1, :]
    cc = ac_ref[1:2, :]
    h = y_ref[...] * a + cc
    h_ref[...] = h
    p = jnp.dot(h, w_ref[...], preferred_element_type=F32)
    pd_ref[...] = _pack_pair(p[:, :D], p[:, D:2 * D])
    ps_ref[...] = _pack_pair(p[:, 2 * D:3 * D], p[:, 3 * D:])


def _norm_matmul(y, ac, wc):
    return pl.pallas_call(
        _norm_matmul_body,
        grid=(_N_NODE_BLKS,),
        in_specs=[pl.BlockSpec((_NODE_BLK, D), lambda i: (i, 0)),
                  pl.BlockSpec((8, D), lambda i: (0, 0)),
                  pl.BlockSpec((D, 4 * D), lambda i: (0, 0))],
        out_specs=[pl.BlockSpec((_NODE_BLK, D), lambda i: (i, 0)),
                   pl.BlockSpec((_NODE_BLK, D), lambda i: (i, 0)),
                   pl.BlockSpec((_NODE_BLK, D), lambda i: (i, 0))],
        out_shape=[jax.ShapeDtypeStruct((N_NODES, D), F32),
                   jax.ShapeDtypeStruct((N_NODES, D), jnp.int32),
                   jax.ShapeDtypeStruct((N_NODES, D), jnp.int32)],
    )(y, ac, wc)


def _unpack_pair(w):
    f = jax.lax.bitcast_convert_type(jax.lax.shift_left(w, jnp.int32(16)), F32)
    s = jax.lax.bitcast_convert_type(
        jax.lax.shift_left(w >> 16, jnp.int32(16)), F32)
    return f, s


def _msg_body(gd_ref, gs_ref, ea_ref, we_ref, bias_ref, msg_ref):
    e2 = jnp.dot(ea_ref[...], we_ref[...], preferred_element_type=F32)
    e2 = e2 + bias_ref[0:1, :]
    fd, sd = _unpack_pair(gd_ref[...])
    fs, ss = _unpack_pair(gs_ref[...])
    zf = fd + fs + e2[:, :D]
    zs = sd + ss + e2[:, D:]
    msg_ref[...] = jax.nn.sigmoid(zf) * jax.nn.softplus(zs)


def _msg_kernel(gd, gs, ea, we, bias):
    return pl.pallas_call(
        _msg_body,
        grid=(_N_EDGE_BLKS,),
        in_specs=[pl.BlockSpec((_EDGE_BLK, D), lambda i: (i, 0)),
                  pl.BlockSpec((_EDGE_BLK, D), lambda i: (i, 0)),
                  pl.BlockSpec((_EDGE_BLK, D_EDGE), lambda i: (i, 0)),
                  pl.BlockSpec((D_EDGE, 2 * D), lambda i: (0, 0)),
                  pl.BlockSpec((8, 2 * D), lambda i: (0, 0))],
        out_specs=pl.BlockSpec((_EDGE_BLK, D), lambda i: (i, 0)),
        out_shape=jax.ShapeDtypeStruct((N_EDGES, D), F32),
    )(gd, gs, ea, we, bias)


def _stats_update(st_ref, y, i):
    s = jnp.sum(y, axis=0)[None, :]
    q = jnp.sum(y * y, axis=0)[None, :]
    upd = jnp.concatenate([s, q, jnp.zeros((6, D), F32)], axis=0)

    @pl.when(i == 0)
    def _():
        st_ref[...] = upd

    @pl.when(i > 0)
    def _():
        st_ref[...] = st_ref[...] + upd


def _add_stats_body(x_ref, aa_ref, ab_ref, y_ref, st_ref):
    i = pl.program_id(0)
    y = x_ref[...] + aa_ref[...] + ab_ref[...]
    y_ref[...] = y
    _stats_update(st_ref, y, i)


def _add_stats(x, agg_a, agg_b):
    return pl.pallas_call(
        _add_stats_body,
        grid=(_N_NODE_BLKS,),
        in_specs=[pl.BlockSpec((_NODE_BLK, D), lambda i: (i, 0))] * 3,
        out_specs=[pl.BlockSpec((_NODE_BLK, D), lambda i: (i, 0)),
                   pl.BlockSpec((8, D), lambda i: (0, 0))],
        out_shape=[jax.ShapeDtypeStruct((N_NODES, D), F32),
                   jax.ShapeDtypeStruct((8, D), F32)],
    )(x, agg_a, agg_b)


def _finalize_body(h_ref, aa_ref, ab_ref, b_ref, st_ref, pool_ref, cnt_ref):
    i = pl.program_id(0)
    y = h_ref[...] + aa_ref[...] + ab_ref[...]
    _stats_update(st_ref, y, i)
    lanes = lax.broadcasted_iota(jnp.int32, (_NODE_BLK, D), 1)
    oh = (b_ref[...] == lanes).astype(F32)
    pool_upd = lax.dot_general(oh, y, (((0,), (0,)), ((), ())),
                               preferred_element_type=F32)
    cnt_upd = jnp.concatenate(
        [jnp.sum(oh, axis=0)[None, :], jnp.zeros((7, D), F32)], axis=0)

    @pl.when(i == 0)
    def _():
        pool_ref[...] = pool_upd
        cnt_ref[...] = cnt_upd

    @pl.when(i > 0)
    def _():
        pool_ref[...] = pool_ref[...] + pool_upd
        cnt_ref[...] = cnt_ref[...] + cnt_upd


def _finalize(h, agg_a, agg_b, batch2d):
    return pl.pallas_call(
        _finalize_body,
        grid=(_N_NODE_BLKS,),
        in_specs=[pl.BlockSpec((_NODE_BLK, D), lambda i: (i, 0))] * 3 +
                 [pl.BlockSpec((_NODE_BLK, 1), lambda i: (i, 0))],
        out_specs=[pl.BlockSpec((8, D), lambda i: (0, 0)),
                   pl.BlockSpec((D, D), lambda i: (0, 0)),
                   pl.BlockSpec((8, D), lambda i: (0, 0))],
        out_shape=[jax.ShapeDtypeStruct((8, D), F32),
                   jax.ShapeDtypeStruct((D, D), F32),
                   jax.ShapeDtypeStruct((8, D), F32)],
    )(h, agg_a, agg_b, batch2d)


def _bn_affine(st, gamma, beta, eps=1e-5):
    mean = st[0] / N_NODES
    var = st[1] / N_NODES - mean * mean
    a = gamma * lax.rsqrt(var + eps)
    return a, beta - mean * a


def _pack_weights(wf, ws):
    wc = jnp.concatenate(
        [wf[:D], ws[:D], wf[D:2 * D], ws[D:2 * D]], axis=1)
    we = jnp.concatenate([wf[2 * D:], ws[2 * D:]], axis=1)
    return wc, we


def _pad8(row_list):
    rows = jnp.stack(row_list, axis=0)
    return jnp.concatenate(
        [rows, jnp.zeros((8 - rows.shape[0], rows.shape[1]), F32)], axis=0)


def kernel(x, edge_index, edge_attr, batch, Wf0, bf0, Ws0, bs0, g0, b0,
           Wf1, bf1, Ws1, bs1, g1, b1):
    src = edge_index[0]
    dst = edge_index[1]
    zeros_nd = jnp.zeros((N_PAD, D), F32)
    batch2d = batch.reshape(N_NODES, 1)

    wc0, we0 = _pack_weights(Wf0, Ws0)
    wc1, we1 = _pack_weights(Wf1, Ws1)
    bias0 = _pad8([jnp.concatenate([bf0, bs0])])
    bias1 = _pad8([jnp.concatenate([bf1, bs1])])
    ac_id = _pad8([jnp.ones((D,), F32), jnp.zeros((D,), F32)])
    sc_gather, sc_scatter = _sc_kernels()

    _, pd1, ps1 = _norm_matmul(x, ac_id, wc0)
    gd1, gs1 = sc_gather(pd1, ps1, src, dst)
    msg1 = _msg_kernel(gd1, gs1, edge_attr, we0, bias0)
    agg1a, agg1b = sc_scatter(msg1, dst, zeros_nd)
    y1, st1 = _add_stats(x, agg1a[:N_NODES], agg1b[:N_NODES])
    a1, c1 = _bn_affine(st1, g0, b0)

    h1, pd2, ps2 = _norm_matmul(y1, _pad8([a1, c1]), wc1)
    gd2, gs2 = sc_gather(pd2, ps2, src, dst)
    msg2 = _msg_kernel(gd2, gs2, edge_attr, we1, bias1)
    agg2a, agg2b = sc_scatter(msg2, dst, zeros_nd)
    st2, pooled, cnt = _finalize(h1, agg2a[:N_NODES], agg2b[:N_NODES], batch2d)

    a2, c2 = _bn_affine(st2, g1, b1)
    counts = jnp.maximum(cnt[0, :N_GRAPHS], 1.0)
    pool_mean = pooled[:N_GRAPHS] / counts[:, None]
    return pool_mean * a2[None, :] + c2[None, :]

# --- scband reference (transcript-rebuilt; emitter-appended) ---
"""Pipeline reference for scband-encoder-43301860278639 (READ-ONLY COPY).

The authoritative reference and input builder live on the scoring server;
editing this copy changes nothing except your own understanding.
"""

import jax, jax.numpy as jnp
import numpy as np

N_NODES = 10000
N_EDGES = 320000
D = 128
D_EDGE = 16
N_GRAPHS = 64


def _cgconv(x, edge_index, edge_attr, Wf, bf, Ws, bs):
    src = edge_index[0]
    dst = edge_index[1]
    # PyG CGConv: z = cat([x_i, x_j, edge_attr]); msg = sigmoid(lin_f(z)) * softplus(lin_s(z)); out = x + sum_j msg
    z = jnp.concatenate([x[dst], x[src], edge_attr], axis=-1)
    f = jax.nn.sigmoid(z @ Wf + bf)
    s = jax.nn.softplus(z @ Ws + bs)
    msg = f * s
    agg = jax.ops.segment_sum(msg, dst, num_segments=x.shape[0])
    return x + agg


def _batchnorm(x, gamma, beta, eps=1e-5):
    mean = jnp.mean(x, axis=0)
    var = jnp.mean((x - mean) ** 2, axis=0)
    return (x - mean) / jnp.sqrt(var + eps) * gamma + beta


def setup_inputs(seed: int = 0) -> dict:
    key = jax.random.key(seed)
    ks = jax.random.split(key, 16)
    zin = 2 * D + D_EDGE
    scale = 1.0 / np.sqrt(zin)
    inp = {
        "x": jax.random.normal(ks[0], (N_NODES, D), dtype=jnp.float32),
        "edge_index": jax.random.randint(ks[1], (2, N_EDGES), 0, N_NODES, dtype=jnp.int64) if jax.config.jax_enable_x64 else jax.random.randint(ks[1], (2, N_EDGES), 0, N_NODES, dtype=jnp.int32),
        "edge_attr": jax.random.normal(ks[2], (N_EDGES, D_EDGE), dtype=jnp.float32),
        "batch": jnp.sort(jax.random.randint(ks[3], (N_NODES,), 0, N_GRAPHS, dtype=jnp.int32)),
        "Wf0": jax.random.normal(ks[4], (zin, D), dtype=jnp.float32) * scale,
        "bf0": jnp.zeros((D,), dtype=jnp.float32),
        "Ws0": jax.random.normal(ks[5], (zin, D), dtype=jnp.float32) * scale,
        "bs0": jnp.zeros((D,), dtype=jnp.float32),
        "g0": jnp.ones((D,), dtype=jnp.float32),
        "b0": jnp.zeros((D,), dtype=jnp.float32),
        "Wf1": jax.random.normal(ks[6], (zin, D), dtype=jnp.float32) * scale,
        "bf1": jnp.zeros((D,), dtype=jnp.float32),
        "Ws1": jax.random.normal(ks[7], (zin, D), dtype=jnp.float32) * scale,
        "bs1": jnp.zeros((D,), dtype=jnp.float32),
        "g1": jnp.ones((D,), dtype=jnp.float32),
        "b1": jnp.zeros((D,), dtype=jnp.float32),
    }
    return inp


def reference(x, edge_index, edge_attr, batch, Wf0, bf0, Ws0, bs0, g0, b0, Wf1, bf1, Ws1, bs1, g1, b1):
    h = _batchnorm(_cgconv(x, edge_index, edge_attr, Wf0, bf0, Ws0, bs0), g0, b0)
    h = _batchnorm(_cgconv(h, edge_index, edge_attr, Wf1, bf1, Ws1, bs1), g1, b1)
    # global_mean_pool
    sums = jax.ops.segment_sum(h, batch, num_segments=N_GRAPHS)
    counts = jax.ops.segment_sum(jnp.ones((h.shape[0],), dtype=jnp.float32), batch, num_segments=N_GRAPHS)
    counts = jnp.maximum(counts, 1.0)
    return sums / counts[:, None]

if __name__ == "__main__":
    import jax
    _d = setup_inputs()
    print(jax.jit(kernel)(*tuple(_d.values())))

</pallas_src>

<mosaic_0001>
#map = affine_map<(d0, d1) -> (0, 0)>
#map1 = affine_map<(d0, d1) -> (0)>
module attributes {stable_mosaic.version = 14 : i64} {
  func.func @_sc_gather(%arg0: i32, %arg1: i32, %arg2: memref<10000x128xi32, #tpu.memory_space<hbm>>, %arg3: memref<10000x128xi32, #tpu.memory_space<hbm>>, %arg4: memref<320000xi32, #tpu.memory_space<hbm>>, %arg5: memref<320000xi32, #tpu.memory_space<hbm>>, %arg6: memref<320000x128xi32, #tpu.memory_space<hbm>>, %arg7: memref<320000x128xi32, #tpu.memory_space<hbm>>, %arg8: memref<80xi32, #tpu.memory_space<vmem>>, %arg9: memref<80xi32, #tpu.memory_space<vmem>>, %arg10: memref<80xi32, #tpu.memory_space<vmem>>, %arg11: memref<80xi32, #tpu.memory_space<vmem>>, %arg12: memref<80x128xi32, #tpu.memory_space<vmem>>, %arg13: memref<80x128xi32, #tpu.memory_space<vmem>>, %arg14: memref<80x128xi32, #tpu.memory_space<vmem>>, %arg15: memref<80x128xi32, #tpu.memory_space<vmem>>, %arg16: memref<!tpu.dma_semaphore, #tpu.memory_space<semaphore_mem>>, %arg17: memref<!tpu.dma_semaphore, #tpu.memory_space<semaphore_mem>>, %arg18: memref<!tpu.dma_semaphore, #tpu.memory_space<semaphore_mem>>, %arg19: memref<!tpu.dma_semaphore, #tpu.memory_space<semaphore_mem>>) attributes {dimension_semantics = [#tpu.dimension_semantics<core_parallel>, #tpu.dimension_semantics<subcore_parallel>], iteration_bounds = array<i64: 2, 16>, scalar_prefetch = 0 : i64, scratch_operands = 12 : i64, tpu.core_type = #tpu.core_type<sc_vector_subcore>, window_params = [{transform_indices = #map}, {transform_indices = #map}, {transform_indices = #map1}, {transform_indices = #map1}, {transform_indices = #map}, {transform_indices = #map}]} {
    %mul3A = arith.constant 16 : i32
    %mul3A_0 = arith.muli %arg0, %mul3A : i32
    %add3A = arith.addi %mul3A_0, %arg1 : i32
    %mul3A_1 = arith.constant 10000 : i32
    %mul3A_2 = arith.muli %add3A, %mul3A_1 : i32
    "tpu.region"() ({
      %run_scoped3A = tpu.sem_alloc : memref<!tpu.dma_semaphore, #tpu.memory_space<semaphore_mem>>
      %dma_start3A_20 = tpu.memref_slice %arg5[%mul3A_2] : memref<320000xi32, #tpu.memory_space<hbm>> -> memref<80xi32, #tpu.memory_space<hbm>>
      %dma_start3A_21 = tpu.memref_slice %arg5[%mul3A_2] : memref<320000xi32, #tpu.memory_space<hbm>> -> memref<80xi32, #tpu.memory_space<hbm>>
      tpu.enqueue_dma source(%dma_start3A_21 : memref<80xi32, #tpu.memory_space<hbm>>) target(%arg8 : memref<80xi32, #tpu.memory_space<vmem>>) target_semaphore(%run_scoped3A : memref<!tpu.dma_semaphore, #tpu.memory_space<semaphore_mem>>)
      %dma_wait3A_22 = tpu.memref_slice %arg5[%mul3A_2] : memref<320000xi32, #tpu.memory_space<hbm>> -> memref<80xi32, #tpu.memory_space<hbm>>
      %dma_wait3A_23 = tpu.memref_slice %arg5[%mul3A_2] : memref<320000xi32, #tpu.memory_space<hbm>> -> memref<80xi32, #tpu.memory_space<hbm>>
      tpu.wait_dma2 semaphore(%run_scoped3A : memref<!tpu.dma_semaphore, #tpu.memory_space<semaphore_mem>>) src(%dma_wait3A_23 : memref<80xi32, #tpu.memory_space<hbm>>) dst(%arg8 : memref<80xi32, #tpu.memory_space<vmem>>)
      tpu.yield
    }) : () -> ()
    "tpu.region"() ({
      %run_scoped3A = tpu.sem_alloc : memref<!tpu.dma_semaphore, #tpu.memory_space<semaphore_mem>>
      %dma_start3A_20 = tpu.memref_slice %arg4[%mul3A_2] : memref<320000xi32, #tpu.memory_space<hbm>> -> memref<80xi32, #tpu.memory_space<hbm>>
      %dma_start3A_21 = tpu.memref_slice %arg4[%mul3A_2] : memref<320000xi32, #tpu.memory_space<hbm>> -> memref<80xi32, #tpu.memory_space<hbm>>
      tpu.enqueue_dma source(%dma_start3A_21 : memref<80xi32, #tpu.memory_space<hbm>>) target(%arg9 : memref<80xi32, #tpu.memory_space<vmem>>) target_semaphore(%run_scoped3A : memref<!tpu.dma_semaphore, #tpu.memory_space<semaphore_mem>>)
      %dma_wait3A_22 = tpu.memref_slice %arg4[%mul3A_2] : memref<320000xi32, #tpu.memory_space<hbm>> -> memref<80xi32, #tpu.memory_space<hbm>>
      %dma_wait3A_23 = tpu.memref_slice %arg4[%mul3A_2] : memref<320000xi32, #tpu.memory_space<hbm>> -> memref<80xi32, #tpu.memory_space<hbm>>
      tpu.wait_dma2 semaphore(%run_scoped3A : memref<!tpu.dma_semaphore, #tpu.memory_space<semaphore_mem>>) src(%dma_wait3A_23 : memref<80xi32, #tpu.memory_space<hbm>>) dst(%arg9 : memref<80xi32, #tpu.memory_space<vmem>>)
      tpu.yield
    }) : () -> ()
    %dma_start3A = arith.constant 0 : i32
    %dma_start3A_3 = arith.constant 0 : i32
    %dma_start3A_4 = tpu.memref_slice %arg2[%dma_start3A, %dma_start3A_3] : memref<10000x128xi32, #tpu.memory_space<hbm>> -> memref<10000x128xi32, #tpu.memory_space<hbm>>
    tpu.enqueue_indirect_dma source(%dma_start3A_4 : memref<10000x128xi32, #tpu.memory_space<hbm>>) target(%arg12 : memref<80x128xi32, #tpu.memory_space<vmem>>) offsets(%arg8 : memref<80xi32, #tpu.memory_space<vmem>>) semaphore(%arg16 : memref<!tpu.dma_semaphore, #tpu.memory_space<semaphore_mem>>)
    %dma_start3A_5 = arith.constant 0 : i32
    %dma_start3A_6 = arith.constant 0 : i32
    %dma_start3A_7 = tpu.memref_slice %arg3[%dma_start3A_5, %dma_start3A_6] : memref<10000x128xi32, #tpu.memory_space<hbm>> -> memref<10000x128xi32, #tpu.memory_space<hbm>>
    tpu.enqueue_indirect_dma source(%dma_start3A_7 : memref<10000x128xi32, #tpu.memory_space<hbm>>) target(%arg13 : memref<80x128xi32, #tpu.memory_space<vmem>>) offsets(%arg9 : memref<80xi32, #tpu.memory_space<vmem>>) semaphore(%arg17 : memref<!tpu.dma_semaphore, #tpu.memory_space<semaphore_mem>>)
    %scan3A = arith.constant 0 : i32
    %scan3A_8 = arith.constant 0 : i32
    %scan3A_9 = arith.constant 62 : i32
    %scan3A_10 = arith.addi %scan3A_8, %scan3A_9 : i32
    %scan3A_11 = arith.constant 1 : i32
    scf.for %scan3A_20 = %scan3A_8 to %scan3A_10 step %scan3A_11  : i32 {
      %mul3A_21 = arith.constant 2 : i32
      %mul3A_22 = arith.muli %mul3A_21, %scan3A_20 : i32
      %mul3A_23 = arith.constant 80 : i32
      %mul3A_24 = arith.muli %mul3A_22, %mul3A_23 : i32
      %add3A_25 = arith.addi %mul3A_2, %mul3A_24 : i32
      %add3A_26 = arith.constant 80 : i32
      %add3A_27 = arith.addi %add3A_25, %add3A_26 : i32
      "tpu.region"() ({
        %run_scoped3A = tpu.sem_alloc : memref<!tpu.dma_semaphore, #tpu.memory_space<semaphore_mem>>
        %dma_start3A_54 = tpu.memref_slice %arg5[%add3A_27] : memref<320000xi32, #tpu.memory_space<hbm>> -> memref<80xi32, #tpu.memory_space<hbm>>
        %dma_start3A_55 = tpu.memref_slice %arg5[%add3A_27] : memref<320000xi32, #tpu.memory_space<hbm>> -> memref<80xi32, #tpu.memory_space<hbm>>
        tpu.enqueue_dma source(%dma_start3A_55 : memref<80xi32, #tpu.memory_space<hbm>>) target(%arg10 : memref<80xi32, #tpu.memory_space<vmem>>) target_semaphore(%run_scoped3A : memref<!tpu.dma_semaphore, #tpu.memory_space<semaphore_mem>>)
        %dma_wait3A_56 = tpu.memref_slice %arg5[%add3A_27] : memref<320000xi32, #tpu.memory_space<hbm>> -> memref<80xi32, #tpu.memory_space<hbm>>
        %dma_wait3A_57 = tpu.memref_slice %arg5[%add3A_27] : memref<320000xi32, #tpu.memory_space<hbm>> -> memref<80xi32, #tpu.memory_space<hbm>>
        tpu.wait_dma2 semaphore(%run_scoped3A : memref<!tpu.dma_semaphore, #tpu.memory_space<semaphore_mem>>) src(%dma_wait3A_57 : memref<80xi32, #tpu.memory_space<hbm>>) dst(%arg10 : memref<80xi32, #tpu.memory_space<vmem>>)
        tpu.yield
      }) : () -> ()
      "tpu.region"() ({
        %run_scoped3A = tpu.sem_alloc : memref<!tpu.dma_semaphore, #tpu.memory_space<semaphore_mem>>
        %dma_start3A_54 = tpu.memref_slice %arg4[%add3A_27] : memref<320000xi32, #tpu.memory_space<hbm>> -> memref<80xi32, #tpu.memory_space<hbm>>
        %dma_start3A_55 = tpu.memref_slice %arg4[%add3A_27] : memref<320000xi32, #tpu.memory_space<hbm>> -> memref<80xi32, #tpu.memory_space<hbm>>
        tpu.enqueue_dma source(%dma_start3A_55 : memref<80xi32, #tpu.memory_space<hbm>>) target(%arg11 : memref<80xi32, #tpu.memory_space<vmem>>) target_semaphore(%run_scoped3A : memref<!tpu.dma_semaphore, #tpu.memory_space<semaphore_mem>>)
        %dma_wait3A_56 = tpu.memref_slice %arg4[%add3A_27] : memref<320000xi32, #tpu.memory_space<hbm>> -> memref<80xi32, #tpu.memory_space<hbm>>
        %dma_wait3A_57 = tpu.memref_slice %arg4[%add3A_27] : memref<320000xi32, #tpu.memory_space<hbm>> -> memref<80xi32, #tpu.memory_space<hbm>>
        tpu.wait_dma2 semaphore(%run_scoped3A : memref<!tpu.dma_semaphore, #tpu.memory_space<semaphore_mem>>) src(%dma_wait3A_57 : memref<80xi32, #tpu.memory_space<hbm>>) dst(%arg11 : memref<80xi32, #tpu.memory_space<vmem>>)
        tpu.yield
      }) : () -> ()
      %dma_start3A_28 = arith.constant 0 : i32
      %dma_start3A_29 = arith.constant 0 : i32
      %dma_start3A_30 = tpu.memref_slice %arg2[%dma_start3A_28, %dma_start3A_29] : memref<10000x128xi32, #tpu.memory_space<hbm>> -> memref<10000x128xi32, #tpu.memory_space<hbm>>
      tpu.enqueue_indirect_dma source(%dma_start3A_30 : memref<10000x128xi32, #tpu.memory_space<hbm>>) target(%arg14 : memref<80x128xi32, #tpu.memory_space<vmem>>) offsets(%arg10 : memref<80xi32, #tpu.memory_space<vmem>>) semaphore(%arg18 : memref<!tpu.dma_semaphore, #tpu.memory_space<semaphore_mem>>)
      %dma_start3A_31 = arith.constant 0 : i32
      %dma_start3A_32 = arith.constant 0 : i32
      %dma_start3A_33 = tpu.memref_slice %arg3[%dma_start3A_31, %dma_start3A_32] : memref<10000x128xi32, #tpu.memory_space<hbm>> -> memref<10000x128xi32, #tpu.memory_space<hbm>>
      tpu.enqueue_indirect_dma source(%dma_start3A_33 : memref<10000x128xi32, #tpu.memory_space<hbm>>) target(%arg15 : memref<80x128xi32, #tpu.memory_space<vmem>>) offsets(%arg11 : memref<80xi32, #tpu.memory_space<vmem>>) semaphore(%arg19 : memref<!tpu.dma_semaphore, #tpu.memory_space<semaphore_mem>>)
      %dma_wait3A_34 = arith.constant 0 : i32
      %dma_wait3A_35 = arith.constant 0 : i32
      %dma_wait3A_36 = tpu.memref_slice %arg2[%dma_wait3A_34, %dma_wait3A_35] : memref<10000x128xi32, #tpu.memory_space<hbm>> -> memref<10000x128xi32, #tpu.memory_space<hbm>>
      tpu.wait_indirect_dma semaphore(%arg16 : memref<!tpu.dma_semaphore, #tpu.memory_space<semaphore_mem>>) src(%dma_wait3A_36 : memref<10000x128xi32, #tpu.memory_space<hbm>>) dst(%arg12 : memref<80x128xi32, #tpu.memory_space<vmem>>)
      %dma_wait3A_37 = arith.constant 0 : i32
      %dma_wait3A_38 = arith.constant 0 : i32
      %dma_wait3A_39 = tpu.memref_slice %arg3[%dma_wait3A_37, %dma_wait3A_38] : memref<10000x128xi32, #tpu.memory_space<hbm>> -> memref<10000x128xi32, #tpu.memory_space<hbm>>
      tpu.wait_indirect_dma semaphore(%arg17 : memref<!tpu.dma_semaphore, #tpu.memory_space<semaphore_mem>>) src(%dma_wait3A_39 : memref<10000x128xi32, #tpu.memory_space<hbm>>) dst(%arg13 : memref<80x128xi32, #tpu.memory_space<vmem>>)
      "tpu.region"() ({
        %run_scoped3A = tpu.sem_alloc : memref<!tpu.dma_semaphore, #tpu.memory_space<semaphore_mem>>
        %dma_start3A_54 = arith.constant 0 : i32
        %dma_start3A_55 = tpu.memref_slice %arg6[%add3A_25, %dma_start3A_54] : memref<320000x128xi32, #tpu.memory_space<hbm>> -> memref<80x128xi32, #tpu.memory_space<hbm>>
        %dma_start3A_56 = arith.constant 0 : i32
        %dma_start3A_57 = tpu.memref_slice %arg6[%add3A_25, %dma_start3A_56] : memref<320000x128xi32, #tpu.memory_space<hbm>> -> memref<80x128xi32, #tpu.memory_space<hbm>>
        tpu.enqueue_dma source(%arg12 : memref<80x128xi32, #tpu.memory_space<vmem>>) target(%dma_start3A_57 : memref<80x128xi32, #tpu.memory_space<hbm>>) target_semaphore(%run_scoped3A : memref<!tpu.dma_semaphore, #tpu.memory_space<semaphore_mem>>)
        %dma_wait3A_58 = arith.constant 0 : i32
        %dma_wait3A_59 = tpu.memref_slice %arg6[%add3A_25, %dma_wait3A_58] : memref<320000x128xi32, #tpu.memory_space<hbm>> -> memref<80x128xi32, #tpu.memory_space<hbm>>
        %dma_wait3A_60 = arith.constant 0 : i32
        %dma_wait3A_61 = tpu.memref_slice %arg6[%add3A_25, %dma_wait3A_60] : memref<320000x128xi32, #tpu.memory_space<hbm>> -> memref<80x128xi32, #tpu.memory_space<hbm>>
        tpu.wait_dma2 semaphore(%run_scoped3A : memref<!tpu.dma_semaphore, #tpu.memory_space<semaphore_mem>>) src(%arg12 : memref<80x128xi32, #tpu.memory_space<vmem>>) dst(%dma_wait3A_61 : memref<80x128xi32, #tpu.memory_space<hbm>>)
        tpu.yield
      }) : () -> ()
      "tpu.region"() ({
        %run_scoped3A = tpu.sem_alloc : memref<!tpu.dma_semaphore, #tpu.memory_space<semaphore_mem>>
        %dma_start3A_54 = arith.constant 0 : i32
        %dma_start3A_55 = tpu.memref_slice %arg7[%add3A_25, %dma_start3A_54] : memref<320000x128xi32, #tpu.memory_space<hbm>> -> memref<80x128xi32, #tpu.memory_space<hbm>>
        %dma_start3A_56 = arith.constant 0 : i32
        %dma_start3A_57 = tpu.memref_slice %arg7[%add3A_25, %dma_start3A_56] : memref<320000x128xi32, #tpu.memory_space<hbm>> -> memref<80x128xi32, #tpu.memory_space<hbm>>
        tpu.enqueue_dma source(%arg13 : memref<80x128xi32, #tpu.memory_space<vmem>>) target(%dma_start3A_57 : memref<80x128xi32, #tpu.memory_space<hbm>>) target_semaphore(%run_scoped3A : memref<!tpu.dma_semaphore, #tpu.memory_space<semaphore_mem>>)
        %dma_wait3A_58 = arith.constant 0 : i32
        %dma_wait3A_59 = tpu.memref_slice %arg7[%add3A_25, %dma_wait3A_58] : memref<320000x128xi32, #tpu.memory_space<hbm>> -> memref<80x128xi32, #tpu.memory_space<hbm>>
        %dma_wait3A_60 = arith.constant 0 : i32
        %dma_wait3A_61 = tpu.memref_slice %arg7[%add3A_25, %dma_wait3A_60] : memref<320000x128xi32, #tpu.memory_space<hbm>> -> memref<80x128xi32, #tpu.memory_space<hbm>>
        tpu.wait_dma2 semaphore(%run_scoped3A : memref<!tpu.dma_semaphore, #tpu.memory_space<semaphore_mem>>) src(%arg13 : memref<80x128xi32, #tpu.memory_space<vmem>>) dst(%dma_wait3A_61 : memref<80x128xi32, #tpu.memory_space<hbm>>)
        tpu.yield
      }) : () -> ()
      %add3A_40 = arith.constant 80 : i32
      %add3A_41 = arith.addi %add3A_27, %add3A_40 : i32
      "tpu.region"() ({
        %run_scoped3A = tpu.sem_alloc : memref<!tpu.dma_semaphore, #tpu.memory_space<semaphore_mem>>
        %dma_start3A_54 = tpu.memref_slice %arg5[%add3A_41] : memref<320000xi32, #tpu.memory_space<hbm>> -> memref<80xi32, #tpu.memory_space<hbm>>
        %dma_start3A_55 = tpu.memref_slice %arg5[%add3A_41] : memref<320000xi32, #tpu.memory_space<hbm>> -> memref<80xi32, #tpu.memory_space<hbm>>
        tpu.enqueue_dma source(%dma_start3A_55 : memref<80xi32, #tpu.memory_space<hbm>>) target(%arg8 : memref<80xi32, #tpu.memory_space<vmem>>) target_semaphore(%run_scoped3A : memref<!tpu.dma_semaphore, #tpu.memory_space<semaphore_mem>>)
        %dma_wait3A_56 = tpu.memref_slice %arg5[%add3A_41] : memref<320000xi32, #tpu.memory_space<hbm>> -> memref<80xi32, #tpu.memory_space<hbm>>
        %dma_wait3A_57 = tpu.memref_slice %arg5[%add3A_41] : memref<320000xi32, #tpu.memory_space<hbm>> -> memref<80xi32, #tpu.memory_space<hbm>>
        tpu.wait_dma2 semaphore(%run_scoped3A : memref<!tpu.dma_semaphore, #tpu.memory_space<semaphore_mem>>) src(%dma_wait3A_57 : memref<80xi32, #tpu.memory_space<hbm>>) dst(%arg8 : memref<80xi32, #tpu.memory_space<vmem>>)
        tpu.yield
      }) : () -> ()
      "tpu.region"() ({
        %run_scoped3A = tpu.sem_alloc : memref<!tpu.dma_semaphore, #tpu.memory_space<semaphore_mem>>
        %dma_start3A_54 = tpu.memref_slice %arg4[%add3A_41] : memref<320000xi32, #tpu.memory_space<hbm>> -> memref<80xi32, #tpu.memory_space<hbm>>
        %dma_start3A_55 = tpu.memref_slice %arg4[%add3A_41] : memref<320000xi32, #tpu.memory_space<hbm>> -> memref<80xi32, #tpu.memory_space<hbm>>
        tpu.enqueue_dma source(%dma_start3A_55 : memref<80xi32, #tpu.memory_space<hbm>>) target(%arg9 : memref<80xi32, #tpu.memory_space<vmem>>) target_semaphore(%run_scoped3A : memref<!tpu.dma_semaphore, #tpu.memory_space<semaphore_mem>>)
        %dma_wait3A_56 = tpu.memref_slice %arg4[%add3A_41] : memref<320000xi32, #tpu.memory_space<hbm>> -> memref<80xi32, #tpu.memory_space<hbm>>
        %dma_wait3A_57 = tpu.memref_slice %arg4[%add3A_41] : memref<320000xi32, #tpu.memory_space<hbm>> -> memref<80xi32, #tpu.memory_space<hbm>>
        tpu.wait_dma2 semaphore(%run_scoped3A : memref<!tpu.dma_semaphore, #tpu.memory_space<semaphore_mem>>) src(%dma_wait3A_57 : memref<80xi32, #tpu.memory_space<hbm>>) dst(%arg9 : memref<80xi32, #tpu.memory_space<vmem>>)
        tpu.yield
      }) : () -> ()
      %dma_start3A_42 = arith.constant 0 : i32
      %dma_start3A_43 = arith.constant 0 : i32
      %dma_start3A_44 = tpu.memref_slice %arg2[%dma_start3A_42, %dma_start3A_43] : memref<10000x128xi32, #tpu.memory_space<hbm>> -> memref<10000x128xi32, #tpu.memory_space<hbm>>
      tpu.enqueue_indirect_dma source(%dma_start3A_44 : memref<10000x128xi32, #tpu.memory_space<hbm>>) target(%arg12 : memref<80x128xi32, #tpu.memory_space<vmem>>) offsets(%arg8 : memref<80xi32, #tpu.memory_space<vmem>>) semaphore(%arg16 : memref<!tpu.dma_semaphore, #tpu.memory_space<semaphore_mem>>)
      %dma_start3A_45 = arith.constant 0 : i32
      %dma_start3A_46 = arith.constant 0 : i32
      %dma_start3A_47 = tpu.memref_slice %arg3[%dma_start3A_45, %dma_start3A_46] : memref<10000x128xi32, #tpu.memory_space<hbm>> -> memref<10000x128xi32, #tpu.memory_space<hbm>>
      tpu.enqueue_indirect_dma source(%dma_start3A_47 : memref<10000x128xi32, #tpu.memory_space<hbm>>) target(%arg13 : memref<80x128xi32, #tpu.memory_space<vmem>>) offsets(%arg9 : memref<80xi32, #tpu.memory_space<vmem>>) semaphore(%arg17 : memref<!tpu.dma_semaphore, #tpu.memory_space<semaphore_mem>>)
      %dma_wait3A_48 = arith.constant 0 : i32
      %dma_wait3A_49 = arith.constant 0 : i32
      %dma_wait3A_50 = tpu.memref_slice %arg2[%dma_wait3A_48, %dma_wait3A_49] : memref<10000x128xi32, #tpu.memory_space<hbm>> -> memref<10000x128xi32, #tpu.memory_space<hbm>>
      tpu.wait_indirect_dma semaphore(%arg18 : memref<!tpu.dma_semaphore, #tpu.memory_space<semaphore_mem>>) src(%dma_wait3A_50 : memref<10000x128xi32, #tpu.memory_space<hbm>>) dst(%arg14 : memref<80x128xi32, #tpu.memory_space<vmem>>)
      %dma_wait3A_51 = arith.constant 0 : i32
      %dma_wait3A_52 = arith.constant 0 : i32
      %dma_wait3A_53 = tpu.memref_slice %arg3[%dma_wait3A_51, %dma_wait3A_52] : memref<10000x128xi32, #tpu.memory_space<hbm>> -> memref<10000x128xi32, #tpu.memory_space<hbm>>
      tpu.wait_indirect_dma semaphore(%arg19 : memref<!tpu.dma_semaphore, #tpu.memory_space<semaphore_mem>>) src(%dma_wait3A_53 : memref<10000x128xi32, #tpu.memory_space<hbm>>) dst(%arg15 : memref<80x128xi32, #tpu.memory_space<vmem>>)
      "tpu.region"() ({
        %run_scoped3A = tpu.sem_alloc : memref<!tpu.dma_semaphore, #tpu.memory_space<semaphore_mem>>
        %dma_start3A_54 = arith.constant 0 : i32
        %dma_start3A_55 = tpu.memref_slice %arg6[%add3A_27, %dma_start3A_54] : memref<320000x128xi32, #tpu.memory_space<hbm>> -> memref<80x128xi32, #tpu.memory_space<hbm>>
        %dma_start3A_56 = arith.constant 0 : i32
        %dma_start3A_57 = tpu.memref_slice %arg6[%add3A_27, %dma_start3A_56] : memref<320000x128xi32, #tpu.memory_space<hbm>> -> memref<80x128xi32, #tpu.memory_space<hbm>>
        tpu.enqueue_dma source(%arg14 : memref<80x128xi32, #tpu.memory_space<vmem>>) target(%dma_start3A_57 : memref<80x128xi32, #tpu.memory_space<hbm>>) target_semaphore(%run_scoped3A : memref<!tpu.dma_semaphore, #tpu.memory_space<semaphore_mem>>)
        %dma_wait3A_58 = arith.constant 0 : i32
        %dma_wait3A_59 = tpu.memref_slice %arg6[%add3A_27, %dma_wait3A_58] : memref<320000x128xi32, #tpu.memory_space<hbm>> -> memref<80x128xi32, #tpu.memory_space<hbm>>
        %dma_wait3A_60 = arith.constant 0 : i32
        %dma_wait3A_61 = tpu.memref_slice %arg6[%add3A_27, %dma_wait3A_60] : memref<320000x128xi32, #tpu.memory_space<hbm>> -> memref<80x128xi32, #tpu.memory_space<hbm>>
        tpu.wait_dma2 semaphore(%run_scoped3A : memref<!tpu.dma_semaphore, #tpu.memory_space<semaphore_mem>>) src(%arg14 : memref<80x128xi32, #tpu.memory_space<vmem>>) dst(%dma_wait3A_61 : memref<80x128xi32, #tpu.memory_space<hbm>>)
        tpu.yield
      }) : () -> ()
      "tpu.region"() ({
        %run_scoped3A = tpu.sem_alloc : memref<!tpu.dma_semaphore, #tpu.memory_space<semaphore_mem>>
        %dma_start3A_54 = arith.constant 0 : i32
        %dma_start3A_55 = tpu.memref_slice %arg7[%add3A_27, %dma_start3A_54] : memref<320000x128xi32, #tpu.memory_space<hbm>> -> memref<80x128xi32, #tpu.memory_space<hbm>>
        %dma_start3A_56 = arith.constant 0 : i32
        %dma_start3A_57 = tpu.memref_slice %arg7[%add3A_27, %dma_start3A_56] : memref<320000x128xi32, #tpu.memory_space<hbm>> -> memref<80x128xi32, #tpu.memory_space<hbm>>
        tpu.enqueue_dma source(%arg15 : memref<80x128xi32, #tpu.memory_space<vmem>>) target(%dma_start3A_57 : memref<80x128xi32, #tpu.memory_space<hbm>>) target_semaphore(%run_scoped3A : memref<!tpu.dma_semaphore, #tpu.memory_space<semaphore_mem>>)
        %dma_wait3A_58 = arith.constant 0 : i32
        %dma_wait3A_59 = tpu.memref_slice %arg7[%add3A_27, %dma_wait3A_58] : memref<320000x128xi32, #tpu.memory_space<hbm>> -> memref<80x128xi32, #tpu.memory_space<hbm>>
        %dma_wait3A_60 = arith.constant 0 : i32
        %dma_wait3A_61 = tpu.memref_slice %arg7[%add3A_27, %dma_wait3A_60] : memref<320000x128xi32, #tpu.memory_space<hbm>> -> memref<80x128xi32, #tpu.memory_space<hbm>>
        tpu.wait_dma2 semaphore(%run_scoped3A : memref<!tpu.dma_semaphore, #tpu.memory_space<semaphore_mem>>) src(%arg15 : memref<80x128xi32, #tpu.memory_space<vmem>>) dst(%dma_wait3A_61 : memref<80x128xi32, #tpu.memory_space<hbm>>)
        tpu.yield
      }) : () -> ()
    }
    %scan3A_12 = arith.constant 62 : i32
    %dma_wait3A = arith.constant 0 : i32
    %dma_wait3A_13 = arith.constant 0 : i32
    %dma_wait3A_14 = tpu.memref_slice %arg2[%dma_wait3A, %dma_wait3A_13] : memref<10000x128xi32, #tpu.memory_space<hbm>> -> memref<10000x128xi32, #tpu.memory_space<hbm>>
    tpu.wait_indirect_dma semaphore(%arg16 : memref<!tpu.dma_semaphore, #tpu.memory_space<semaphore_mem>>) src(%dma_wait3A_14 : memref<10000x128xi32, #tpu.memory_space<hbm>>) dst(%arg12 : memref<80x128xi32, #tpu.memory_space<vmem>>)
    %dma_wait3A_15 = arith.constant 0 : i32
    %dma_wait3A_16 = arith.constant 0 : i32
    %dma_wait3A_17 = tpu.memref_slice %arg3[%dma_wait3A_15, %dma_wait3A_16] : memref<10000x128xi32, #tpu.memory_space<hbm>> -> memref<10000x128xi32, #tpu.memory_space<hbm>>
    tpu.wait_indirect_dma semaphore(%arg17 : memref<!tpu.dma_semaphore, #tpu.memory_space<semaphore_mem>>) src(%dma_wait3A_17 : memref<10000x128xi32, #tpu.memory_space<hbm>>) dst(%arg13 : memref<80x128xi32, #tpu.memory_space<vmem>>)
    %add3A_18 = arith.constant 9920 : i32
    %add3A_19 = arith.addi %mul3A_2, %add3A_18 : i32
    "tpu.region"() ({
      %run_scoped3A = tpu.sem_alloc : memref<!tpu.dma_semaphore, #tpu.memory_space<semaphore_mem>>
      %dma_start3A_20 = arith.constant 0 : i32
      %dma_start3A_21 = tpu.memref_slice %arg6[%add3A_19, %dma_start3A_20] : memref<320000x128xi32, #tpu.memory_space<hbm>> -> memref<80x128xi32, #tpu.memory_space<hbm>>
      %dma_start3A_22 = arith.constant 0 : i32
      %dma_start3A_23 = tpu.memref_slice %arg6[%add3A_19, %dma_start3A_22] : memref<320000x128xi32, #tpu.memory_space<hbm>> -> memref<80x128xi32, #tpu.memory_space<hbm>>
      tpu.enqueue_dma source(%arg12 : memref<80x128xi32, #tpu.memory_space<vmem>>) target(%dma_start3A_23 : memref<80x128xi32, #tpu.memory_space<hbm>>) target_semaphore(%run_scoped3A : memref<!tpu.dma_semaphore, #tpu.memory_space<semaphore_mem>>)
      %dma_wait3A_24 = arith.constant 0 : i32
      %dma_wait3A_25 = tpu.memref_slice %arg6[%add3A_19, %dma_wait3A_24] : memref<320000x128xi32, #tpu.memory_space<hbm>> -> memref<80x128xi32, #tpu.memory_space<hbm>>
      %dma_wait3A_26 = arith.constant 0 : i32
      %dma_wait3A_27 = tpu.memref_slice %arg6[%add3A_19, %dma_wait3A_26] : memref<320000x128xi32, #tpu.memory_space<hbm>> -> memref<80x128xi32, #tpu.memory_space<hbm>>
      tpu.wait_dma2 semaphore(%run_scoped3A : memref<!tpu.dma_semaphore, #tpu.memory_space<semaphore_mem>>) src(%arg12 : memref<80x128xi32, #tpu.memory_space<vmem>>) dst(%dma_wait3A_27 : memref<80x128xi32, #tpu.memory_space<hbm>>)
      tpu.yield
    }) : () -> ()
    "tpu.region"() ({
      %run_scoped3A = tpu.sem_alloc : memref<!tpu.dma_semaphore, #tpu.memory_space<semaphore_mem>>
      %dma_start3A_20 = arith.constant 0 : i32
      %dma_start3A_21 = tpu.memref_slice %arg7[%add3A_19, %dma_start3A_20] : memref<320000x128xi32, #tpu.memory_space<hbm>> -> memref<80x128xi32, #tpu.memory_space<hbm>>
      %dma_start3A_22 = arith.constant 0 : i32
      %dma_start3A_23 = tpu.memref_slice %arg7[%add3A_19, %dma_start3A_22] : memref<320000x128xi32, #tpu.memory_space<hbm>> -> memref<80x128xi32, #tpu.memory_space<hbm>>
      tpu.enqueue_dma source(%arg13 : memref<80x128xi32, #tpu.memory_space<vmem>>) target(%dma_start3A_23 : memref<80x128xi32, #tpu.memory_space<hbm>>) target_semaphore(%run_scoped3A : memref<!tpu.dma_semaphore, #tpu.memory_space<semaphore_mem>>)
      %dma_wait3A_24 = arith.constant 0 : i32
      %dma_wait3A_25 = tpu.memref_slice %arg7[%add3A_19, %dma_wait3A_24] : memref<320000x128xi32, #tpu.memory_space<hbm>> -> memref<80x128xi32, #tpu.memory_space<hbm>>
      %dma_wait3A_26 = arith.constant 0 : i32
      %dma_wait3A_27 = tpu.memref_slice %arg7[%add3A_19, %dma_wait3A_26] : memref<320000x128xi32, #tpu.memory_space<hbm>> -> memref<80x128xi32, #tpu.memory_space<hbm>>
      tpu.wait_dma2 semaphore(%run_scoped3A : memref<!tpu.dma_semaphore, #tpu.memory_space<semaphore_mem>>) src(%arg13 : memref<80x128xi32, #tpu.memory_space<vmem>>) dst(%dma_wait3A_27 : memref<80x128xi32, #tpu.memory_space<hbm>>)
      tpu.yield
    }) : () -> ()
    return
  }
}

#map = affine_map<(d0, d1) -> (0, 0)>
#map1 = affine_map<(d0, d1) -> (0)>
module attributes {stable_mosaic.version = 14 : i64} {
  func.func @_sc_scatter(%arg0: i32, %arg1: i32, %arg2: memref<320000x128xf32, #tpu.memory_space<hbm>>, %arg3: memref<320000xi32, #tpu.memory_space<hbm>>, %arg4: memref<10240x128xf32, #tpu.memory_space<hbm>>, %arg5: memref<10240x128xf32, #tpu.memory_space<hbm>>, %arg6: memref<10240x128xf32, #tpu.memory_space<hbm>>, %arg7: memref<80xi32, #tpu.memory_space<vmem>>, %arg8: memref<80xi32, #tpu.memory_space<vmem>>, %arg9: memref<80x128xf32, #tpu.memory_space<vmem>>, %arg10: memref<80x128xf32, #tpu.memory_space<vmem>>, %arg11: memref<10240x128xf32, #tpu.memory_space<vmem_shared>>, %arg12: memref<!tpu.dma_semaphore, #tpu.memory_space<semaphore_mem>>, %arg13: memref<!tpu.dma_semaphore, #tpu.memory_space<semaphore_mem>>) attributes {dimension_semantics = [#tpu.dimension_semantics<core_parallel>, #tpu.dimension_semantics<subcore_parallel>], iteration_bounds = array<i64: 2, 16>, scalar_prefetch = 0 : i64, scratch_operands = 7 : i64, tpu.core_type = #tpu.core_type<sc_vector_subcore>, window_params = [{transform_indices = #map}, {transform_indices = #map1}, {transform_indices = #map}, {transform_indices = #map}, {transform_indices = #map}]} {
    %mul3A = arith.constant 640 : i32
    %mul3A_0 = arith.muli %arg1, %mul3A : i32
    %mul3A_1 = arith.constant 16 : i32
    %mul3A_2 = arith.muli %arg0, %mul3A_1 : i32
    %add3A = arith.addi %mul3A_2, %arg1 : i32
    %mul3A_3 = arith.constant 10000 : i32
    %mul3A_4 = arith.muli %add3A, %mul3A_3 : i32
    "tpu.region"() ({
      %run_scoped3A = tpu.sem_alloc : memref<!tpu.dma_semaphore, #tpu.memory_space<semaphore_mem>>
      %dma_start3A_22 = arith.constant 0 : i32
      %dma_start3A_23 = tpu.memref_slice %arg11[%mul3A_0, %dma_start3A_22] : memref<10240x128xf32, #tpu.memory_space<vmem_shared>> -> memref<640x128xf32, #tpu.memory_space<vmem_shared>>
      %dma_start3A_24 = arith.constant 0 : i32
      %dma_start3A_25 = tpu.memref_slice %arg4[%mul3A_0, %dma_start3A_24] : memref<10240x128xf32, #tpu.memory_space<hbm>> -> memref<640x128xf32, #tpu.memory_space<hbm>>
      tpu.enqueue_dma source(%dma_start3A_25 : memref<640x128xf32, #tpu.memory_space<hbm>>) target(%dma_start3A_23 : memref<640x128xf32, #tpu.memory_space<vmem_shared>>) target_semaphore(%run_scoped3A : memref<!tpu.dma_semaphore, #tpu.memory_space<semaphore_mem>>)
      %dma_wait3A_26 = arith.constant 0 : i32
      %dma_wait3A_27 = tpu.memref_slice %arg11[%mul3A_0, %dma_wait3A_26] : memref<10240x128xf32, #tpu.memory_space<vmem_shared>> -> memref<640x128xf32, #tpu.memory_space<vmem_shared>>
      %dma_wait3A_28 = arith.constant 0 : i32
      %dma_wait3A_29 = tpu.memref_slice %arg4[%mul3A_0, %dma_wait3A_28] : memref<10240x128xf32, #tpu.memory_space<hbm>> -> memref<640x128xf32, #tpu.memory_space<hbm>>
      tpu.wait_dma2 semaphore(%run_scoped3A : memref<!tpu.dma_semaphore, #tpu.memory_space<semaphore_mem>>) src(%dma_wait3A_29 : memref<640x128xf32, #tpu.memory_space<hbm>>) dst(%dma_wait3A_27 : memref<640x128xf32, #tpu.memory_space<vmem_shared>>)
      tpu.yield
    }) : () -> ()
    %barrier3A = arith.constant 0 : index
    tpu.barrier barrier_id(%barrier3A)
    "tpu.region"() ({
      %run_scoped3A = tpu.sem_alloc : memref<!tpu.dma_semaphore, #tpu.memory_space<semaphore_mem>>
      %dma_start3A_22 = tpu.memref_slice %arg3[%mul3A_4] : memref<320000xi32, #tpu.memory_space<hbm>> -> memref<80xi32, #tpu.memory_space<hbm>>
      %dma_start3A_23 = tpu.memref_slice %arg3[%mul3A_4] : memref<320000xi32, #tpu.memory_space<hbm>> -> memref<80xi32, #tpu.memory_space<hbm>>
      tpu.enqueue_dma source(%dma_start3A_23 : memref<80xi32, #tpu.memory_space<hbm>>) target(%arg7 : memref<80xi32, #tpu.memory_space<vmem>>) target_semaphore(%run_scoped3A : memref<!tpu.dma_semaphore, #tpu.memory_space<semaphore_mem>>)
      %dma_wait3A_24 = tpu.memref_slice %arg3[%mul3A_4] : memref<320000xi32, #tpu.memory_space<hbm>> -> memref<80xi32, #tpu.memory_space<hbm>>
      %dma_wait3A_25 = tpu.memref_slice %arg3[%mul3A_4] : memref<320000xi32, #tpu.memory_space<hbm>> -> memref<80xi32, #tpu.memory_space<hbm>>
      tpu.wait_dma2 semaphore(%run_scoped3A : memref<!tpu.dma_semaphore, #tpu.memory_space<semaphore_mem>>) src(%dma_wait3A_25 : memref<80xi32, #tpu.memory_space<hbm>>) dst(%arg7 : memref<80xi32, #tpu.memory_space<vmem>>)
      tpu.yield
    }) : () -> ()
    "tpu.region"() ({
      %run_scoped3A = tpu.sem_alloc : memref<!tpu.dma_semaphore, #tpu.memory_space<semaphore_mem>>
      %dma_start3A_22 = arith.constant 0 : i32
      %dma_start3A_23 = tpu.memref_slice %arg2[%mul3A_4, %dma_start3A_22] : memref<320000x128xf32, #tpu.memory_space<hbm>> -> memref<80x128xf32, #tpu.memory_space<hbm>>
      %dma_start3A_24 = arith.constant 0 : i32
      %dma_start3A_25 = tpu.memref_slice %arg2[%mul3A_4, %dma_start3A_24] : memref<320000x128xf32, #tpu.memory_space<hbm>> -> memref<80x128xf32, #tpu.memory_space<hbm>>
      tpu.enqueue_dma source(%dma_start3A_25 : memref<80x128xf32, #tpu.memory_space<hbm>>) target(%arg9 : memref<80x128xf32, #tpu.memory_space<vmem>>) target_semaphore(%run_scoped3A : memref<!tpu.dma_semaphore, #tpu.memory_space<semaphore_mem>>)
      %dma_wait3A_26 = arith.constant 0 : i32
      %dma_wait3A_27 = tpu.memref_slice %arg2[%mul3A_4, %dma_wait3A_26] : memref<320000x128xf32, #tpu.memory_space<hbm>> -> memref<80x128xf32, #tpu.memory_space<hbm>>
      %dma_wait3A_28 = arith.constant 0 : i32
      %dma_wait3A_29 = tpu.memref_slice %arg2[%mul3A_4, %dma_wait3A_28] : memref<320000x128xf32, #tpu.memory_space<hbm>> -> memref<80x128xf32, #tpu.memory_space<hbm>>
      tpu.wait_dma2 semaphore(%run_scoped3A : memref<!tpu.dma_semaphore, #tpu.memory_space<semaphore_mem>>) src(%dma_wait3A_29 : memref<80x128xf32, #tpu.memory_space<hbm>>) dst(%arg9 : memref<80x128xf32, #tpu.memory_space<vmem>>)
      tpu.yield
    }) : () -> ()
    %scan3A = arith.constant 0 : i32
    %scan3A_5 = arith.constant 0 : i32
    %scan3A_6 = arith.constant 62 : i32
    %scan3A_7 = arith.addi %scan3A_5, %scan3A_6 : i32
    %scan3A_8 = arith.constant 1 : i32
    scf.for %scan3A_22 = %scan3A_5 to %scan3A_7 step %scan3A_8  : i32 {
      %mul3A_23 = arith.constant 2 : i32
      %mul3A_24 = arith.muli %mul3A_23, %scan3A_22 : i32
      %add3A_25 = arith.constant 1 : i32
      %add3A_26 = arith.addi %mul3A_24, %add3A_25 : i32
      %mul3A_27 = arith.constant 80 : i32
      %mul3A_28 = arith.muli %add3A_26, %mul3A_27 : i32
      %add3A_29 = arith.addi %mul3A_4, %mul3A_28 : i32
      %dma_start3A_30 = arith.constant 0 : i32
      %dma_start3A_31 = arith.constant 0 : i32
      %dma_start3A_32 = tpu.memref_slice %arg11[%dma_start3A_30, %dma_start3A_31] : memref<10240x128xf32, #tpu.memory_space<vmem_shared>> -> memref<10240x128xf32, #tpu.memory_space<vmem_shared>>
      tpu.enqueue_indirect_dma source(%arg9 : memref<80x128xf32, #tpu.memory_space<vmem>>) target(%dma_start3A_32 : memref<10240x128xf32, #tpu.memory_space<vmem_shared>>) offsets(%arg7 : memref<80xi32, #tpu.memory_space<vmem>>) semaphore(%arg12 : memref<!tpu.dma_semaphore, #tpu.memory_space<semaphore_mem>>) {add = true}
      "tpu.region"() ({
        %run_scoped3A = tpu.sem_alloc : memref<!tpu.dma_semaphore, #tpu.memory_space<semaphore_mem>>
        %dma_start3A_44 = tpu.memref_slice %arg3[%add3A_29] : memref<320000xi32, #tpu.memory_space<hbm>> -> memref<80xi32, #tpu.memory_space<hbm>>
        %dma_start3A_45 = tpu.memref_slice %arg3[%add3A_29] : memref<320000xi32, #tpu.memory_space<hbm>> -> memref<80xi32, #tpu.memory_space<hbm>>
        tpu.enqueue_dma source(%dma_start3A_45 : memref<80xi32, #tpu.memory_space<hbm>>) target(%arg8 : memref<80xi32, #tpu.memory_space<vmem>>) target_semaphore(%run_scoped3A : memref<!tpu.dma_semaphore, #tpu.memory_space<semaphore_mem>>)
        %dma_wait3A_46 = tpu.memref_slice %arg3[%add3A_29] : memref<320000xi32, #tpu.memory_space<hbm>> -> memref<80xi32, #tpu.memory_space<hbm>>
        %dma_wait3A_47 = tpu.memref_slice %arg3[%add3A_29] : memref<320000xi32, #tpu.memory_space<hbm>> -> memref<80xi32, #tpu.memory_space<hbm>>
        tpu.wait_dma2 semaphore(%run_scoped3A : memref<!tpu.dma_semaphore, #tpu.memory_space<semaphore_mem>>) src(%dma_wait3A_47 : memref<80xi32, #tpu.memory_space<hbm>>) dst(%arg8 : memref<80xi32, #tpu.memory_space<vmem>>)
        tpu.yield
      }) : () -> ()
      "tpu.region"() ({
        %run_scoped3A = tpu.sem_alloc : memref<!tpu.dma_semaphore, #tpu.memory_space<semaphore_mem>>
        %dma_start3A_44 = arith.constant 0 : i32
        %dma_start3A_45 = tpu.memref_slice %arg2[%add3A_29, %dma_start3A_44] : memref<320000x128xf32, #tpu.memory_space<hbm>> -> memref<80x128xf32, #tpu.memory_space<hbm>>
        %dma_start3A_46 = arith.constant 0 : i32
        %dma_start3A_47 = tpu.memref_slice %arg2[%add3A_29, %dma_start3A_46] : memref<320000x128xf32, #tpu.memory_space<hbm>> -> memref<80x128xf32, #tpu.memory_space<hbm>>
        tpu.enqueue_dma source(%dma_start3A_47 : memref<80x128xf32, #tpu.memory_space<hbm>>) target(%arg10 : memref<80x128xf32, #tpu.memory_space<vmem>>) target_semaphore(%run_scoped3A : memref<!tpu.dma_semaphore, #tpu.memory_space<semaphore_mem>>)
        %dma_wait3A_48 = arith.constant 0 : i32
        %dma_wait3A_49 = tpu.memref_slice %arg2[%add3A_29, %dma_wait3A_48] : memref<320000x128xf32, #tpu.memory_space<hbm>> -> memref<80x128xf32, #tpu.memory_space<hbm>>
        %dma_wait3A_50 = arith.constant 0 : i32
        %dma_wait3A_51 = tpu.memref_slice %arg2[%add3A_29, %dma_wait3A_50] : memref<320000x128xf32, #tpu.memory_space<hbm>> -> memref<80x128xf32, #tpu.memory_space<hbm>>
        tpu.wait_dma2 semaphore(%run_scoped3A : memref<!tpu.dma_semaphore, #tpu.memory_space<semaphore_mem>>) src(%dma_wait3A_51 : memref<80x128xf32, #tpu.memory_space<hbm>>) dst(%arg10 : memref<80x128xf32, #tpu.memory_space<vmem>>)
        tpu.yield
      }) : () -> ()
      %dma_wait3A_33 = arith.constant 0 : i32
      %dma_wait3A_34 = arith.constant 0 : i32
      %dma_wait3A_35 = tpu.memref_slice %arg11[%dma_wait3A_33, %dma_wait3A_34] : memref<10240x128xf32, #tpu.memory_space<vmem_shared>> -> memref<10240x128xf32, #tpu.memory_space<vmem_shared>>
      tpu.wait_indirect_dma semaphore(%arg12 : memref<!tpu.dma_semaphore, #tpu.memory_space<semaphore_mem>>) src(%arg9 : memref<80x128xf32, #tpu.memory_space<vmem>>) dst(%dma_wait3A_35 : memref<10240x128xf32, #tpu.memory_space<vmem_shared>>)
      %dma_start3A_36 = arith.constant 0 : i32
      %dma_start3A_37 = arith.constant 0 : i32
      %dma_start3A_38 = tpu.memref_slice %arg11[%dma_start3A_36, %dma_start3A_37] : memref<10240x128xf32, #tpu.memory_space<vmem_shared>> -> memref<10240x128xf32, #tpu.memory_space<vmem_shared>>
      tpu.enqueue_indirect_dma source(%arg10 : memref<80x128xf32, #tpu.memory_space<vmem>>) target(%dma_start3A_38 : memref<10240x128xf32, #tpu.memory_space<vmem_shared>>) offsets(%arg8 : memref<80xi32, #tpu.memory_space<vmem>>) semaphore(%arg13 : memref<!tpu.dma_semaphore, #tpu.memory_space<semaphore_mem>>) {add = true}
      %add3A_39 = arith.constant 80 : i32
      %add3A_40 = arith.addi %add3A_29, %add3A_39 : i32
      "tpu.region"() ({
        %run_scoped3A = tpu.sem_alloc : memref<!tpu.dma_semaphore, #tpu.memory_space<semaphore_mem>>
        %dma_start3A_44 = tpu.memref_slice %arg3[%add3A_40] : memref<320000xi32, #tpu.memory_space<hbm>> -> memref<80xi32, #tpu.memory_space<hbm>>
        %dma_start3A_45 = tpu.memref_slice %arg3[%add3A_40] : memref<320000xi32, #tpu.memory_space<hbm>> -> memref<80xi32, #tpu.memory_space<hbm>>
        tpu.enqueue_dma source(%dma_start3A_45 : memref<80xi32, #tpu.memory_space<hbm>>) target(%arg7 : memref<80xi32, #tpu.memory_space<vmem>>) target_semaphore(%run_scoped3A : memref<!tpu.dma_semaphore, #tpu.memory_space<semaphore_mem>>)
        %dma_wait3A_46 = tpu.memref_slice %arg3[%add3A_40] : memref<320000xi32, #tpu.memory_space<hbm>> -> memref<80xi32, #tpu.memory_space<hbm>>
        %dma_wait3A_47 = tpu.memref_slice %arg3[%add3A_40] : memref<320000xi32, #tpu.memory_space<hbm>> -> memref<80xi32, #tpu.memory_space<hbm>>
        tpu.wait_dma2 semaphore(%run_scoped3A : memref<!tpu.dma_semaphore, #tpu.memory_space<semaphore_mem>>) src(%dma_wait3A_47 : memref<80xi32, #tpu.memory_space<hbm>>) dst(%arg7 : memref<80xi32, #tpu.memory_space<vmem>>)
        tpu.yield
      }) : () -> ()
      "tpu.region"() ({
        %run_scoped3A = tpu.sem_alloc : memref<!tpu.dma_semaphore, #tpu.memory_space<semaphore_mem>>
        %dma_start3A_44 = arith.constant 0 : i32
        %dma_start3A_45 = tpu.memref_slice %arg2[%add3A_40, %dma_start3A_44] : memref<320000x128xf32, #tpu.memory_space<hbm>> -> memref<80x128xf32, #tpu.memory_space<hbm>>
        %dma_start3A_46 = arith.constant 0 : i32
        %dma_start3A_47 = tpu.memref_slice %arg2[%add3A_40, %dma_start3A_46] : memref<320000x128xf32, #tpu.memory_space<hbm>> -> memref<80x128xf32, #tpu.memory_space<hbm>>
        tpu.enqueue_dma source(%dma_start3A_47 : memref<80x128xf32, #tpu.memory_space<hbm>>) target(%arg9 : memref<80x128xf32, #tpu.memory_space<vmem>>) target_semaphore(%run_scoped3A : memref<!tpu.dma_semaphore, #tpu.memory_space<semaphore_mem>>)
        %dma_wait3A_48 = arith.constant 0 : i32
        %dma_wait3A_49 = tpu.memref_slice %arg2[%add3A_40, %dma_wait3A_48] : memref<320000x128xf32, #tpu.memory_space<hbm>> -> memref<80x128xf32, #tpu.memory_space<hbm>>
        %dma_wait3A_50 = arith.constant 0 : i32
        %dma_wait3A_51 = tpu.memref_slice %arg2[%add3A_40, %dma_wait3A_50] : memref<320000x128xf32, #tpu.memory_space<hbm>> -> memref<80x128xf32, #tpu.memory_space<hbm>>
        tpu.wait_dma2 semaphore(%run_scoped3A : memref<!tpu.dma_semaphore, #tpu.memory_space<semaphore_mem>>) src(%dma_wait3A_51 : memref<80x128xf32, #tpu.memory_space<hbm>>) dst(%arg9 : memref<80x128xf32, #tpu.memory_space<vmem>>)
        tpu.yield
      }) : () -> ()
      %dma_wait3A_41 = arith.constant 0 : i32
      %dma_wait3A_42 = arith.constant 0 : i32
      %dma_wait3A_43 = tpu.memref_slice %arg11[%dma_wait3A_41, %dma_wait3A_42] : memref<10240x128xf32, #tpu.memory_space<vmem_shared>> -> memref<10240x128xf32, #tpu.memory_space<vmem_shared>>
      tpu.wait_indirect_dma semaphore(%arg13 : memref<!tpu.dma_semaphore, #tpu.memory_space<semaphore_mem>>) src(%arg10 : memref<80x128xf32, #tpu.memory_space<vmem>>) dst(%dma_wait3A_43 : memref<10240x128xf32, #tpu.memory_space<vmem_shared>>)
    }
    %scan3A_9 = arith.constant 62 : i32
    %dma_start3A = arith.constant 0 : i32
    %dma_start3A_10 = arith.constant 0 : i32
    %dma_start3A_11 = tpu.memref_slice %arg11[%dma_start3A, %dma_start3A_10] : memref<10240x128xf32, #tpu.memory_space<vmem_shared>> -> memref<10240x128xf32, #tpu.memory_space<vmem_shared>>
    tpu.enqueue_indirect_dma source(%arg9 : memref<80x128xf32, #tpu.memory_space<vmem>>) target(%dma_start3A_11 : memref<10240x128xf32, #tpu.memory_space<vmem_shared>>) offsets(%arg7 : memref<80xi32, #tpu.memory_space<vmem>>) semaphore(%arg12 : memref<!tpu.dma_semaphore, #tpu.memory_space<semaphore_mem>>) {add = true}
    %dma_wait3A = arith.constant 0 : i32
    %dma_wait3A_12 = arith.constant 0 : i32
    %dma_wait3A_13 = tpu.memref_slice %arg11[%dma_wait3A, %dma_wait3A_12] : memref<10240x128xf32, #tpu.memory_space<vmem_shared>> -> memref<10240x128xf32, #tpu.memory_space<vmem_shared>>
    tpu.wait_indirect_dma semaphore(%arg12 : memref<!tpu.dma_semaphore, #tpu.memory_space<semaphore_mem>>) src(%arg9 : memref<80x128xf32, #tpu.memory_space<vmem>>) dst(%dma_wait3A_13 : memref<10240x128xf32, #tpu.memory_space<vmem_shared>>)
    %barrier3A_14 = arith.constant 0 : index
    tpu.barrier barrier_id(%barrier3A_14)
    %eq3A = arith.constant 0 : i32
    %eq3A_15 = arith.cmpi eq, %arg0, %eq3A : i32
    %convert_element_type3A = arith.extui %eq3A_15 : i1 to i32
    %cond3A = arith.constant 0 : i32
    %cond3A_16 = arith.cmpi ne, %convert_element_type3A, %cond3A : i32
    scf.if %cond3A_16 {
      "tpu.region"() ({
        %run_scoped3A = tpu.sem_alloc : memref<!tpu.dma_semaphore, #tpu.memory_space<semaphore_mem>>
        %dma_start3A_22 = arith.constant 0 : i32
        %dma_start3A_23 = tpu.memref_slice %arg5[%mul3A_0, %dma_start3A_22] : memref<10240x128xf32, #tpu.memory_space<hbm>> -> memref<640x128xf32, #tpu.memory_space<hbm>>
        %dma_start3A_24 = arith.constant 0 : i32
        %dma_start3A_25 = tpu.memref_slice %arg11[%mul3A_0, %dma_start3A_24] : memref<10240x128xf32, #tpu.memory_space<vmem_shared>> -> memref<640x128xf32, #tpu.memory_space<vmem_shared>>
        tpu.enqueue_dma source(%dma_start3A_25 : memref<640x128xf32, #tpu.memory_space<vmem_shared>>) target(%dma_start3A_23 : memref<640x128xf32, #tpu.memory_space<hbm>>) target_semaphore(%run_scoped3A : memref<!tpu.dma_semaphore, #tpu.memory_space<semaphore_mem>>)
        %dma_wait3A_26 = arith.constant 0 : i32
        %dma_wait3A_27 = tpu.memref_slice %arg5[%mul3A_0, %dma_wait3A_26] : memref<10240x128xf32, #tpu.memory_space<hbm>> -> memref<640x128xf32, #tpu.memory_space<hbm>>
        %dma_wait3A_28 = arith.constant 0 : i32
        %dma_wait3A_29 = tpu.memref_slice %arg11[%mul3A_0, %dma_wait3A_28] : memref<10240x128xf32, #tpu.memory_space<vmem_shared>> -> memref<640x128xf32, #tpu.memory_space<vmem_shared>>
        tpu.wait_dma2 semaphore(%run_scoped3A : memref<!tpu.dma_semaphore, #tpu.memory_space<semaphore_mem>>) src(%dma_wait3A_29 : memref<640x128xf32, #tpu.memory_space<vmem_shared>>) dst(%dma_wait3A_27 : memref<640x128xf32, #tpu.memory_space<hbm>>)
        tpu.yield
      }) : () -> ()
    } else {
    }
    %eq3A_17 = arith.constant 1 : i32
    %eq3A_18 = arith.cmpi eq, %arg0, %eq3A_17 : i32
    %convert_element_type3A_19 = arith.extui %eq3A_18 : i1 to i32
    %cond3A_20 = arith.constant 0 : i32
    %cond3A_21 = arith.cmpi ne, %convert_element_type3A_19, %cond3A_20 : i32
    scf.if %cond3A_21 {
      "tpu.region"() ({
        %run_scoped3A = tpu.sem_alloc : memref<!tpu.dma_semaphore, #tpu.memory_space<semaphore_mem>>
        %dma_start3A_22 = arith.constant 0 : i32
        %dma_start3A_23 = tpu.memref_slice %arg6[%mul3A_0, %dma_start3A_22] : memref<10240x128xf32, #tpu.memory_space<hbm>> -> memref<640x128xf32, #tpu.memory_space<hbm>>
        %dma_start3A_24 = arith.constant 0 : i32
        %dma_start3A_25 = tpu.memref_slice %arg11[%mul3A_0, %dma_start3A_24] : memref<10240x128xf32, #tpu.memory_space<vmem_shared>> -> memref<640x128xf32, #tpu.memory_space<vmem_shared>>
        tpu.enqueue_dma source(%dma_start3A_25 : memref<640x128xf32, #tpu.memory_space<vmem_shared>>) target(%dma_start3A_23 : memref<640x128xf32, #tpu.memory_space<hbm>>) target_semaphore(%run_scoped3A : memref<!tpu.dma_semaphore, #tpu.memory_space<semaphore_mem>>)
        %dma_wait3A_26 = arith.constant 0 : i32
        %dma_wait3A_27 = tpu.memref_slice %arg6[%mul3A_0, %dma_wait3A_26] : memref<10240x128xf32, #tpu.memory_space<hbm>> -> memref<640x128xf32, #tpu.memory_space<hbm>>
        %dma_wait3A_28 = arith.constant 0 : i32
        %dma_wait3A_29 = tpu.memref_slice %arg11[%mul3A_0, %dma_wait3A_28] : memref<10240x128xf32, #tpu.memory_space<vmem_shared>> -> memref<640x128xf32, #tpu.memory_space<vmem_shared>>
        tpu.wait_dma2 semaphore(%run_scoped3A : memref<!tpu.dma_semaphore, #tpu.memory_space<semaphore_mem>>) src(%dma_wait3A_29 : memref<640x128xf32, #tpu.memory_space<vmem_shared>>) dst(%dma_wait3A_27 : memref<640x128xf32, #tpu.memory_space<hbm>>)
        tpu.yield
      }) : () -> ()
    } else {
    }
    return
  }
}

#map = affine_map<(d0, d1) -> (0, 0)>
#map1 = affine_map<(d0, d1) -> (0)>
module attributes {stable_mosaic.version = 14 : i64} {
  func.func @_sc_gather(%arg0: i32, %arg1: i32, %arg2: memref<10000x128xi32, #tpu.memory_space<hbm>>, %arg3: memref<10000x128xi32, #tpu.memory_space<hbm>>, %arg4: memref<320000xi32, #tpu.memory_space<hbm>>, %arg5: memref<320000xi32, #tpu.memory_space<hbm>>, %arg6: memref<320000x128xi32, #tpu.memory_space<hbm>>, %arg7: memref<320000x128xi32, #tpu.memory_space<hbm>>, %arg8: memref<80xi32, #tpu.memory_space<vmem>>, %arg9: memref<80xi32, #tpu.memory_space<vmem>>, %arg10: memref<80xi32, #tpu.memory_space<vmem>>, %arg11: memref<80xi32, #tpu.memory_space<vmem>>, %arg12: memref<80x128xi32, #tpu.memory_space<vmem>>, %arg13: memref<80x128xi32, #tpu.memory_space<vmem>>, %arg14: memref<80x128xi32, #tpu.memory_space<vmem>>, %arg15: memref<80x128xi32, #tpu.memory_space<vmem>>, %arg16: memref<!tpu.dma_semaphore, #tpu.memory_space<semaphore_mem>>, %arg17: memref<!tpu.dma_semaphore, #tpu.memory_space<semaphore_mem>>, %arg18: memref<!tpu.dma_semaphore, #tpu.memory_space<semaphore_mem>>, %arg19: memref<!tpu.dma_semaphore, #tpu.memory_space<semaphore_mem>>) attributes {dimension_semantics = [#tpu.dimension_semantics<core_parallel>, #tpu.dimension_semantics<subcore_parallel>], iteration_bounds = array<i64: 2, 16>, scalar_prefetch = 0 : i64, scratch_operands = 12 : i64, tpu.core_type = #tpu.core_type<sc_vector_subcore>, window_params = [{transform_indices = #map}, {transform_indices = #map}, {transform_indices = #map1}, {transform_indices = #map1}, {transform_indices = #map}, {transform_indices = #map}]} {
    %mul3A = arith.constant 16 : i32
    %mul3A_0 = arith.muli %arg0, %mul3A : i32
    %add3A = arith.addi %mul3A_0, %arg1 : i32
    %mul3A_1 = arith.constant 10000 : i32
    %mul3A_2 = arith.muli %add3A, %mul3A_1 : i32
    "tpu.region"() ({
      %run_scoped3A = tpu.sem_alloc : memref<!tpu.dma_semaphore, #tpu.memory_space<semaphore_mem>>
      %dma_start3A_20 = tpu.memref_slice %arg5[%mul3A_2] : memref<320000xi32, #tpu.memory_space<hbm>> -> memref<80xi32, #tpu.memory_space<hbm>>
      %dma_start3A_21 = tpu.memref_slice %arg5[%mul3A_2] : memref<320000xi32, #tpu.memory_space<hbm>> -> memref<80xi32, #tpu.memory_space<hbm>>
      tpu.enqueue_dma source(%dma_start3A_21 : memref<80xi32, #tpu.memory_space<hbm>>) target(%arg8 : memref<80xi32, #tpu.memory_space<vmem>>) target_semaphore(%run_scoped3A : memref<!tpu.dma_semaphore, #tpu.memory_space<semaphore_mem>>)
      %dma_wait3A_22 = tpu.memref_slice %arg5[%mul3A_2] : memref<320000xi32, #tpu.memory_space<hbm>> -> memref<80xi32, #tpu.memory_space<hbm>>
      %dma_wait3A_23 = tpu.memref_slice %arg5[%mul3A_2] : memref<320000xi32, #tpu.memory_space<hbm>> -> memref<80xi32, #tpu.memory_space<hbm>>
      tpu.wait_dma2 semaphore(%run_scoped3A : memref<!tpu.dma_semaphore, #tpu.memory_space<semaphore_mem>>) src(%dma_wait3A_23 : memref<80xi32, #tpu.memory_space<hbm>>) dst(%arg8 : memref<80xi32, #tpu.memory_space<vmem>>)
      tpu.yield
    }) : () -> ()
    "tpu.region"() ({
      %run_scoped3A = tpu.sem_alloc : memref<!tpu.dma_semaphore, #tpu.memory_space<semaphore_mem>>
      %dma_start3A_20 = tpu.memref_slice %arg4[%mul3A_2] : memref<320000xi32, #tpu.memory_space<hbm>> -> memref<80xi32, #tpu.memory_space<hbm>>
      %dma_start3A_21 = tpu.memref_slice %arg4[%mul3A_2] : memref<320000xi32, #tpu.memory_space<hbm>> -> memref<80xi32, #tpu.memory_space<hbm>>
      tpu.enqueue_dma source(%dma_start3A_21 : memref<80xi32, #tpu.memory_space<hbm>>) target(%arg9 : memref<80xi32, #tpu.memory_space<vmem>>) target_semaphore(%run_scoped3A : memref<!tpu.dma_semaphore, #tpu.memory_space<semaphore_mem>>)
      %dma_wait3A_22 = tpu.memref_slice %arg4[%mul3A_2] : memref<320000xi32, #tpu.memory_space<hbm>> -> memref<80xi32, #tpu.memory_space<hbm>>
      %dma_wait3A_23 = tpu.memref_slice %arg4[%mul3A_2] : memref<320000xi32, #tpu.memory_space<hbm>> -> memref<80xi32, #tpu.memory_space<hbm>>
      tpu.wait_dma2 semaphore(%run_scoped3A : memref<!tpu.dma_semaphore, #tpu.memory_space<semaphore_mem>>) src(%dma_wait3A_23 : memref<80xi32, #tpu.memory_space<hbm>>) dst(%arg9 : memref<80xi32, #tpu.memory_space<vmem>>)
      tpu.yield
    }) : () -> ()
    %dma_start3A = arith.constant 0 : i32
    %dma_start3A_3 = arith.constant 0 : i32
    %dma_start3A_4 = tpu.memref_slice %arg2[%dma_start3A, %dma_start3A_3] : memref<10000x128xi32, #tpu.memory_space<hbm>> -> memref<10000x128xi32, #tpu.memory_space<hbm>>
    tpu.enqueue_indirect_dma source(%dma_start3A_4 : memref<10000x128xi32, #tpu.memory_space<hbm>>) target(%arg12 : memref<80x128xi32, #tpu.memory_space<vmem>>) offsets(%arg8 : memref<80xi32, #tpu.memory_space<vmem>>) semaphore(%arg16 : memref<!tpu.dma_semaphore, #tpu.memory_space<semaphore_mem>>)
    %dma_start3A_5 = arith.constant 0 : i32
    %dma_start3A_6 = arith.constant 0 : i32
    %dma_start3A_7 = tpu.memref_slice %arg3[%dma_start3A_5, %dma_start3A_6] : memref<10000x128xi32, #tpu.memory_space<hbm>> -> memref<10000x128xi32, #tpu.memory_space<hbm>>
    tpu.enqueue_indirect_dma source(%dma_start3A_7 : memref<10000x128xi32, #tpu.memory_space<hbm>>) target(%arg13 : memref<80x128xi32, #tpu.memory_space<vmem>>) offsets(%arg9 : memref<80xi32, #tpu.memory_space<vmem>>) semaphore(%arg17 : memref<!tpu.dma_semaphore, #tpu.memory_space<semaphore_mem>>)
    %scan3A = arith.constant 0 : i32
    %scan3A_8 = arith.constant 0 : i32
    %scan3A_9 = arith.constant 62 : i32
    %scan3A_10 = arith.addi %scan3A_8, %scan3A_9 : i32
    %scan3A_11 = arith.constant 1 : i32
    scf.for %scan3A_20 = %scan3A_8 to %scan3A_10 step %scan3A_11  : i32 {
      %mul3A_21 = arith.constant 2 : i32
      %mul3A_22 = arith.muli %mul3A_21, %scan3A_20 : i32
      %mul3A_23 = arith.constant 80 : i32
      %mul3A_24 = arith.muli %mul3A_22, %mul3A_23 : i32
      %add3A_25 = arith.addi %mul3A_2, %mul3A_24 : i32
      %add3A_26 = arith.constant 80 : i32
      %add3A_27 = arith.addi %add3A_25, %add3A_26 : i32
      "tpu.region"() ({
        %run_scoped3A = tpu.sem_alloc : memref<!tpu.dma_semaphore, #tpu.memory_space<semaphore_mem>>
        %dma_start3A_54 = tpu.memref_slice %arg5[%add3A_27] : memref<320000xi32, #tpu.memory_space<hbm>> -> memref<80xi32, #tpu.memory_space<hbm>>
        %dma_start3A_55 = tpu.memref_slice %arg5[%add3A_27] : memref<320000xi32, #tpu.memory_space<hbm>> -> memref<80xi32, #tpu.memory_space<hbm>>
        tpu.enqueue_dma source(%dma_start3A_55 : memref<80xi32, #tpu.memory_space<hbm>>) target(%arg10 : memref<80xi32, #tpu.memory_space<vmem>>) target_semaphore(%run_scoped3A : memref<!tpu.dma_semaphore, #tpu.memory_space<semaphore_mem>>)
        %dma_wait3A_56 = tpu.memref_slice %arg5[%add3A_27] : memref<320000xi32, #tpu.memory_space<hbm>> -> memref<80xi32, #tpu.memory_space<hbm>>
        %dma_wait3A_57 = tpu.memref_slice %arg5[%add3A_27] : memref<320000xi32, #tpu.memory_space<hbm>> -> memref<80xi32, #tpu.memory_space<hbm>>
        tpu.wait_dma2 semaphore(%run_scoped3A : memref<!tpu.dma_semaphore, #tpu.memory_space<semaphore_mem>>) src(%dma_wait3A_57 : memref<80xi32, #tpu.memory_space<hbm>>) dst(%arg10 : memref<80xi32, #tpu.memory_space<vmem>>)
        tpu.yield
      }) : () -> ()
      "tpu.region"() ({
        %run_scoped3A = tpu.sem_alloc : memref<!tpu.dma_semaphore, #tpu.memory_space<semaphore_mem>>
        %dma_start3A_54 = tpu.memref_slice %arg4[%add3A_27] : memref<320000xi32, #tpu.memory_space<hbm>> -> memref<80xi32, #tpu.memory_space<hbm>>
        %dma_start3A_55 = tpu.memref_slice %arg4[%add3A_27] : memref<320000xi32, #tpu.memory_space<hbm>> -> memref<80xi32, #tpu.memory_space<hbm>>
        tpu.enqueue_dma source(%dma_start3A_55 : memref<80xi32, #tpu.memory_space<hbm>>) target(%arg11 : memref<80xi32, #tpu.memory_space<vmem>>) target_semaphore(%run_scoped3A : memref<!tpu.dma_semaphore, #tpu.memory_space<semaphore_mem>>)
        %dma_wait3A_56 = tpu.memref_slice %arg4[%add3A_27] : memref<320000xi32, #tpu.memory_space<hbm>> -> memref<80xi32, #tpu.memory_space<hbm>>
        %dma_wait3A_57 = tpu.memref_slice %arg4[%add3A_27] : memref<320000xi32, #tpu.memory_space<hbm>> -> memref<80xi32, #tpu.memory_space<hbm>>
        tpu.wait_dma2 semaphore(%run_scoped3A : memref<!tpu.dma_semaphore, #tpu.memory_space<semaphore_mem>>) src(%dma_wait3A_57 : memref<80xi32, #tpu.memory_space<hbm>>) dst(%arg11 : memref<80xi32, #tpu.memory_space<vmem>>)
        tpu.yield
      }) : () -> ()
      %dma_start3A_28 = arith.constant 0 : i32
      %dma_start3A_29 = arith.constant 0 : i32
      %dma_start3A_30 = tpu.memref_slice %arg2[%dma_start3A_28, %dma_start3A_29] : memref<10000x128xi32, #tpu.memory_space<hbm>> -> memref<10000x128xi32, #tpu.memory_space<hbm>>
      tpu.enqueue_indirect_dma source(%dma_start3A_30 : memref<10000x128xi32, #tpu.memory_space<hbm>>) target(%arg14 : memref<80x128xi32, #tpu.memory_space<vmem>>) offsets(%arg10 : memref<80xi32, #tpu.memory_space<vmem>>) semaphore(%arg18 : memref<!tpu.dma_semaphore, #tpu.memory_space<semaphore_mem>>)
      %dma_start3A_31 = arith.constant 0 : i32
      %dma_start3A_32 = arith.constant 0 : i32
      %dma_start3A_33 = tpu.memref_slice %arg3[%dma_start3A_31, %dma_start3A_32] : memref<10000x128xi32, #tpu.memory_space<hbm>> -> memref<10000x128xi32, #tpu.memory_space<hbm>>
      tpu.enqueue_indirect_dma source(%dma_start3A_33 : memref<10000x128xi32, #tpu.memory_space<hbm>>) target(%arg15 : memref<80x128xi32, #tpu.memory_space<vmem>>) offsets(%arg11 : memref<80xi32, #tpu.memory_space<vmem>>) semaphore(%arg19 : memref<!tpu.dma_semaphore, #tpu.memory_space<semaphore_mem>>)
      %dma_wait3A_34 = arith.constant 0 : i32
      %dma_wait3A_35 = arith.constant 0 : i32
      %dma_wait3A_36 = tpu.memref_slice %arg2[%dma_wait3A_34, %dma_wait3A_35] : memref<10000x128xi32, #tpu.memory_space<hbm>> -> memref<10000x128xi32, #tpu.memory_space<hbm>>
      tpu.wait_indirect_dma semaphore(%arg16 : memref<!tpu.dma_semaphore, #tpu.memory_space<semaphore_mem>>) src(%dma_wait3A_36 : memref<10000x128xi32, #tpu.memory_space<hbm>>) dst(%arg12 : memref<80x128xi32, #tpu.memory_space<vmem>>)
      %dma_wait3A_37 = arith.constant 0 : i32
      %dma_wait3A_38 = arith.constant 0 : i32
      %dma_wait3A_39 = tpu.memref_slice %arg3[%dma_wait3A_37, %dma_wait3A_38] : memref<10000x128xi32, #tpu.memory_space<hbm>> -> memref<10000x128xi32, #tpu.memory_space<hbm>>
      tpu.wait_indirect_dma semaphore(%arg17 : memref<!tpu.dma_semaphore, #tpu.memory_space<semaphore_mem>>) src(%dma_wait3A_39 : memref<10000x128xi32, #tpu.memory_space<hbm>>) dst(%arg13 : memref<80x128xi32, #tpu.memory_space<vmem>>)
      "tpu.region"() ({
        %run_scoped3A = tpu.sem_alloc : memref<!tpu.dma_semaphore, #tpu.memory_space<semaphore_mem>>
        %dma_start3A_54 = arith.constant 0 : i32
        %dma_start3A_55 = tpu.memref_slice %arg6[%add3A_25, %dma_start3A_54] : memref<320000x128xi32, #tpu.memory_space<hbm>> -> memref<80x128xi32, #tpu.memory_space<hbm>>
        %dma_start3A_56 = arith.constant 0 : i32
        %dma_start3A_57 = tpu.memref_slice %arg6[%add3A_25, %dma_start3A_56] : memref<320000x128xi32, #tpu.memory_space<hbm>> -> memref<80x128xi32, #tpu.memory_space<hbm>>
        tpu.enqueue_dma source(%arg12 : memref<80x128xi32, #tpu.memory_space<vmem>>) target(%dma_start3A_57 : memref<80x128xi32, #tpu.memory_space<hbm>>) target_semaphore(%run_scoped3A : memref<!tpu.dma_semaphore, #tpu.memory_space<semaphore_mem>>)
        %dma_wait3A_58 = arith.constant 0 : i32
        %dma_wait3A_59 = tpu.memref_slice %arg6[%add3A_25, %dma_wait3A_58] : memref<320000x128xi32, #tpu.memory_space<hbm>> -> memref<80x128xi32, #tpu.memory_space<hbm>>
        %dma_wait3A_60 = arith.constant 0 : i32
        %dma_wait3A_61 = tpu.memref_slice %arg6[%add3A_25, %dma_wait3A_60] : memref<320000x128xi32, #tpu.memory_space<hbm>> -> memref<80x128xi32, #tpu.memory_space<hbm>>
        tpu.wait_dma2 semaphore(%run_scoped3A : memref<!tpu.dma_semaphore, #tpu.memory_space<semaphore_mem>>) src(%arg12 : memref<80x128xi32, #tpu.memory_space<vmem>>) dst(%dma_wait3A_61 : memref<80x128xi32, #tpu.memory_space<hbm>>)
        tpu.yield
      }) : () -> ()
      "tpu.region"() ({
        %run_scoped3A = tpu.sem_alloc : memref<!tpu.dma_semaphore, #tpu.memory_space<semaphore_mem>>
        %dma_start3A_54 = arith.constant 0 : i32
        %dma_start3A_55 = tpu.memref_slice %arg7[%add3A_25, %dma_start3A_54] : memref<320000x128xi32, #tpu.memory_space<hbm>> -> memref<80x128xi32, #tpu.memory_space<hbm>>
        %dma_start3A_56 = arith.constant 0 : i32
        %dma_start3A_57 = tpu.memref_slice %arg7[%add3A_25, %dma_start3A_56] : memref<320000x128xi32, #tpu.memory_space<hbm>> -> memref<80x128xi32, #tpu.memory_space<hbm>>
        tpu.enqueue_dma source(%arg13 : memref<80x128xi32, #tpu.memory_space<vmem>>) target(%dma_start3A_57 : memref<80x128xi32, #tpu.memory_space<hbm>>) target_semaphore(%run_scoped3A : memref<!tpu.dma_semaphore, #tpu.memory_space<semaphore_mem>>)
        %dma_wait3A_58 = arith.constant 0 : i32
        %dma_wait3A_59 = tpu.memref_slice %arg7[%add3A_25, %dma_wait3A_58] : memref<320000x128xi32, #tpu.memory_space<hbm>> -> memref<80x128xi32, #tpu.memory_space<hbm>>
        %dma_wait3A_60 = arith.constant 0 : i32
        %dma_wait3A_61 = tpu.memref_slice %arg7[%add3A_25, %dma_wait3A_60] : memref<320000x128xi32, #tpu.memory_space<hbm>> -> memref<80x128xi32, #tpu.memory_space<hbm>>
        tpu.wait_dma2 semaphore(%run_scoped3A : memref<!tpu.dma_semaphore, #tpu.memory_space<semaphore_mem>>) src(%arg13 : memref<80x128xi32, #tpu.memory_space<vmem>>) dst(%dma_wait3A_61 : memref<80x128xi32, #tpu.memory_space<hbm>>)
        tpu.yield
      }) : () -> ()
      %add3A_40 = arith.constant 80 : i32
      %add3A_41 = arith.addi %add3A_27, %add3A_40 : i32
      "tpu.region"() ({
        %run_scoped3A = tpu.sem_alloc : memref<!tpu.dma_semaphore, #tpu.memory_space<semaphore_mem>>
        %dma_start3A_54 = tpu.memref_slice %arg5[%add3A_41] : memref<320000xi32, #tpu.memory_space<hbm>> -> memref<80xi32, #tpu.memory_space<hbm>>
        %dma_start3A_55 = tpu.memref_slice %arg5[%add3A_41] : memref<320000xi32, #tpu.memory_space<hbm>> -> memref<80xi32, #tpu.memory_space<hbm>>
        tpu.enqueue_dma source(%dma_start3A_55 : memref<80xi32, #tpu.memory_space<hbm>>) target(%arg8 : memref<80xi32, #tpu.memory_space<vmem>>) target_semaphore(%run_scoped3A : memref<!tpu.dma_semaphore, #tpu.memory_space<semaphore_mem>>)
        %dma_wait3A_56 = tpu.memref_slice %arg5[%add3A_41] : memref<320000xi32, #tpu.memory_space<hbm>> -> memref<80xi32, #tpu.memory_space<hbm>>
        %dma_wait3A_57 = tpu.memref_slice %arg5[%add3A_41] : memref<320000xi32, #tpu.memory_space<hbm>> -> memref<80xi32, #tpu.memory_space<hbm>>
        tpu.wait_dma2 semaphore(%run_scoped3A : memref<!tpu.dma_semaphore, #tpu.memory_space<semaphore_mem>>) src(%dma_wait3A_57 : memref<80xi32, #tpu.memory_space<hbm>>) dst(%arg8 : memref<80xi32, #tpu.memory_space<vmem>>)
        tpu.yield
      }) : () -> ()
      "tpu.region"() ({
        %run_scoped3A = tpu.sem_alloc : memref<!tpu.dma_semaphore, #tpu.memory_space<semaphore_mem>>
        %dma_start3A_54 = tpu.memref_slice %arg4[%add3A_41] : memref<320000xi32, #tpu.memory_space<hbm>> -> memref<80xi32, #tpu.memory_space<hbm>>
        %dma_start3A_55 = tpu.memref_slice %arg4[%add3A_41] : memref<320000xi32, #tpu.memory_space<hbm>> -> memref<80xi32, #tpu.memory_space<hbm>>
        tpu.enqueue_dma source(%dma_start3A_55 : memref<80xi32, #tpu.memory_space<hbm>>) target(%arg9 : memref<80xi32, #tpu.memory_space<vmem>>) target_semaphore(%run_scoped3A : memref<!tpu.dma_semaphore, #tpu.memory_space<semaphore_mem>>)
        %dma_wait3A_56 = tpu.memref_slice %arg4[%add3A_41] : memref<320000xi32, #tpu.memory_space<hbm>> -> memref<80xi32, #tpu.memory_space<hbm>>
        %dma_wait3A_57 = tpu.memref_slice %arg4[%add3A_41] : memref<320000xi32, #tpu.memory_space<hbm>> -> memref<80xi32, #tpu.memory_space<hbm>>
        tpu.wait_dma2 semaphore(%run_scoped3A : memref<!tpu.dma_semaphore, #tpu.memory_space<semaphore_mem>>) src(%dma_wait3A_57 : memref<80xi32, #tpu.memory_space<hbm>>) dst(%arg9 : memref<80xi32, #tpu.memory_space<vmem>>)
        tpu.yield
      }) : () -> ()
      %dma_start3A_42 = arith.constant 0 : i32
      %dma_start3A_43 = arith.constant 0 : i32
      %dma_start3A_44 = tpu.memref_slice %arg2[%dma_start3A_42, %dma_start3A_43] : memref<10000x128xi32, #tpu.memory_space<hbm>> -> memref<10000x128xi32, #tpu.memory_space<hbm>>
      tpu.enqueue_indirect_dma source(%dma_start3A_44 : memref<10000x128xi32, #tpu.memory_space<hbm>>) target(%arg12 : memref<80x128xi32, #tpu.memory_space<vmem>>) offsets(%arg8 : memref<80xi32, #tpu.memory_space<vmem>>) semaphore(%arg16 : memref<!tpu.dma_semaphore, #tpu.memory_space<semaphore_mem>>)
      %dma_start3A_45 = arith.constant 0 : i32
      %dma_start3A_46 = arith.constant 0 : i32
      %dma_start3A_47 = tpu.memref_slice %arg3[%dma_start3A_45, %dma_start3A_46] : memref<10000x128xi32, #tpu.memory_space<hbm>> -> memref<10000x128xi32, #tpu.memory_space<hbm>>
      tpu.enqueue_indirect_dma source(%dma_start3A_47 : memref<10000x128xi32, #tpu.memory_space<hbm>>) target(%arg13 : memref<80x128xi32, #tpu.memory_space<vmem>>) offsets(%arg9 : memref<80xi32, #tpu.memory_space<vmem>>) semaphore(%arg17 : memref<!tpu.dma_semaphore, #tpu.memory_space<semaphore_mem>>)
      %dma_wait3A_48 = arith.constant 0 : i32
      %dma_wait3A_49 = arith.constant 0 : i32
      %dma_wait3A_50 = tpu.memref_slice %arg2[%dma_wait3A_48, %dma_wait3A_49] : memref<10000x128xi32, #tpu.memory_space<hbm>> -> memref<10000x128xi32, #tpu.memory_space<hbm>>
      tpu.wait_indirect_dma semaphore(%arg18 : memref<!tpu.dma_semaphore, #tpu.memory_space<semaphore_mem>>) src(%dma_wait3A_50 : memref<10000x128xi32, #tpu.memory_space<hbm>>) dst(%arg14 : memref<80x128xi32, #tpu.memory_space<vmem>>)
      %dma_wait3A_51 = arith.constant 0 : i32
      %dma_wait3A_52 = arith.constant 0 : i32
      %dma_wait3A_53 = tpu.memref_slice %arg3[%dma_wait3A_51, %dma_wait3A_52] : memref<10000x128xi32, #tpu.memory_space<hbm>> -> memref<10000x128xi32, #tpu.memory_space<hbm>>
      tpu.wait_indirect_dma semaphore(%arg19 : memref<!tpu.dma_semaphore, #tpu.memory_space<semaphore_mem>>) src(%dma_wait3A_53 : memref<10000x128xi32, #tpu.memory_space<hbm>>) dst(%arg15 : memref<80x128xi32, #tpu.memory_space<vmem>>)
      "tpu.region"() ({
        %run_scoped3A = tpu.sem_alloc : memref<!tpu.dma_semaphore, #tpu.memory_space<semaphore_mem>>
        %dma_start3A_54 = arith.constant 0 : i32
        %dma_start3A_55 = tpu.memref_slice %arg6[%add3A_27, %dma_start3A_54] : memref<320000x128xi32, #tpu.memory_space<hbm>> -> memref<80x128xi32, #tpu.memory_space<hbm>>
        %dma_start3A_56 = arith.constant 0 : i32
        %dma_start3A_57 = tpu.memref_slice %arg6[%add3A_27, %dma_start3A_56] : memref<320000x128xi32, #tpu.memory_space<hbm>> -> memref<80x128xi32, #tpu.memory_space<hbm>>
        tpu.enqueue_dma source(%arg14 : memref<80x128xi32, #tpu.memory_space<vmem>>) target(%dma_start3A_57 : memref<80x128xi32, #tpu.memory_space<hbm>>) target_semaphore(%run_scoped3A : memref<!tpu.dma_semaphore, #tpu.memory_space<semaphore_mem>>)
        %dma_wait3A_58 = arith.constant 0 : i32
        %dma_wait3A_59 = tpu.memref_slice %arg6[%add3A_27, %dma_wait3A_58] : memref<320000x128xi32, #tpu.memory_space<hbm>> -> memref<80x128xi32, #tpu.memory_space<hbm>>
        %dma_wait3A_60 = arith.constant 0 : i32
        %dma_wait3A_61 = tpu.memref_slice %arg6[%add3A_27, %dma_wait3A_60] : memref<320000x128xi32, #tpu.memory_space<hbm>> -> memref<80x128xi32, #tpu.memory_space<hbm>>
        tpu.wait_dma2 semaphore(%run_scoped3A : memref<!tpu.dma_semaphore, #tpu.memory_space<semaphore_mem>>) src(%arg14 : memref<80x128xi32, #tpu.memory_space<vmem>>) dst(%dma_wait3A_61 : memref<80x128xi32, #tpu.memory_space<hbm>>)
        tpu.yield
      }) : () -> ()
      "tpu.region"() ({
        %run_scoped3A = tpu.sem_alloc : memref<!tpu.dma_semaphore, #tpu.memory_space<semaphore_mem>>
        %dma_start3A_54 = arith.constant 0 : i32
        %dma_start3A_55 = tpu.memref_slice %arg7[%add3A_27, %dma_start3A_54] : memref<320000x128xi32, #tpu.memory_space<hbm>> -> memref<80x128xi32, #tpu.memory_space<hbm>>
        %dma_start3A_56 = arith.constant 0 : i32
        %dma_start3A_57 = tpu.memref_slice %arg7[%add3A_27, %dma_start3A_56] : memref<320000x128xi32, #tpu.memory_space<hbm>> -> memref<80x128xi32, #tpu.memory_space<hbm>>
        tpu.enqueue_dma source(%arg15 : memref<80x128xi32, #tpu.memory_space<vmem>>) target(%dma_start3A_57 : memref<80x128xi32, #tpu.memory_space<hbm>>) target_semaphore(%run_scoped3A : memref<!tpu.dma_semaphore, #tpu.memory_space<semaphore_mem>>)
        %dma_wait3A_58 = arith.constant 0 : i32
        %dma_wait3A_59 = tpu.memref_slice %arg7[%add3A_27, %dma_wait3A_58] : memref<320000x128xi32, #tpu.memory_space<hbm>> -> memref<80x128xi32, #tpu.memory_space<hbm>>
        %dma_wait3A_60 = arith.constant 0 : i32
        %dma_wait3A_61 = tpu.memref_slice %arg7[%add3A_27, %dma_wait3A_60] : memref<320000x128xi32, #tpu.memory_space<hbm>> -> memref<80x128xi32, #tpu.memory_space<hbm>>
        tpu.wait_dma2 semaphore(%run_scoped3A : memref<!tpu.dma_semaphore, #tpu.memory_space<semaphore_mem>>) src(%arg15 : memref<80x128xi32, #tpu.memory_space<vmem>>) dst(%dma_wait3A_61 : memref<80x128xi32, #tpu.memory_space<hbm>>)
        tpu.yield
      }) : () -> ()
    }
    %scan3A_12 = arith.constant 62 : i32
    %dma_wait3A = arith.constant 0 : i32
    %dma_wait3A_13 = arith.constant 0 : i32
    %dma_wait3A_14 = tpu.memref_slice %arg2[%dma_wait3A, %dma_wait3A_13] : memref<10000x128xi32, #tpu.memory_space<hbm>> -> memref<10000x128xi32, #tpu.memory_space<hbm>>
    tpu.wait_indirect_dma semaphore(%arg16 : memref<!tpu.dma_semaphore, #tpu.memory_space<semaphore_mem>>) src(%dma_wait3A_14 : memref<10000x128xi32, #tpu.memory_space<hbm>>) dst(%arg12 : memref<80x128xi32, #tpu.memory_space<vmem>>)
    %dma_wait3A_15 = arith.constant 0 : i32
    %dma_wait3A_16 = arith.constant 0 : i32
    %dma_wait3A_17 = tpu.memref_slice %arg3[%dma_wait3A_15, %dma_wait3A_16] : memref<10000x128xi32, #tpu.memory_space<hbm>> -> memref<10000x128xi32, #tpu.memory_space<hbm>>
    tpu.wait_indirect_dma semaphore(%arg17 : memref<!tpu.dma_semaphore, #tpu.memory_space<semaphore_mem>>) src(%dma_wait3A_17 : memref<10000x128xi32, #tpu.memory_space<hbm>>) dst(%arg13 : memref<80x128xi32, #tpu.memory_space<vmem>>)
    %add3A_18 = arith.constant 9920 : i32
    %add3A_19 = arith.addi %mul3A_2, %add3A_18 : i32
    "tpu.region"() ({
      %run_scoped3A = tpu.sem_alloc : memref<!tpu.dma_semaphore, #tpu.memory_space<semaphore_mem>>
      %dma_start3A_20 = arith.constant 0 : i32
      %dma_start3A_21 = tpu.memref_slice %arg6[%add3A_19, %dma_start3A_20] : memref<320000x128xi32, #tpu.memory_space<hbm>> -> memref<80x128xi32, #tpu.memory_space<hbm>>
      %dma_start3A_22 = arith.constant 0 : i32
      %dma_start3A_23 = tpu.memref_slice %arg6[%add3A_19, %dma_start3A_22] : memref<320000x128xi32, #tpu.memory_space<hbm>> -> memref<80x128xi32, #tpu.memory_space<hbm>>
      tpu.enqueue_dma source(%arg12 : memref<80x128xi32, #tpu.memory_space<vmem>>) target(%dma_start3A_23 : memref<80x128xi32, #tpu.memory_space<hbm>>) target_semaphore(%run_scoped3A : memref<!tpu.dma_semaphore, #tpu.memory_space<semaphore_mem>>)
      %dma_wait3A_24 = arith.constant 0 : i32
      %dma_wait3A_25 = tpu.memref_slice %arg6[%add3A_19, %dma_wait3A_24] : memref<320000x128xi32, #tpu.memory_space<hbm>> -> memref<80x128xi32, #tpu.memory_space<hbm>>
      %dma_wait3A_26 = arith.constant 0 : i32
      %dma_wait3A_27 = tpu.memref_slice %arg6[%add3A_19, %dma_wait3A_26] : memref<320000x128xi32, #tpu.memory_space<hbm>> -> memref<80x128xi32, #tpu.memory_space<hbm>>
      tpu.wait_dma2 semaphore(%run_scoped3A : memref<!tpu.dma_semaphore, #tpu.memory_space<semaphore_mem>>) src(%arg12 : memref<80x128xi32, #tpu.memory_space<vmem>>) dst(%dma_wait3A_27 : memref<80x128xi32, #tpu.memory_space<hbm>>)
      tpu.yield
    }) : () -> ()
    "tpu.region"() ({
      %run_scoped3A = tpu.sem_alloc : memref<!tpu.dma_semaphore, #tpu.memory_space<semaphore_mem>>
      %dma_start3A_20 = arith.constant 0 : i32
      %dma_start3A_21 = tpu.memref_slice %arg7[%add3A_19, %dma_start3A_20] : memref<320000x128xi32, #tpu.memory_space<hbm>> -> memref<80x128xi32, #tpu.memory_space<hbm>>
      %dma_start3A_22 = arith.constant 0 : i32
      %dma_start3A_23 = tpu.memref_slice %arg7[%add3A_19, %dma_start3A_22] : memref<320000x128xi32, #tpu.memory_space<hbm>> -> memref<80x128xi32, #tpu.memory_space<hbm>>
      tpu.enqueue_dma source(%arg13 : memref<80x128xi32, #tpu.memory_space<vmem>>) target(%dma_start3A_23 : memref<80x128xi32, #tpu.memory_space<hbm>>) target_semaphore(%run_scoped3A : memref<!tpu.dma_semaphore, #tpu.memory_space<semaphore_mem>>)
      %dma_wait3A_24 = arith.constant 0 : i32
      %dma_wait3A_25 = tpu.memref_slice %arg7[%add3A_19, %dma_wait3A_24] : memref<320000x128xi32, #tpu.memory_space<hbm>> -> memref<80x128xi32, #tpu.memory_space<hbm>>
      %dma_wait3A_26 = arith.constant 0 : i32
      %dma_wait3A_27 = tpu.memref_slice %arg7[%add3A_19, %dma_wait3A_26] : memref<320000x128xi32, #tpu.memory_space<hbm>> -> memref<80x128xi32, #tpu.memory_space<hbm>>
      tpu.wait_dma2 semaphore(%run_scoped3A : memref<!tpu.dma_semaphore, #tpu.memory_space<semaphore_mem>>) src(%arg13 : memref<80x128xi32, #tpu.memory_space<vmem>>) dst(%dma_wait3A_27 : memref<80x128xi32, #tpu.memory_space<hbm>>)
      tpu.yield
    }) : () -> ()
    return
  }
}

#map = affine_map<(d0, d1) -> (0, 0)>
#map1 = affine_map<(d0, d1) -> (0)>
module attributes {stable_mosaic.version = 14 : i64} {
  func.func @_sc_scatter(%arg0: i32, %arg1: i32, %arg2: memref<320000x128xf32, #tpu.memory_space<hbm>>, %arg3: memref<320000xi32, #tpu.memory_space<hbm>>, %arg4: memref<10240x128xf32, #tpu.memory_space<hbm>>, %arg5: memref<10240x128xf32, #tpu.memory_space<hbm>>, %arg6: memref<10240x128xf32, #tpu.memory_space<hbm>>, %arg7: memref<80xi32, #tpu.memory_space<vmem>>, %arg8: memref<80xi32, #tpu.memory_space<vmem>>, %arg9: memref<80x128xf32, #tpu.memory_space<vmem>>, %arg10: memref<80x128xf32, #tpu.memory_space<vmem>>, %arg11: memref<10240x128xf32, #tpu.memory_space<vmem_shared>>, %arg12: memref<!tpu.dma_semaphore, #tpu.memory_space<semaphore_mem>>, %arg13: memref<!tpu.dma_semaphore, #tpu.memory_space<semaphore_mem>>) attributes {dimension_semantics = [#tpu.dimension_semantics<core_parallel>, #tpu.dimension_semantics<subcore_parallel>], iteration_bounds = array<i64: 2, 16>, scalar_prefetch = 0 : i64, scratch_operands = 7 : i64, tpu.core_type = #tpu.core_type<sc_vector_subcore>, window_params = [{transform_indices = #map}, {transform_indices = #map1}, {transform_indices = #map}, {transform_indices = #map}, {transform_indices = #map}]} {
    %mul3A = arith.constant 640 : i32
    %mul3A_0 = arith.muli %arg1, %mul3A : i32
    %mul3A_1 = arith.constant 16 : i32
    %mul3A_2 = arith.muli %arg0, %mul3A_1 : i32
    %add3A = arith.addi %mul3A_2, %arg1 : i32
    %mul3A_3 = arith.constant 10000 : i32
    %mul3A_4 = arith.muli %add3A, %mul3A_3 : i32
    "tpu.region"() ({
      %run_scoped3A = tpu.sem_alloc : memref<!tpu.dma_semaphore, #tpu.memory_space<semaphore_mem>>
      %dma_start3A_22 = arith.constant 0 : i32
      %dma_start3A_23 = tpu.memref_slice %arg11[%mul3A_0, %dma_start3A_22] : memref<10240x128xf32, #tpu.memory_space<vmem_shared>> -> memref<640x128xf32, #tpu.memory_space<vmem_shared>>
      %dma_start3A_24 = arith.constant 0 : i32
      %dma_start3A_25 = tpu.memref_slice %arg4[%mul3A_0, %dma_start3A_24] : memref<10240x128xf32, #tpu.memory_space<hbm>> -> memref<640x128xf32, #tpu.memory_space<hbm>>
      tpu.enqueue_dma source(%dma_start3A_25 : memref<640x128xf32, #tpu.memory_space<hbm>>) target(%dma_start3A_23 : memref<640x128xf32, #tpu.memory_space<vmem_shared>>) target_semaphore(%run_scoped3A : memref<!tpu.dma_semaphore, #tpu.memory_space<semaphore_mem>>)
      %dma_wait3A_26 = arith.constant 0 : i32
      %dma_wait3A_27 = tpu.memref_slice %arg11[%mul3A_0, %dma_wait3A_26] : memref<10240x128xf32, #tpu.memory_space<vmem_shared>> -> memref<640x128xf32, #tpu.memory_space<vmem_shared>>
      %dma_wait3A_28 = arith.constant 0 : i32
      %dma_wait3A_29 = tpu.memref_slice %arg4[%mul3A_0, %dma_wait3A_28] : memref<10240x128xf32, #tpu.memory_space<hbm>> -> memref<640x128xf32, #tpu.memory_space<hbm>>
      tpu.wait_dma2 semaphore(%run_scoped3A : memref<!tpu.dma_semaphore, #tpu.memory_space<semaphore_mem>>) src(%dma_wait3A_29 : memref<640x128xf32, #tpu.memory_space<hbm>>) dst(%dma_wait3A_27 : memref<640x128xf32, #tpu.memory_space<vmem_shared>>)
      tpu.yield
    }) : () -> ()
    %barrier3A = arith.constant 0 : index
    tpu.barrier barrier_id(%barrier3A)
    "tpu.region"() ({
      %run_scoped3A = tpu.sem_alloc : memref<!tpu.dma_semaphore, #tpu.memory_space<semaphore_mem>>
      %dma_start3A_22 = tpu.memref_slice %arg3[%mul3A_4] : memref<320000xi32, #tpu.memory_space<hbm>> -> memref<80xi32, #tpu.memory_space<hbm>>
      %dma_start3A_23 = tpu.memref_slice %arg3[%mul3A_4] : memref<320000xi32, #tpu.memory_space<hbm>> -> memref<80xi32, #tpu.memory_space<hbm>>
      tpu.enqueue_dma source(%dma_start3A_23 : memref<80xi32, #tpu.memory_space<hbm>>) target(%arg7 : memref<80xi32, #tpu.memory_space<vmem>>) target_semaphore(%run_scoped3A : memref<!tpu.dma_semaphore, #tpu.memory_space<semaphore_mem>>)
      %dma_wait3A_24 = tpu.memref_slice %arg3[%mul3A_4] : memref<320000xi32, #tpu.memory_space<hbm>> -> memref<80xi32, #tpu.memory_space<hbm>>
      %dma_wait3A_25 = tpu.memref_slice %arg3[%mul3A_4] : memref<320000xi32, #tpu.memory_space<hbm>> -> memref<80xi32, #tpu.memory_space<hbm>>
      tpu.wait_dma2 semaphore(%run_scoped3A : memref<!tpu.dma_semaphore, #tpu.memory_space<semaphore_mem>>) src(%dma_wait3A_25 : memref<80xi32, #tpu.memory_space<hbm>>) dst(%arg7 : memref<80xi32, #tpu.memory_space<vmem>>)
      tpu.yield
    }) : () -> ()
    "tpu.region"() ({
      %run_scoped3A = tpu.sem_alloc : memref<!tpu.dma_semaphore, #tpu.memory_space<semaphore_mem>>
      %dma_start3A_22 = arith.constant 0 : i32
      %dma_start3A_23 = tpu.memref_slice %arg2[%mul3A_4, %dma_start3A_22] : memref<320000x128xf32, #tpu.memory_space<hbm>> -> memref<80x128xf32, #tpu.memory_space<hbm>>
      %dma_start3A_24 = arith.constant 0 : i32
      %dma_start3A_25 = tpu.memref_slice %arg2[%mul3A_4, %dma_start3A_24] : memref<320000x128xf32, #tpu.memory_space<hbm>> -> memref<80x128xf32, #tpu.memory_space<hbm>>
      tpu.enqueue_dma source(%dma_start3A_25 : memref<80x128xf32, #tpu.memory_space<hbm>>) target(%arg9 : memref<80x128xf32, #tpu.memory_space<vmem>>) target_semaphore(%run_scoped3A : memref<!tpu.dma_semaphore, #tpu.memory_space<semaphore_mem>>)
      %dma_wait3A_26 = arith.constant 0 : i32
      %dma_wait3A_27 = tpu.memref_slice %arg2[%mul3A_4, %dma_wait3A_26] : memref<320000x128xf32, #tpu.memory_space<hbm>> -> memref<80x128xf32, #tpu.memory_space<hbm>>
      %dma_wait3A_28 = arith.constant 0 : i32
      %dma_wait3A_29 = tpu.memref_slice %arg2[%mul3A_4, %dma_wait3A_28] : memref<320000x128xf32, #tpu.memory_space<hbm>> -> memref<80x128xf32, #tpu.memory_space<hbm>>
      tpu.wait_dma2 semaphore(%run_scoped3A : memref<!tpu.dma_semaphore, #tpu.memory_space<semaphore_mem>>) src(%dma_wait3A_29 : memref<80x128xf32, #tpu.memory_space<hbm>>) dst(%arg9 : memref<80x128xf32, #tpu.memory_space<vmem>>)
      tpu.yield
    }) : () -> ()
    %scan3A = arith.constant 0 : i32
    %scan3A_5 = arith.constant 0 : i32
    %scan3A_6 = arith.constant 62 : i32
    %scan3A_7 = arith.addi %scan3A_5, %scan3A_6 : i32
    %scan3A_8 = arith.constant 1 : i32
    scf.for %scan3A_22 = %scan3A_5 to %scan3A_7 step %scan3A_8  : i32 {
      %mul3A_23 = arith.constant 2 : i32
      %mul3A_24 = arith.muli %mul3A_23, %scan3A_22 : i32
      %add3A_25 = arith.constant 1 : i32
      %add3A_26 = arith.addi %mul3A_24, %add3A_25 : i32
      %mul3A_27 = arith.constant 80 : i32
      %mul3A_28 = arith.muli %add3A_26, %mul3A_27 : i32
      %add3A_29 = arith.addi %mul3A_4, %mul3A_28 : i32
      %dma_start3A_30 = arith.constant 0 : i32
      %dma_start3A_31 = arith.constant 0 : i32
      %dma_start3A_32 = tpu.memref_slice %arg11[%dma_start3A_30, %dma_start3A_31] : memref<10240x128xf32, #tpu.memory_space<vmem_shared>> -> memref<10240x128xf32, #tpu.memory_space<vmem_shared>>
      tpu.enqueue_indirect_dma source(%arg9 : memref<80x128xf32, #tpu.memory_space<vmem>>) target(%dma_start3A_32 : memref<10240x128xf32, #tpu.memory_space<vmem_shared>>) offsets(%arg7 : memref<80xi32, #tpu.memory_space<vmem>>) semaphore(%arg12 : memref<!tpu.dma_semaphore, #tpu.memory_space<semaphore_mem>>) {add = true}
      "tpu.region"() ({
        %run_scoped3A = tpu.sem_alloc : memref<!tpu.dma_semaphore, #tpu.memory_space<semaphore_mem>>
        %dma_start3A_44 = tpu.memref_slice %arg3[%add3A_29] : memref<320000xi32, #tpu.memory_space<hbm>> -> memref<80xi32, #tpu.memory_space<hbm>>
        %dma_start3A_45 = tpu.memref_slice %arg3[%add3A_29] : memref<320000xi32, #tpu.memory_space<hbm>> -> memref<80xi32, #tpu.memory_space<hbm>>
        tpu.enqueue_dma source(%dma_start3A_45 : memref<80xi32, #tpu.memory_space<hbm>>) target(%arg8 : memref<80xi32, #tpu.memory_space<vmem>>) target_semaphore(%run_scoped3A : memref<!tpu.dma_semaphore, #tpu.memory_space<semaphore_mem>>)
        %dma_wait3A_46 = tpu.memref_slice %arg3[%add3A_29] : memref<320000xi32, #tpu.memory_space<hbm>> -> memref<80xi32, #tpu.memory_space<hbm>>
        %dma_wait3A_47 = tpu.memref_slice %arg3[%add3A_29] : memref<320000xi32, #tpu.memory_space<hbm>> -> memref<80xi32, #tpu.memory_space<hbm>>
        tpu.wait_dma2 semaphore(%run_scoped3A : memref<!tpu.dma_semaphore, #tpu.memory_space<semaphore_mem>>) src(%dma_wait3A_47 : memref<80xi32, #tpu.memory_space<hbm>>) dst(%arg8 : memref<80xi32, #tpu.memory_space<vmem>>)
        tpu.yield
      }) : () -> ()
      "tpu.region"() ({
        %run_scoped3A = tpu.sem_alloc : memref<!tpu.dma_semaphore, #tpu.memory_space<semaphore_mem>>
        %dma_start3A_44 = arith.constant 0 : i32
        %dma_start3A_45 = tpu.memref_slice %arg2[%add3A_29, %dma_start3A_44] : memref<320000x128xf32, #tpu.memory_space<hbm>> -> memref<80x128xf32, #tpu.memory_space<hbm>>
        %dma_start3A_46 = arith.constant 0 : i32
        %dma_start3A_47 = tpu.memref_slice %arg2[%add3A_29, %dma_start3A_46] : memref<320000x128xf32, #tpu.memory_space<hbm>> -> memref<80x128xf32, #tpu.memory_space<hbm>>
        tpu.enqueue_dma source(%dma_start3A_47 : memref<80x128xf32, #tpu.memory_space<hbm>>) target(%arg10 : memref<80x128xf32, #tpu.memory_space<vmem>>) target_semaphore(%run_scoped3A : memref<!tpu.dma_semaphore, #tpu.memory_space<semaphore_mem>>)
        %dma_wait3A_48 = arith.constant 0 : i32
        %dma_wait3A_49 = tpu.memref_slice %arg2[%add3A_29, %dma_wait3A_48] : memref<320000x128xf32, #tpu.memory_space<hbm>> -> memref<80x128xf32, #tpu.memory_space<hbm>>
        %dma_wait3A_50 = arith.constant 0 : i32
        %dma_wait3A_51 = tpu.memref_slice %arg2[%add3A_29, %dma_wait3A_50] : memref<320000x128xf32, #tpu.memory_space<hbm>> -> memref<80x128xf32, #tpu.memory_space<hbm>>
        tpu.wait_dma2 semaphore(%run_scoped3A : memref<!tpu.dma_semaphore, #tpu.memory_space<semaphore_mem>>) src(%dma_wait3A_51 : memref<80x128xf32, #tpu.memory_space<hbm>>) dst(%arg10 : memref<80x128xf32, #tpu.memory_space<vmem>>)
        tpu.yield
      }) : () -> ()
      %dma_wait3A_33 = arith.constant 0 : i32
      %dma_wait3A_34 = arith.constant 0 : i32
      %dma_wait3A_35 = tpu.memref_slice %arg11[%dma_wait3A_33, %dma_wait3A_34] : memref<10240x128xf32, #tpu.memory_space<vmem_shared>> -> memref<10240x128xf32, #tpu.memory_space<vmem_shared>>
      tpu.wait_indirect_dma semaphore(%arg12 : memref<!tpu.dma_semaphore, #tpu.memory_space<semaphore_mem>>) src(%arg9 : memref<80x128xf32, #tpu.memory_space<vmem>>) dst(%dma_wait3A_35 : memref<10240x128xf32, #tpu.memory_space<vmem_shared>>)
      %dma_start3A_36 = arith.constant 0 : i32
      %dma_start3A_37 = arith.constant 0 : i32
      %dma_start3A_38 = tpu.memref_slice %arg11[%dma_start3A_36, %dma_start3A_37] : memref<10240x128xf32, #tpu.memory_space<vmem_shared>> -> memref<10240x128xf32, #tpu.memory_space<vmem_shared>>
      tpu.enqueue_indirect_dma source(%arg10 : memref<80x128xf32, #tpu.memory_space<vmem>>) target(%dma_start3A_38 : memref<10240x128xf32, #tpu.memory_space<vmem_shared>>) offsets(%arg8 : memref<80xi32, #tpu.memory_space<vmem>>) semaphore(%arg13 : memref<!tpu.dma_semaphore, #tpu.memory_space<semaphore_mem>>) {add = true}
      %add3A_39 = arith.constant 80 : i32
      %add3A_40 = arith.addi %add3A_29, %add3A_39 : i32
      "tpu.region"() ({
        %run_scoped3A = tpu.sem_alloc : memref<!tpu.dma_semaphore, #tpu.memory_space<semaphore_mem>>
        %dma_start3A_44 = tpu.memref_slice %arg3[%add3A_40] : memref<320000xi32, #tpu.memory_space<hbm>> -> memref<80xi32, #tpu.memory_space<hbm>>
        %dma_start3A_45 = tpu.memref_slice %arg3[%add3A_40] : memref<320000xi32, #tpu.memory_space<hbm>> -> memref<80xi32, #tpu.memory_space<hbm>>
        tpu.enqueue_dma source(%dma_start3A_45 : memref<80xi32, #tpu.memory_space<hbm>>) target(%arg7 : memref<80xi32, #tpu.memory_space<vmem>>) target_semaphore(%run_scoped3A : memref<!tpu.dma_semaphore, #tpu.memory_space<semaphore_mem>>)
        %dma_wait3A_46 = tpu.memref_slice %arg3[%add3A_40] : memref<320000xi32, #tpu.memory_space<hbm>> -> memref<80xi32, #tpu.memory_space<hbm>>
        %dma_wait3A_47 = tpu.memref_slice %arg3[%add3A_40] : memref<320000xi32, #tpu.memory_space<hbm>> -> memref<80xi32, #tpu.memory_space<hbm>>
        tpu.wait_dma2 semaphore(%run_scoped3A : memref<!tpu.dma_semaphore, #tpu.memory_space<semaphore_mem>>) src(%dma_wait3A_47 : memref<80xi32, #tpu.memory_space<hbm>>) dst(%arg7 : memref<80xi32, #tpu.memory_space<vmem>>)
        tpu.yield
      }) : () -> ()
      "tpu.region"() ({
        %run_scoped3A = tpu.sem_alloc : memref<!tpu.dma_semaphore, #tpu.memory_space<semaphore_mem>>
        %dma_start3A_44 = arith.constant 0 : i32
        %dma_start3A_45 = tpu.memref_slice %arg2[%add3A_40, %dma_start3A_44] : memref<320000x128xf32, #tpu.memory_space<hbm>> -> memref<80x128xf32, #tpu.memory_space<hbm>>
        %dma_start3A_46 = arith.constant 0 : i32
        %dma_start3A_47 = tpu.memref_slice %arg2[%add3A_40, %dma_start3A_46] : memref<320000x128xf32, #tpu.memory_space<hbm>> -> memref<80x128xf32, #tpu.memory_space<hbm>>
        tpu.enqueue_dma source(%dma_start3A_47 : memref<80x128xf32, #tpu.memory_space<hbm>>) target(%arg9 : memref<80x128xf32, #tpu.memory_space<vmem>>) target_semaphore(%run_scoped3A : memref<!tpu.dma_semaphore, #tpu.memory_space<semaphore_mem>>)
        %dma_wait3A_48 = arith.constant 0 : i32
        %dma_wait3A_49 = tpu.memref_slice %arg2[%add3A_40, %dma_wait3A_48] : memref<320000x128xf32, #tpu.memory_space<hbm>> -> memref<80x128xf32, #tpu.memory_space<hbm>>
        %dma_wait3A_50 = arith.constant 0 : i32
        %dma_wait3A_51 = tpu.memref_slice %arg2[%add3A_40, %dma_wait3A_50] : memref<320000x128xf32, #tpu.memory_space<hbm>> -> memref<80x128xf32, #tpu.memory_space<hbm>>
        tpu.wait_dma2 semaphore(%run_scoped3A : memref<!tpu.dma_semaphore, #tpu.memory_space<semaphore_mem>>) src(%dma_wait3A_51 : memref<80x128xf32, #tpu.memory_space<hbm>>) dst(%arg9 : memref<80x128xf32, #tpu.memory_space<vmem>>)
        tpu.yield
      }) : () -> ()
      %dma_wait3A_41 = arith.constant 0 : i32
      %dma_wait3A_42 = arith.constant 0 : i32
      %dma_wait3A_43 = tpu.memref_slice %arg11[%dma_wait3A_41, %dma_wait3A_42] : memref<10240x128xf32, #tpu.memory_space<vmem_shared>> -> memref<10240x128xf32, #tpu.memory_space<vmem_shared>>
      tpu.wait_indirect_dma semaphore(%arg13 : memref<!tpu.dma_semaphore, #tpu.memory_space<semaphore_mem>>) src(%arg10 : memref<80x128xf32, #tpu.memory_space<vmem>>) dst(%dma_wait3A_43 : memref<10240x128xf32, #tpu.memory_space<vmem_shared>>)
    }
    %scan3A_9 = arith.constant 62 : i32
    %dma_start3A = arith.constant 0 : i32
    %dma_start3A_10 = arith.constant 0 : i32
    %dma_start3A_11 = tpu.memref_slice %arg11[%dma_start3A, %dma_start3A_10] : memref<10240x128xf32, #tpu.memory_space<vmem_shared>> -> memref<10240x128xf32, #tpu.memory_space<vmem_shared>>
    tpu.enqueue_indirect_dma source(%arg9 : memref<80x128xf32, #tpu.memory_space<vmem>>) target(%dma_start3A_11 : memref<10240x128xf32, #tpu.memory_space<vmem_shared>>) offsets(%arg7 : memref<80xi32, #tpu.memory_space<vmem>>) semaphore(%arg12 : memref<!tpu.dma_semaphore, #tpu.memory_space<semaphore_mem>>) {add = true}
    %dma_wait3A = arith.constant 0 : i32
    %dma_wait3A_12 = arith.constant 0 : i32
    %dma_wait3A_13 = tpu.memref_slice %arg11[%dma_wait3A, %dma_wait3A_12] : memref<10240x128xf32, #tpu.memory_space<vmem_shared>> -> memref<10240x128xf32, #tpu.memory_space<vmem_shared>>
    tpu.wait_indirect_dma semaphore(%arg12 : memref<!tpu.dma_semaphore, #tpu.memory_space<semaphore_mem>>) src(%arg9 : memref<80x128xf32, #tpu.memory_space<vmem>>) dst(%dma_wait3A_13 : memref<10240x128xf32, #tpu.memory_space<vmem_shared>>)
    %barrier3A_14 = arith.constant 0 : index
    tpu.barrier barrier_id(%barrier3A_14)
    %eq3A = arith.constant 0 : i32
    %eq3A_15 = arith.cmpi eq, %arg0, %eq3A : i32
    %convert_element_type3A = arith.extui %eq3A_15 : i1 to i32
    %cond3A = arith.constant 0 : i32
    %cond3A_16 = arith.cmpi ne, %convert_element_type3A, %cond3A : i32
    scf.if %cond3A_16 {
      "tpu.region"() ({
        %run_scoped3A = tpu.sem_alloc : memref<!tpu.dma_semaphore, #tpu.memory_space<semaphore_mem>>
        %dma_start3A_22 = arith.constant 0 : i32
        %dma_start3A_23 = tpu.memref_slice %arg5[%mul3A_0, %dma_start3A_22] : memref<10240x128xf32, #tpu.memory_space<hbm>> -> memref<640x128xf32, #tpu.memory_space<hbm>>
        %dma_start3A_24 = arith.constant 0 : i32
        %dma_start3A_25 = tpu.memref_slice %arg11[%mul3A_0, %dma_start3A_24] : memref<10240x128xf32, #tpu.memory_space<vmem_shared>> -> memref<640x128xf32, #tpu.memory_space<vmem_shared>>
        tpu.enqueue_dma source(%dma_start3A_25 : memref<640x128xf32, #tpu.memory_space<vmem_shared>>) target(%dma_start3A_23 : memref<640x128xf32, #tpu.memory_space<hbm>>) target_semaphore(%run_scoped3A : memref<!tpu.dma_semaphore, #tpu.memory_space<semaphore_mem>>)
        %dma_wait3A_26 = arith.constant 0 : i32
        %dma_wait3A_27 = tpu.memref_slice %arg5[%mul3A_0, %dma_wait3A_26] : memref<10240x128xf32, #tpu.memory_space<hbm>> -> memref<640x128xf32, #tpu.memory_space<hbm>>
        %dma_wait3A_28 = arith.constant 0 : i32
        %dma_wait3A_29 = tpu.memref_slice %arg11[%mul3A_0, %dma_wait3A_28] : memref<10240x128xf32, #tpu.memory_space<vmem_shared>> -> memref<640x128xf32, #tpu.memory_space<vmem_shared>>
        tpu.wait_dma2 semaphore(%run_scoped3A : memref<!tpu.dma_semaphore, #tpu.memory_space<semaphore_mem>>) src(%dma_wait3A_29 : memref<640x128xf32, #tpu.memory_space<vmem_shared>>) dst(%dma_wait3A_27 : memref<640x128xf32, #tpu.memory_space<hbm>>)
        tpu.yield
      }) : () -> ()
    } else {
    }
    %eq3A_17 = arith.constant 1 : i32
    %eq3A_18 = arith.cmpi eq, %arg0, %eq3A_17 : i32
    %convert_element_type3A_19 = arith.extui %eq3A_18 : i1 to i32
    %cond3A_20 = arith.constant 0 : i32
    %cond3A_21 = arith.cmpi ne, %convert_element_type3A_19, %cond3A_20 : i32
    scf.if %cond3A_21 {
      "tpu.region"() ({
        %run_scoped3A = tpu.sem_alloc : memref<!tpu.dma_semaphore, #tpu.memory_space<semaphore_mem>>
        %dma_start3A_22 = arith.constant 0 : i32
        %dma_start3A_23 = tpu.memref_slice %arg6[%mul3A_0, %dma_start3A_22] : memref<10240x128xf32, #tpu.memory_space<hbm>> -> memref<640x128xf32, #tpu.memory_space<hbm>>
        %dma_start3A_24 = arith.constant 0 : i32
        %dma_start3A_25 = tpu.memref_slice %arg11[%mul3A_0, %dma_start3A_24] : memref<10240x128xf32, #tpu.memory_space<vmem_shared>> -> memref<640x128xf32, #tpu.memory_space<vmem_shared>>
        tpu.enqueue_dma source(%dma_start3A_25 : memref<640x128xf32, #tpu.memory_space<vmem_shared>>) target(%dma_start3A_23 : memref<640x128xf32, #tpu.memory_space<hbm>>) target_semaphore(%run_scoped3A : memref<!tpu.dma_semaphore, #tpu.memory_space<semaphore_mem>>)
        %dma_wait3A_26 = arith.constant 0 : i32
        %dma_wait3A_27 = tpu.memref_slice %arg6[%mul3A_0, %dma_wait3A_26] : memref<10240x128xf32, #tpu.memory_space<hbm>> -> memref<640x128xf32, #tpu.memory_space<hbm>>
        %dma_wait3A_28 = arith.constant 0 : i32
        %dma_wait3A_29 = tpu.memref_slice %arg11[%mul3A_0, %dma_wait3A_28] : memref<10240x128xf32, #tpu.memory_space<vmem_shared>> -> memref<640x128xf32, #tpu.memory_space<vmem_shared>>
        tpu.wait_dma2 semaphore(%run_scoped3A : memref<!tpu.dma_semaphore, #tpu.memory_space<semaphore_mem>>) src(%dma_wait3A_29 : memref<640x128xf32, #tpu.memory_space<vmem_shared>>) dst(%dma_wait3A_27 : memref<640x128xf32, #tpu.memory_space<hbm>>)
        tpu.yield
      }) : () -> ()
    } else {
    }
    return
  }
}

module attributes {stable_mosaic.version = 14 : i64} {
  func.func @_norm_matmul_body(%arg0: i32, %arg1: memref<1000x128xf32, #tpu.memory_space<vmem>>, %arg2: memref<8x128xf32, #tpu.memory_space<vmem>>, %arg3: memref<128x512xf32, #tpu.memory_space<vmem>>, %arg4: memref<1000x128xf32, #tpu.memory_space<vmem>>, %arg5: memref<1000x128xi32, #tpu.memory_space<vmem>>, %arg6: memref<1000x128xi32, #tpu.memory_space<vmem>>) attributes {dimension_semantics = [#tpu.dimension_semantics<arbitrary>], iteration_bounds = array<i64: 10>, scalar_prefetch = 0 : i64, scratch_operands = 0 : i64, tpu.core_type = #tpu.core_type<tc>, window_params = [{transform_indices = @transform_0, window_bounds = array<i64: 1000, 128>}, {pipeline_mode = #tpu.pipeline_mode<synchronous>, transform_indices = @transform_1, window_bounds = array<i64: 8, 128>}, {pipeline_mode = #tpu.pipeline_mode<synchronous>, transform_indices = @transform_2, window_bounds = array<i64: 128, 512>}, {transform_indices = @transform_3, window_bounds = array<i64: 1000, 128>}, {transform_indices = @transform_4, window_bounds = array<i64: 1000, 128>}, {transform_indices = @transform_5, window_bounds = array<i64: 1000, 128>}]} {
    %get3A = arith.constant 0 : index
    %get3A_0 = arith.constant 0 : index
    %get3A_1 = vector.load %arg2[%get3A, %get3A_0] : memref<8x128xf32, #tpu.memory_space<vmem>>, vector<1x128xf32>
    %get3A_2 = arith.constant 1 : index
    %get3A_3 = arith.constant 0 : index
    %get3A_4 = vector.load %arg2[%get3A_2, %get3A_3] : memref<8x128xf32, #tpu.memory_space<vmem>>, vector<1x128xf32>
    %get3A_5 = arith.constant 0 : index
    %get3A_6 = arith.constant 0 : index
    %get3A_7 = vector.load %arg1[%get3A_5, %get3A_6] : memref<1000x128xf32, #tpu.memory_space<vmem>>, vector<1000x128xf32>
    %mul3A = vector.broadcast %get3A_1 : vector<1x128xf32> to vector<1000x128xf32>
    %mul3A_8 = arith.mulf %get3A_7, %mul3A : vector<1000x128xf32>
    %add3A = vector.broadcast %get3A_4 : vector<1x128xf32> to vector<1000x128xf32>
    %add3A_9 = arith.addf %mul3A_8, %add3A : vector<1000x128xf32>
    %swap3A = arith.constant 0 : index
    %swap3A_10 = arith.constant 0 : index
    %swap3A_11 = vector.load %arg4[%swap3A, %swap3A_10] : memref<1000x128xf32, #tpu.memory_space<vmem>>, vector<1000x128xf32>
    tpu.vector_store %arg4[%swap3A, %swap3A_10], %add3A_9 {strides = array<i32>} : memref<1000x128xf32, #tpu.memory_space<vmem>>, vector<1000x128xf32>,
    %get3A_12 = arith.constant 0 : index
    %get3A_13 = arith.constant 0 : index
    %get3A_14 = vector.load %arg3[%get3A_12, %get3A_13] : memref<128x512xf32, #tpu.memory_space<vmem>>, vector<128x512xf32>
    %dot_general3A = arith.constant dense<0.000000e+00> : vector<1000x512xf32>
    %dot_general3A_15 = tpu.matmul %add3A_9, %get3A_14, %dot_general3A {dimension_numbers = #tpu.dot_dimension_numbers<[1], [0], [0], [1], [0, 0, 1, 1], [], []>, transpose_lhs_hint = false} : vector<1000x128xf32>, vector<128x512xf32>, vector<1000x512xf32> -> vector<1000x512xf32>
    %slice3A = vector.extract_strided_slice %dot_general3A_15 {offsets = [0, 0], sizes = [1000, 128], strides = [1, 1]} : vector<1000x512xf32> to vector<1000x128xf32>
    %slice3A_16 = vector.extract_strided_slice %dot_general3A_15 {offsets = [0, 128], sizes = [1000, 128], strides = [1, 1]} : vector<1000x512xf32> to vector<1000x128xf32>
    %bitcast_convert_type3A = tpu.bitcast %slice3A : vector<1000x128xf32> -> vector<1000x128xi32>
    %add3A_17 = arith.constant 32767 : i32
    %add3A_18 = vector.broadcast %add3A_17 : i32 to vector<1000x128xi32>
    %add3A_19 = arith.addi %bitcast_convert_type3A, %add3A_18 : vector<1000x128xi32>
    %shift_right_arithmetic3A = arith.constant 16 : i32
    %shift_right_arithmetic3A_20 = vector.broadcast %shift_right_arithmetic3A : i32 to vector<1000x128xi32>
    %shift_right_arithmetic3A_21 = arith.shrsi %bitcast_convert_type3A, %shift_right_arithmetic3A_20 : vector<1000x128xi32>
    %and3A = arith.constant 1 : i32
    %and3A_22 = vector.broadcast %and3A : i32 to vector<1000x128xi32>
    %and3A_23 = arith.andi %shift_right_arithmetic3A_21, %and3A_22 : vector<1000x128xi32>
    %add3A_24 = arith.addi %add3A_19, %and3A_23 : vector<1000x128xi32>
    %shift_right_logical3A = arith.constant 16 : i32
    %shift_right_logical3A_25 = vector.broadcast %shift_right_logical3A : i32 to vector<1000x128xi32>
    %shift_right_logical3A_26 = arith.shrui %add3A_24, %shift_right_logical3A_25 : vector<1000x128xi32>
    %bitcast_convert_type3A_27 = tpu.bitcast %slice3A_16 : vector<1000x128xf32> -> vector<1000x128xi32>
    %add3A_28 = arith.constant 32767 : i32
    %add3A_29 = vector.broadcast %add3A_28 : i32 to vector<1000x128xi32>
    %add3A_30 = arith.addi %bitcast_convert_type3A_27, %add3A_29 : vector<1000x128xi32>
    %shift_right_arithmetic3A_31 = arith.constant 16 : i32
    %shift_right_arithmetic3A_32 = vector.broadcast %shift_right_arithmetic3A_31 : i32 to vector<1000x128xi32>
    %shift_right_arithmetic3A_33 = arith.shrsi %bitcast_convert_type3A_27, %shift_right_arithmetic3A_32 : vector<1000x128xi32>
    %and3A_34 = arith.constant 1 : i32
    %and3A_35 = vector.broadcast %and3A_34 : i32 to vector<1000x128xi32>
    %and3A_36 = arith.andi %shift_right_arithmetic3A_33, %and3A_35 : vector<1000x128xi32>
    %add3A_37 = arith.addi %add3A_30, %and3A_36 : vector<1000x128xi32>
    %shift_right_logical3A_38 = arith.constant 16 : i32
    %shift_right_logical3A_39 = vector.broadcast %shift_right_logical3A_38 : i32 to vector<1000x128xi32>
    %shift_right_logical3A_40 = arith.shrui %add3A_37, %shift_right_logical3A_39 : vector<1000x128xi32>
    %shift_left3A = arith.constant 16 : i32
    %shift_left3A_41 = vector.broadcast %shift_left3A : i32 to vector<1000x128xi32>
    %shift_left3A_42 = arith.shli %shift_right_logical3A_40, %shift_left3A_41 : vector<1000x128xi32>
    %or3A = arith.ori %shift_right_logical3A_26, %shift_left3A_42 : vector<1000x128xi32>
    %swap3A_43 = arith.constant 0 : index
    %swap3A_44 = arith.constant 0 : index
    %swap3A_45 = vector.load %arg5[%swap3A_43, %swap3A_44] : memref<1000x128xi32, #tpu.memory_space<vmem>>, vector<1000x128xi32>
    tpu.vector_store %arg5[%swap3A_43, %swap3A_44], %or3A {strides = array<i32>} : memref<1000x128xi32, #tpu.memory_space<vmem>>, vector<1000x128xi32>,
    %slice3A_46 = vector.extract_strided_slice %dot_general3A_15 {offsets = [0, 256], sizes = [1000, 128], strides = [1, 1]} : vector<1000x512xf32> to vector<1000x128xf32>
    %slice3A_47 = vector.extract_strided_slice %dot_general3A_15 {offsets = [0, 384], sizes = [1000, 128], strides = [1, 1]} : vector<1000x512xf32> to vector<1000x128xf32>
    %bitcast_convert_type3A_48 = tpu.bitcast %slice3A_46 : vector<1000x128xf32> -> vector<1000x128xi32>
    %add3A_49 = arith.constant 32767 : i32
    %add3A_50 = vector.broadcast %add3A_49 : i32 to vector<1000x128xi32>
    %add3A_51 = arith.addi %bitcast_convert_type3A_48, %add3A_50 : vector<1000x128xi32>
    %shift_right_arithmetic3A_52 = arith.constant 16 : i32
    %shift_right_arithmetic3A_53 = vector.broadcast %shift_right_arithmetic3A_52 : i32 to vector<1000x128xi32>
    %shift_right_arithmetic3A_54 = arith.shrsi %bitcast_convert_type3A_48, %shift_right_arithmetic3A_53 : vector<1000x128xi32>
    %and3A_55 = arith.constant 1 : i32
    %and3A_56 = vector.broadcast %and3A_55 : i32 to vector<1000x128xi32>
    %and3A_57 = arith.andi %shift_right_arithmetic3A_54, %and3A_56 : vector<1000x128xi32>
    %add3A_58 = arith.addi %add3A_51, %and3A_57 : vector<1000x128xi32>
    %shift_right_logical3A_59 = arith.constant 16 : i32
    %shift_right_logical3A_60 = vector.broadcast %shift_right_logical3A_59 : i32 to vector<1000x128xi32>
    %shift_right_logical3A_61 = arith.shrui %add3A_58, %shift_right_logical3A_60 : vector<1000x128xi32>
    %bitcast_convert_type3A_62 = tpu.bitcast %slice3A_47 : vector<1000x128xf32> -> vector<1000x128xi32>
    %add3A_63 = arith.constant 32767 : i32
    %add3A_64 = vector.broadcast %add3A_63 : i32 to vector<1000x128xi32>
    %add3A_65 = arith.addi %bitcast_convert_type3A_62, %add3A_64 : vector<1000x128xi32>
    %shift_right_arithmetic3A_66 = arith.constant 16 : i32
    %shift_right_arithmetic3A_67 = vector.broadcast %shift_right_arithmetic3A_66 : i32 to vector<1000x128xi32>
    %shift_right_arithmetic3A_68 = arith.shrsi %bitcast_convert_type3A_62, %shift_right_arithmetic3A_67 : vector<1000x128xi32>
    %and3A_69 = arith.constant 1 : i32
    %and3A_70 = vector.broadcast %and3A_69 : i32 to vector<1000x128xi32>
    %and3A_71 = arith.andi %shift_right_arithmetic3A_68, %and3A_70 : vector<1000x128xi32>
    %add3A_72 = arith.addi %add3A_65, %and3A_71 : vector<1000x128xi32>
    %shift_right_logical3A_73 = arith.constant 16 : i32
    %shift_right_logical3A_74 = vector.broadcast %shift_right_logical3A_73 : i32 to vector<1000x128xi32>
    %shift_right_logical3A_75 = arith.shrui %add3A_72, %shift_right_logical3A_74 : vector<1000x128xi32>
    %shift_left3A_76 = arith.constant 16 : i32
    %shift_left3A_77 = vector.broadcast %shift_left3A_76 : i32 to vector<1000x128xi32>
    %shift_left3A_78 = arith.shli %shift_right_logical3A_75, %shift_left3A_77 : vector<1000x128xi32>
    %or3A_79 = arith.ori %shift_right_logical3A_61, %shift_left3A_78 : vector<1000x128xi32>
    %swap3A_80 = arith.constant 0 : index
    %swap3A_81 = arith.constant 0 : index
    %swap3A_82 = vector.load %arg6[%swap3A_80, %swap3A_81] : memref<1000x128xi32, #tpu.memory_space<vmem>>, vector<1000x128xi32>
    tpu.vector_store %arg6[%swap3A_80, %swap3A_81], %or3A_79 {strides = array<i32>} : memref<1000x128xi32, #tpu.memory_space<vmem>>, vector<1000x128xi32>,
    return
  }
  func.func @transform_0(%arg0: i32) -> (i32, i32) {
    %c0_i32 = arith.constant 0 : i32
    %c0_i32_0 = arith.constant 0 : i32
    return %arg0, %c0_i32 : i32, i32
  }
  func.func @transform_1(%arg0: i32) -> (i32, i32) {
    %c0_i32 = arith.constant 0 : i32
    %c0_i32_0 = arith.constant 0 : i32
    %c0_i32_1 = arith.constant 0 : i32
    return %c0_i32, %c0_i32_0 : i32, i32
  }
  func.func @transform_2(%arg0: i32) -> (i32, i32) {
    %c0_i32 = arith.constant 0 : i32
    %c0_i32_0 = arith.constant 0 : i32
    %c0_i32_1 = arith.constant 0 : i32
    return %c0_i32, %c0_i32_0 : i32, i32
  }
  func.func @transform_3(%arg0: i32) -> (i32, i32) {
    %c0_i32 = arith.constant 0 : i32
    %c0_i32_0 = arith.constant 0 : i32
    return %arg0, %c0_i32 : i32, i32
  }
  func.func @transform_4(%arg0: i32) -> (i32, i32) {
    %c0_i32 = arith.constant 0 : i32
    %c0_i32_0 = arith.constant 0 : i32
    return %arg0, %c0_i32 : i32, i32
  }
  func.func @transform_5(%arg0: i32) -> (i32, i32) {
    %c0_i32 = arith.constant 0 : i32
    %c0_i32_0 = arith.constant 0 : i32
    return %arg0, %c0_i32 : i32, i32
  }
}

module attributes {stable_mosaic.version = 14 : i64} {
  func.func @_msg_body(%arg0: i32, %arg1: memref<2000x128xi32, #tpu.memory_space<vmem>>, %arg2: memref<2000x128xi32, #tpu.memory_space<vmem>>, %arg3: memref<2000x16xf32, #tpu.memory_space<vmem>>, %arg4: memref<16x256xf32, #tpu.memory_space<vmem>>, %arg5: memref<8x256xf32, #tpu.memory_space<vmem>>, %arg6: memref<2000x128xf32, #tpu.memory_space<vmem>>) attributes {dimension_semantics = [#tpu.dimension_semantics<arbitrary>], iteration_bounds = array<i64: 160>, scalar_prefetch = 0 : i64, scratch_operands = 0 : i64, tpu.core_type = #tpu.core_type<tc>, window_params = [{transform_indices = @transform_0, window_bounds = array<i64: 2000, 128>}, {transform_indices = @transform_1, window_bounds = array<i64: 2000, 128>}, {transform_indices = @transform_2, window_bounds = array<i64: 2000, 16>}, {pipeline_mode = #tpu.pipeline_mode<synchronous>, transform_indices = @transform_3, window_bounds = array<i64: 16, 256>}, {pipeline_mode = #tpu.pipeline_mode<synchronous>, transform_indices = @transform_4, window_bounds = array<i64: 8, 256>}, {transform_indices = @transform_5, window_bounds = array<i64: 2000, 128>}]} {
    %get3A = arith.constant 0 : index
    %get3A_0 = arith.constant 0 : index
    %get3A_1 = vector.load %arg3[%get3A, %get3A_0] : memref<2000x16xf32, #tpu.memory_space<vmem>>, vector<2000x16xf32>
    %get3A_2 = arith.constant 0 : index
    %get3A_3 = arith.constant 0 : index
    %get3A_4 = vector.load %arg4[%get3A_2, %get3A_3] : memref<16x256xf32, #tpu.memory_space<vmem>>, vector<16x256xf32>
    %dot_general3A = arith.constant dense<0.000000e+00> : vector<2000x256xf32>
    %dot_general3A_5 = tpu.matmul %get3A_1, %get3A_4, %dot_general3A {dimension_numbers = #tpu.dot_dimension_numbers<[1], [0], [0], [1], [0, 0, 1, 1], [], []>, transpose_lhs_hint = false} : vector<2000x16xf32>, vector<16x256xf32>, vector<2000x256xf32> -> vector<2000x256xf32>
    %get3A_6 = arith.constant 0 : index
    %get3A_7 = arith.constant 0 : index
    %get3A_8 = vector.load %arg5[%get3A_6, %get3A_7] : memref<8x256xf32, #tpu.memory_space<vmem>>, vector<1x256xf32>
    %add3A = vector.broadcast %get3A_8 : vector<1x256xf32> to vector<2000x256xf32>
    %add3A_9 = arith.addf %dot_general3A_5, %add3A : vector<2000x256xf32>
    %get3A_10 = arith.constant 0 : index
    %get3A_11 = arith.constant 0 : index
    %get3A_12 = vector.load %arg1[%get3A_10, %get3A_11] : memref<2000x128xi32, #tpu.memory_space<vmem>>, vector<2000x128xi32>
    %shift_left3A = arith.constant 16 : i32
    %shift_left3A_13 = vector.broadcast %shift_left3A : i32 to vector<2000x128xi32>
    %shift_left3A_14 = arith.shli %get3A_12, %shift_left3A_13 : vector<2000x128xi32>
    %bitcast_convert_type3A = tpu.bitcast %shift_left3A_14 : vector<2000x128xi32> -> vector<2000x128xf32>
    %shift_right_arithmetic3A = arith.constant 16 : i32
    %shift_right_arithmetic3A_15 = vector.broadcast %shift_right_arithmetic3A : i32 to vector<2000x128xi32>
    %shift_right_arithmetic3A_16 = arith.shrsi %get3A_12, %shift_right_arithmetic3A_15 : vector<2000x128xi32>
    %shift_left3A_17 = arith.constant 16 : i32
    %shift_left3A_18 = vector.broadcast %shift_left3A_17 : i32 to vector<2000x128xi32>
    %shift_left3A_19 = arith.shli %shift_right_arithmetic3A_16, %shift_left3A_18 : vector<2000x128xi32>
    %bitcast_convert_type3A_20 = tpu.bitcast %shift_left3A_19 : vector<2000x128xi32> -> vector<2000x128xf32>
    %get3A_21 = arith.constant 0 : index
    %get3A_22 = arith.constant 0 : index
    %get3A_23 = vector.load %arg2[%get3A_21, %get3A_22] : memref<2000x128xi32, #tpu.memory_space<vmem>>, vector<2000x128xi32>
    %shift_left3A_24 = arith.constant 16 : i32
    %shift_left3A_25 = vector.broadcast %shift_left3A_24 : i32 to vector<2000x128xi32>
    %shift_left3A_26 = arith.shli %get3A_23, %shift_left3A_25 : vector<2000x128xi32>
    %bitcast_convert_type3A_27 = tpu.bitcast %shift_left3A_26 : vector<2000x128xi32> -> vector<2000x128xf32>
    %shift_right_arithmetic3A_28 = arith.constant 16 : i32
    %shift_right_arithmetic3A_29 = vector.broadcast %shift_right_arithmetic3A_28 : i32 to vector<2000x128xi32>
    %shift_right_arithmetic3A_30 = arith.shrsi %get3A_23, %shift_right_arithmetic3A_29 : vector<2000x128xi32>
    %shift_left3A_31 = arith.constant 16 : i32
    %shift_left3A_32 = vector.broadcast %shift_left3A_31 : i32 to vector<2000x128xi32>
    %shift_left3A_33 = arith.shli %shift_right_arithmetic3A_30, %shift_left3A_32 : vector<2000x128xi32>
    %bitcast_convert_type3A_34 = tpu.bitcast %shift_left3A_33 : vector<2000x128xi32> -> vector<2000x128xf32>
    %add3A_35 = arith.addf %bitcast_convert_type3A, %bitcast_convert_type3A_27 : vector<2000x128xf32>
    %slice3A = vector.extract_strided_slice %add3A_9 {offsets = [0, 0], sizes = [2000, 128], strides = [1, 1]} : vector<2000x256xf32> to vector<2000x128xf32>
    %add3A_36 = arith.addf %add3A_35, %slice3A : vector<2000x128xf32>
    %add3A_37 = arith.addf %bitcast_convert_type3A_20, %bitcast_convert_type3A_34 : vector<2000x128xf32>
    %slice3A_38 = vector.extract_strided_slice %add3A_9 {offsets = [0, 128], sizes = [2000, 128], strides = [1, 1]} : vector<2000x256xf32> to vector<2000x128xf32>
    %add3A_39 = arith.addf %add3A_37, %slice3A_38 : vector<2000x128xf32>
    %logistic3A = arith.negf %add3A_36 : vector<2000x128xf32>
    %logistic3A_40 = math.exp %logistic3A : vector<2000x128xf32>
    %logistic3A_41 = arith.constant 1.000000e+00 : f32
    %logistic3A_42 = vector.broadcast %logistic3A_41 : f32 to vector<2000x128xf32>
    %logistic3A_43 = arith.addf %logistic3A_42, %logistic3A_40 : vector<2000x128xf32>
    %logistic3A_44 = arith.divf %logistic3A_42, %logistic3A_43 : vector<2000x128xf32>
    %custom_jvp_call3A = arith.constant 0.000000e+00 : f32
    %max3A = vector.broadcast %custom_jvp_call3A : f32 to vector<2000x128xf32>
    %max3A_45 = arith.maximumf %add3A_39, %max3A : vector<2000x128xf32>
    %sub3A = vector.broadcast %custom_jvp_call3A : f32 to vector<2000x128xf32>
    %sub3A_46 = arith.subf %add3A_39, %sub3A : vector<2000x128xf32>
    %ne3A = arith.cmpf one, %sub3A_46, %sub3A_46 : vector<2000x128xf32>
    %add3A_47 = vector.broadcast %custom_jvp_call3A : f32 to vector<2000x128xf32>
    %add3A_48 = arith.addf %add3A_39, %add3A_47 : vector<2000x128xf32>
    %abs3A = math.absf %sub3A_46 : vector<2000x128xf32>
    %neg3A = arith.constant 0.000000e+00 : f32
    %neg3A_49 = vector.broadcast %neg3A : f32 to vector<2000x128xf32>
    %neg3A_50 = arith.subf %neg3A_49, %abs3A : vector<2000x128xf32>
    %exp3A = math.exp %neg3A_50 : vector<2000x128xf32>
    %log1p3A = math.log1p %exp3A : vector<2000x128xf32>
    %add3A_51 = arith.addf %max3A_45, %log1p3A : vector<2000x128xf32>
    %select_n3A = arith.select %ne3A, %add3A_48, %add3A_51 : vector<2000x128xi1>, vector<2000x128xf32>
    %mul3A = arith.mulf %logistic3A_44, %select_n3A : vector<2000x128xf32>
    %swap3A = arith.constant 0 : index
    %swap3A_52 = arith.constant 0 : index
    %swap3A_53 = vector.load %arg6[%swap3A, %swap3A_52] : memref<2000x128xf32, #tpu.memory_space<vmem>>, vector<2000x128xf32>
    tpu.vector_store %arg6[%swap3A, %swap3A_52], %mul3A {strides = array<i32>} : memref<2000x128xf32, #tpu.memory_space<vmem>>, vector<2000x128xf32>,
    return
  }
  func.func @transform_0(%arg0: i32) -> (i32, i32) {
    %c0_i32 = arith.constant 0 : i32
    %c0_i32_0 = arith.constant 0 : i32
    return %arg0, %c0_i32 : i32, i32
  }
  func.func @transform_1(%arg0: i32) -> (i32, i32) {
    %c0_i32 = arith.constant 0 : i32
    %c0_i32_0 = arith.constant 0 : i32
    return %arg0, %c0_i32 : i32, i32
  }
  func.func @transform_2(%arg0: i32) -> (i32, i32) {
    %c0_i32 = arith.constant 0 : i32
    %c0_i32_0 = arith.constant 0 : i32
    return %arg0, %c0_i32 : i32, i32
  }
  func.func @transform_3(%arg0: i32) -> (i32, i32) {
    %c0_i32 = arith.constant 0 : i32
    %c0_i32_0 = arith.constant 0 : i32
    %c0_i32_1 = arith.constant 0 : i32
    return %c0_i32, %c0_i32_0 : i32, i32
  }
  func.func @transform_4(%arg0: i32) -> (i32, i32) {
    %c0_i32 = arith.constant 0 : i32
    %c0_i32_0 = arith.constant 0 : i32
    %c0_i32_1 = arith.constant 0 : i32
    return %c0_i32, %c0_i32_0 : i32, i32
  }
  func.func @transform_5(%arg0: i32) -> (i32, i32) {
    %c0_i32 = arith.constant 0 : i32
    %c0_i32_0 = arith.constant 0 : i32
    return %arg0, %c0_i32 : i32, i32
  }
}

module attributes {stable_mosaic.version = 14 : i64} {
  func.func @_add_stats_body(%arg0: i32, %arg1: memref<1000x128xf32, #tpu.memory_space<vmem>>, %arg2: memref<1000x128xf32, #tpu.memory_space<vmem>>, %arg3: memref<1000x128xf32, #tpu.memory_space<vmem>>, %arg4: memref<1000x128xf32, #tpu.memory_space<vmem>>, %arg5: memref<8x128xf32, #tpu.memory_space<vmem>>) attributes {dimension_semantics = [#tpu.dimension_semantics<arbitrary>], iteration_bounds = array<i64: 10>, scalar_prefetch = 0 : i64, scratch_operands = 0 : i64, tpu.core_type = #tpu.core_type<tc>, window_params = [{transform_indices = @transform_0, window_bounds = array<i64: 1000, 128>}, {transform_indices = @transform_1, window_bounds = array<i64: 1000, 128>}, {transform_indices = @transform_2, window_bounds = array<i64: 1000, 128>}, {transform_indices = @transform_3, window_bounds = array<i64: 1000, 128>}, {pipeline_mode = #tpu.pipeline_mode<synchronous>, transform_indices = @transform_4, window_bounds = array<i64: 8, 128>}]} {
    %get3A = arith.constant 0 : index
    %get3A_0 = arith.constant 0 : index
    %get3A_1 = vector.load %arg1[%get3A, %get3A_0] : memref<1000x128xf32, #tpu.memory_space<vmem>>, vector<1000x128xf32>
    %get3A_2 = arith.constant 0 : index
    %get3A_3 = arith.constant 0 : index
    %get3A_4 = vector.load %arg2[%get3A_2, %get3A_3] : memref<1000x128xf32, #tpu.memory_space<vmem>>, vector<1000x128xf32>
    %add3A = arith.addf %get3A_1, %get3A_4 : vector<1000x128xf32>
    %get3A_5 = arith.constant 0 : index
    %get3A_6 = arith.constant 0 : index
    %get3A_7 = vector.load %arg3[%get3A_5, %get3A_6] : memref<1000x128xf32, #tpu.memory_space<vmem>>, vector<1000x128xf32>
    %add3A_8 = arith.addf %add3A, %get3A_7 : vector<1000x128xf32>
    %swap3A = arith.constant 0 : index
    %swap3A_9 = arith.constant 0 : index
    %swap3A_10 = vector.load %arg4[%swap3A, %swap3A_9] : memref<1000x128xf32, #tpu.memory_space<vmem>>, vector<1000x128xf32>
    tpu.vector_store %arg4[%swap3A, %swap3A_9], %add3A_8 {strides = array<i32>} : memref<1000x128xf32, #tpu.memory_space<vmem>>, vector<1000x128xf32>,
    %reduce_sum3A = arith.constant dense<0.000000e+00> : vector<128xf32>
    %reduce_sum3A_11 = vector.multi_reduction <add>, %add3A_8, %reduce_sum3A [0] : vector<1000x128xf32> to vector<128xf32>
    %broadcast_in_dim3A = vector.shape_cast %reduce_sum3A_11 : vector<128xf32> to vector<1x128xf32>
    %mul3A = arith.mulf %add3A_8, %add3A_8 : vector<1000x128xf32>
    %reduce_sum3A_12 = arith.constant dense<0.000000e+00> : vector<128xf32>
    %reduce_sum3A_13 = vector.multi_reduction <add>, %mul3A, %reduce_sum3A_12 [0] : vector<1000x128xf32> to vector<128xf32>
    %broadcast_in_dim3A_14 = vector.shape_cast %reduce_sum3A_13 : vector<128xf32> to vector<1x128xf32>
    %broadcast_in_dim3A_15 = arith.constant 0.000000e+00 : f32
    %broadcast_in_dim3A_16 = vector.broadcast %broadcast_in_dim3A_15 : f32 to vector<6x128xf32>
    %concatenate3A = tpu.concatenate %broadcast_in_dim3A, %broadcast_in_dim3A_14, %broadcast_in_dim3A_16 in 0 : vector<1x128xf32>, vector<1x128xf32>, vector<6x128xf32> -> vector<8x128xf32>
    %eq3A = arith.constant 0 : i32
    %eq3A_17 = arith.cmpi eq, %arg0, %eq3A : i32
    %convert_element_type3A = arith.extui %eq3A_17 : i1 to i32
    %cond3A = arith.constant 0 : i32
    %cond3A_18 = arith.cmpi ne, %convert_element_type3A, %cond3A : i32
    scf.if %cond3A_18 {
      %swap3A_23 = arith.constant 0 : index
      %swap3A_24 = arith.constant 0 : index
      %swap3A_25 = vector.load %arg5[%swap3A_23, %swap3A_24] : memref<8x128xf32, #tpu.memory_space<vmem>>, vector<8x128xf32>
      tpu.vector_store %arg5[%swap3A_23, %swap3A_24], %concatenate3A {strides = array<i32>} : memref<8x128xf32, #tpu.memory_space<vmem>>, vector<8x128xf32>,
    } else {
    }
    %gt3A = arith.constant 0 : i32
    %gt3A_19 = arith.cmpi sgt, %arg0, %gt3A : i32
    %convert_element_type3A_20 = arith.extui %gt3A_19 : i1 to i32
    %cond3A_21 = arith.constant 0 : i32
    %cond3A_22 = arith.cmpi ne, %convert_element_type3A_20, %cond3A_21 : i32
    scf.if %cond3A_22 {
      %get3A_23 = arith.constant 0 : index
      %get3A_24 = arith.constant 0 : index
      %get3A_25 = vector.load %arg5[%get3A_23, %get3A_24] : memref<8x128xf32, #tpu.memory_space<vmem>>, vector<8x128xf32>
      %add3A_26 = arith.addf %get3A_25, %concatenate3A : vector<8x128xf32>
      %swap3A_27 = arith.constant 0 : index
      %swap3A_28 = arith.constant 0 : index
      %swap3A_29 = vector.load %arg5[%swap3A_27, %swap3A_28] : memref<8x128xf32, #tpu.memory_space<vmem>>, vector<8x128xf32>
      tpu.vector_store %arg5[%swap3A_27, %swap3A_28], %add3A_26 {strides = array<i32>} : memref<8x128xf32, #tpu.memory_space<vmem>>, vector<8x128xf32>,
    } else {
    }
    return
  }
  func.func @transform_0(%arg0: i32) -> (i32, i32) {
    %c0_i32 = arith.constant 0 : i32
    %c0_i32_0 = arith.constant 0 : i32
    return %arg0, %c0_i32 : i32, i32
  }
  func.func @transform_1(%arg0: i32) -> (i32, i32) {
    %c0_i32 = arith.constant 0 : i32
    %c0_i32_0 = arith.constant 0 : i32
    return %arg0, %c0_i32 : i32, i32
  }
  func.func @transform_2(%arg0: i32) -> (i32, i32) {
    %c0_i32 = arith.constant 0 : i32
    %c0_i32_0 = arith.constant 0 : i32
    return %arg0, %c0_i32 : i32, i32
  }
  func.func @transform_3(%arg0: i32) -> (i32, i32) {
    %c0_i32 = arith.constant 0 : i32
    %c0_i32_0 = arith.constant 0 : i32
    return %arg0, %c0_i32 : i32, i32
  }
  func.func @transform_4(%arg0: i32) -> (i32, i32) {
    %c0_i32 = arith.constant 0 : i32
    %c0_i32_0 = arith.constant 0 : i32
    %c0_i32_1 = arith.constant 0 : i32
    return %c0_i32, %c0_i32_0 : i32, i32
  }
}

module attributes {stable_mosaic.version = 14 : i64} {
  func.func @_norm_matmul_body(%arg0: i32, %arg1: memref<1000x128xf32, #tpu.memory_space<vmem>>, %arg2: memref<8x128xf32, #tpu.memory_space<vmem>>, %arg3: memref<128x512xf32, #tpu.memory_space<vmem>>, %arg4: memref<1000x128xf32, #tpu.memory_space<vmem>>, %arg5: memref<1000x128xi32, #tpu.memory_space<vmem>>, %arg6: memref<1000x128xi32, #tpu.memory_space<vmem>>) attributes {dimension_semantics = [#tpu.dimension_semantics<arbitrary>], iteration_bounds = array<i64: 10>, scalar_prefetch = 0 : i64, scratch_operands = 0 : i64, tpu.core_type = #tpu.core_type<tc>, window_params = [{transform_indices = @transform_0, window_bounds = array<i64: 1000, 128>}, {pipeline_mode = #tpu.pipeline_mode<synchronous>, transform_indices = @transform_1, window_bounds = array<i64: 8, 128>}, {pipeline_mode = #tpu.pipeline_mode<synchronous>, transform_indices = @transform_2, window_bounds = array<i64: 128, 512>}, {transform_indices = @transform_3, window_bounds = array<i64: 1000, 128>}, {transform_indices = @transform_4, window_bounds = array<i64: 1000, 128>}, {transform_indices = @transform_5, window_bounds = array<i64: 1000, 128>}]} {
    %get3A = arith.constant 0 : index
    %get3A_0 = arith.constant 0 : index
    %get3A_1 = vector.load %arg2[%get3A, %get3A_0] : memref<8x128xf32, #tpu.memory_space<vmem>>, vector<1x128xf32>
    %get3A_2 = arith.constant 1 : index
    %get3A_3 = arith.constant 0 : index
    %get3A_4 = vector.load %arg2[%get3A_2, %get3A_3] : memref<8x128xf32, #tpu.memory_space<vmem>>, vector<1x128xf32>
    %get3A_5 = arith.constant 0 : index
    %get3A_6 = arith.constant 0 : index
    %get3A_7 = vector.load %arg1[%get3A_5, %get3A_6] : memref<1000x128xf32, #tpu.memory_space<vmem>>, vector<1000x128xf32>
    %mul3A = vector.broadcast %get3A_1 : vector<1x128xf32> to vector<1000x128xf32>
    %mul3A_8 = arith.mulf %get3A_7, %mul3A : vector<1000x128xf32>
    %add3A = vector.broadcast %get3A_4 : vector<1x128xf32> to vector<1000x128xf32>
    %add3A_9 = arith.addf %mul3A_8, %add3A : vector<1000x128xf32>
    %swap3A = arith.constant 0 : index
    %swap3A_10 = arith.constant 0 : index
    %swap3A_11 = vector.load %arg4[%swap3A, %swap3A_10] : memref<1000x128xf32, #tpu.memory_space<vmem>>, vector<1000x128xf32>
    tpu.vector_store %arg4[%swap3A, %swap3A_10], %add3A_9 {strides = array<i32>} : memref<1000x128xf32, #tpu.memory_space<vmem>>, vector<1000x128xf32>,
    %get3A_12 = arith.constant 0 : index
    %get3A_13 = arith.constant 0 : index
    %get3A_14 = vector.load %arg3[%get3A_12, %get3A_13] : memref<128x512xf32, #tpu.memory_space<vmem>>, vector<128x512xf32>
    %dot_general3A = arith.constant dense<0.000000e+00> : vector<1000x512xf32>
    %dot_general3A_15 = tpu.matmul %add3A_9, %get3A_14, %dot_general3A {dimension_numbers = #tpu.dot_dimension_numbers<[1], [0], [0], [1], [0, 0, 1, 1], [], []>, transpose_lhs_hint = false} : vector<1000x128xf32>, vector<128x512xf32>, vector<1000x512xf32> -> vector<1000x512xf32>
    %slice3A = vector.extract_strided_slice %dot_general3A_15 {offsets = [0, 0], sizes = [1000, 128], strides = [1, 1]} : vector<1000x512xf32> to vector<1000x128xf32>
    %slice3A_16 = vector.extract_strided_slice %dot_general3A_15 {offsets = [0, 128], sizes = [1000, 128], strides = [1, 1]} : vector<1000x512xf32> to vector<1000x128xf32>
    %bitcast_convert_type3A = tpu.bitcast %slice3A : vector<1000x128xf32> -> vector<1000x128xi32>
    %add3A_17 = arith.constant 32767 : i32
    %add3A_18 = vector.broadcast %add3A_17 : i32 to vector<1000x128xi32>
    %add3A_19 = arith.addi %bitcast_convert_type3A, %add3A_18 : vector<1000x128xi32>
    %shift_right_arithmetic3A = arith.constant 16 : i32
    %shift_right_arithmetic3A_20 = vector.broadcast %shift_right_arithmetic3A : i32 to vector<1000x128xi32>
    %shift_right_arithmetic3A_21 = arith.shrsi %bitcast_convert_type3A, %shift_right_arithmetic3A_20 : vector<1000x128xi32>
    %and3A = arith.constant 1 : i32
    %and3A_22 = vector.broadcast %and3A : i32 to vector<1000x128xi32>
    %and3A_23 = arith.andi %shift_right_arithmetic3A_21, %and3A_22 : vector<1000x128xi32>
    %add3A_24 = arith.addi %add3A_19, %and3A_23 : vector<1000x128xi32>
    %shift_right_logical3A = arith.constant 16 : i32
    %shift_right_logical3A_25 = vector.broadcast %shift_right_logical3A : i32 to vector<1000x128xi32>
    %shift_right_logical3A_26 = arith.shrui %add3A_24, %shift_right_logical3A_25 : vector<1000x128xi32>
    %bitcast_convert_type3A_27 = tpu.bitcast %slice3A_16 : vector<1000x128xf32> -> vector<1000x128xi32>
    %add3A_28 = arith.constant 32767 : i32
    %add3A_29 = vector.broadcast %add3A_28 : i32 to vector<1000x128xi32>
    %add3A_30 = arith.addi %bitcast_convert_type3A_27, %add3A_29 : vector<1000x128xi32>
    %shift_right_arithmetic3A_31 = arith.constant 16 : i32
    %shift_right_arithmetic3A_32 = vector.broadcast %shift_right_arithmetic3A_31 : i32 to vector<1000x128xi32>
    %shift_right_arithmetic3A_33 = arith.shrsi %bitcast_convert_type3A_27, %shift_right_arithmetic3A_32 : vector<1000x128xi32>
    %and3A_34 = arith.constant 1 : i32
    %and3A_35 = vector.broadcast %and3A_34 : i32 to vector<1000x128xi32>
    %and3A_36 = arith.andi %shift_right_arithmetic3A_33, %and3A_35 : vector<1000x128xi32>
    %add3A_37 = arith.addi %add3A_30, %and3A_36 : vector<1000x128xi32>
    %shift_right_logical3A_38 = arith.constant 16 : i32
    %shift_right_logical3A_39 = vector.broadcast %shift_right_logical3A_38 : i32 to vector<1000x128xi32>
    %shift_right_logical3A_40 = arith.shrui %add3A_37, %shift_right_logical3A_39 : vector<1000x128xi32>
    %shift_left3A = arith.constant 16 : i32
    %shift_left3A_41 = vector.broadcast %shift_left3A : i32 to vector<1000x128xi32>
    %shift_left3A_42 = arith.shli %shift_right_logical3A_40, %shift_left3A_41 : vector<1000x128xi32>
    %or3A = arith.ori %shift_right_logical3A_26, %shift_left3A_42 : vector<1000x128xi32>
    %swap3A_43 = arith.constant 0 : index
    %swap3A_44 = arith.constant 0 : index
    %swap3A_45 = vector.load %arg5[%swap3A_43, %swap3A_44] : memref<1000x128xi32, #tpu.memory_space<vmem>>, vector<1000x128xi32>
    tpu.vector_store %arg5[%swap3A_43, %swap3A_44], %or3A {strides = array<i32>} : memref<1000x128xi32, #tpu.memory_space<vmem>>, vector<1000x128xi32>,
    %slice3A_46 = vector.extract_strided_slice %dot_general3A_15 {offsets = [0, 256], sizes = [1000, 128], strides = [1, 1]} : vector<1000x512xf32> to vector<1000x128xf32>
    %slice3A_47 = vector.extract_strided_slice %dot_general3A_15 {offsets = [0, 384], sizes = [1000, 128], strides = [1, 1]} : vector<1000x512xf32> to vector<1000x128xf32>
    %bitcast_convert_type3A_48 = tpu.bitcast %slice3A_46 : vector<1000x128xf32> -> vector<1000x128xi32>
    %add3A_49 = arith.constant 32767 : i32
    %add3A_50 = vector.broadcast %add3A_49 : i32 to vector<1000x128xi32>
    %add3A_51 = arith.addi %bitcast_convert_type3A_48, %add3A_50 : vector<1000x128xi32>
    %shift_right_arithmetic3A_52 = arith.constant 16 : i32
    %shift_right_arithmetic3A_53 = vector.broadcast %shift_right_arithmetic3A_52 : i32 to vector<1000x128xi32>
    %shift_right_arithmetic3A_54 = arith.shrsi %bitcast_convert_type3A_48, %shift_right_arithmetic3A_53 : vector<1000x128xi32>
    %and3A_55 = arith.constant 1 : i32
    %and3A_56 = vector.broadcast %and3A_55 : i32 to vector<1000x128xi32>
    %and3A_57 = arith.andi %shift_right_arithmetic3A_54, %and3A_56 : vector<1000x128xi32>
    %add3A_58 = arith.addi %add3A_51, %and3A_57 : vector<1000x128xi32>
    %shift_right_logical3A_59 = arith.constant 16 : i32
    %shift_right_logical3A_60 = vector.broadcast %shift_right_logical3A_59 : i32 to vector<1000x128xi32>
    %shift_right_logical3A_61 = arith.shrui %add3A_58, %shift_right_logical3A_60 : vector<1000x128xi32>
    %bitcast_convert_type3A_62 = tpu.bitcast %slice3A_47 : vector<1000x128xf32> -> vector<1000x128xi32>
    %add3A_63 = arith.constant 32767 : i32
    %add3A_64 = vector.broadcast %add3A_63 : i32 to vector<1000x128xi32>
    %add3A_65 = arith.addi %bitcast_convert_type3A_62, %add3A_64 : vector<1000x128xi32>
    %shift_right_arithmetic3A_66 = arith.constant 16 : i32
    %shift_right_arithmetic3A_67 = vector.broadcast %shift_right_arithmetic3A_66 : i32 to vector<1000x128xi32>
    %shift_right_arithmetic3A_68 = arith.shrsi %bitcast_convert_type3A_62, %shift_right_arithmetic3A_67 : vector<1000x128xi32>
    %and3A_69 = arith.constant 1 : i32
    %and3A_70 = vector.broadcast %and3A_69 : i32 to vector<1000x128xi32>
    %and3A_71 = arith.andi %shift_right_arithmetic3A_68, %and3A_70 : vector<1000x128xi32>
    %add3A_72 = arith.addi %add3A_65, %and3A_71 : vector<1000x128xi32>
    %shift_right_logical3A_73 = arith.constant 16 : i32
    %shift_right_logical3A_74 = vector.broadcast %shift_right_logical3A_73 : i32 to vector<1000x128xi32>
    %shift_right_logical3A_75 = arith.shrui %add3A_72, %shift_right_logical3A_74 : vector<1000x128xi32>
    %shift_left3A_76 = arith.constant 16 : i32
    %shift_left3A_77 = vector.broadcast %shift_left3A_76 : i32 to vector<1000x128xi32>
    %shift_left3A_78 = arith.shli %shift_right_logical3A_75, %shift_left3A_77 : vector<1000x128xi32>
    %or3A_79 = arith.ori %shift_right_logical3A_61, %shift_left3A_78 : vector<1000x128xi32>
    %swap3A_80 = arith.constant 0 : index
    %swap3A_81 = arith.constant 0 : index
    %swap3A_82 = vector.load %arg6[%swap3A_80, %swap3A_81] : memref<1000x128xi32, #tpu.memory_space<vmem>>, vector<1000x128xi32>
    tpu.vector_store %arg6[%swap3A_80, %swap3A_81], %or3A_79 {strides = array<i32>} : memref<1000x128xi32, #tpu.memory_space<vmem>>, vector<1000x128xi32>,
    return
  }
  func.func @transform_0(%arg0: i32) -> (i32, i32) {
    %c0_i32 = arith.constant 0 : i32
    %c0_i32_0 = arith.constant 0 : i32
    return %arg0, %c0_i32 : i32, i32
  }
  func.func @transform_1(%arg0: i32) -> (i32, i32) {
    %c0_i32 = arith.constant 0 : i32
    %c0_i32_0 = arith.constant 0 : i32
    %c0_i32_1 = arith.constant 0 : i32
    return %c0_i32, %c0_i32_0 : i32, i32
  }
  func.func @transform_2(%arg0: i32) -> (i32, i32) {
    %c0_i32 = arith.constant 0 : i32
    %c0_i32_0 = arith.constant 0 : i32
    %c0_i32_1 = arith.constant 0 : i32
    return %c0_i32, %c0_i32_0 : i32, i32
  }
  func.func @transform_3(%arg0: i32) -> (i32, i32) {
    %c0_i32 = arith.constant 0 : i32
    %c0_i32_0 = arith.constant 0 : i32
    return %arg0, %c0_i32 : i32, i32
  }
  func.func @transform_4(%arg0: i32) -> (i32, i32) {
    %c0_i32 = arith.constant 0 : i32
    %c0_i32_0 = arith.constant 0 : i32
    return %arg0, %c0_i32 : i32, i32
  }
  func.func @transform_5(%arg0: i32) -> (i32, i32) {
    %c0_i32 = arith.constant 0 : i32
    %c0_i32_0 = arith.constant 0 : i32
    return %arg0, %c0_i32 : i32, i32
  }
}

module attributes {stable_mosaic.version = 14 : i64} {
  func.func @_finalize_body(%arg0: i32, %arg1: memref<1000x128xf32, #tpu.memory_space<vmem>>, %arg2: memref<1000x128xf32, #tpu.memory_space<vmem>>, %arg3: memref<1000x128xf32, #tpu.memory_space<vmem>>, %arg4: memref<1000x1xi32, #tpu.memory_space<vmem>>, %arg5: memref<8x128xf32, #tpu.memory_space<vmem>>, %arg6: memref<128x128xf32, #tpu.memory_space<vmem>>, %arg7: memref<8x128xf32, #tpu.memory_space<vmem>>) attributes {dimension_semantics = [#tpu.dimension_semantics<arbitrary>], iteration_bounds = array<i64: 10>, scalar_prefetch = 0 : i64, scratch_operands = 0 : i64, tpu.core_type = #tpu.core_type<tc>, window_params = [{transform_indices = @transform_0, window_bounds = array<i64: 1000, 128>}, {transform_indices = @transform_1, window_bounds = array<i64: 1000, 128>}, {transform_indices = @transform_2, window_bounds = array<i64: 1000, 128>}, {transform_indices = @transform_3, window_bounds = array<i64: 1000, 1>}, {pipeline_mode = #tpu.pipeline_mode<synchronous>, transform_indices = @transform_4, window_bounds = array<i64: 8, 128>}, {pipeline_mode = #tpu.pipeline_mode<synchronous>, transform_indices = @transform_5, window_bounds = array<i64: 128, 128>}, {pipeline_mode = #tpu.pipeline_mode<synchronous>, transform_indices = @transform_6, window_bounds = array<i64: 8, 128>}]} {
    %get3A = arith.constant 0 : index
    %get3A_0 = arith.constant 0 : index
    %get3A_1 = vector.load %arg1[%get3A, %get3A_0] : memref<1000x128xf32, #tpu.memory_space<vmem>>, vector<1000x128xf32>
    %get3A_2 = arith.constant 0 : index
    %get3A_3 = arith.constant 0 : index
    %get3A_4 = vector.load %arg2[%get3A_2, %get3A_3] : memref<1000x128xf32, #tpu.memory_space<vmem>>, vector<1000x128xf32>
    %add3A = arith.addf %get3A_1, %get3A_4 : vector<1000x128xf32>
    %get3A_5 = arith.constant 0 : index
    %get3A_6 = arith.constant 0 : index
    %get3A_7 = vector.load %arg3[%get3A_5, %get3A_6] : memref<1000x128xf32, #tpu.memory_space<vmem>>, vector<1000x128xf32>
    %add3A_8 = arith.addf %add3A, %get3A_7 : vector<1000x128xf32>
    %reduce_sum3A = arith.constant dense<0.000000e+00> : vector<128xf32>
    %reduce_sum3A_9 = vector.multi_reduction <add>, %add3A_8, %reduce_sum3A [0] : vector<1000x128xf32> to vector<128xf32>
    %broadcast_in_dim3A = vector.shape_cast %reduce_sum3A_9 : vector<128xf32> to vector<1x128xf32>
    %mul3A = arith.mulf %add3A_8, %add3A_8 : vector<1000x128xf32>
    %reduce_sum3A_10 = arith.constant dense<0.000000e+00> : vector<128xf32>
    %reduce_sum3A_11 = vector.multi_reduction <add>, %mul3A, %reduce_sum3A_10 [0] : vector<1000x128xf32> to vector<128xf32>
    %broadcast_in_dim3A_12 = vector.shape_cast %reduce_sum3A_11 : vector<128xf32> to vector<1x128xf32>
    %broadcast_in_dim3A_13 = arith.constant 0.000000e+00 : f32
    %broadcast_in_dim3A_14 = vector.broadcast %broadcast_in_dim3A_13 : f32 to vector<6x128xf32>
    %concatenate3A = tpu.concatenate %broadcast_in_dim3A, %broadcast_in_dim3A_12, %broadcast_in_dim3A_14 in 0 : vector<1x128xf32>, vector<1x128xf32>, vector<6x128xf32> -> vector<8x128xf32>
    %eq3A = arith.constant 0 : i32
    %eq3A_15 = arith.cmpi eq, %arg0, %eq3A : i32
    %convert_element_type3A = arith.extui %eq3A_15 : i1 to i32
    %cond3A = arith.constant 0 : i32
    %cond3A_16 = arith.cmpi ne, %convert_element_type3A, %cond3A : i32
    scf.if %cond3A_16 {
      %swap3A = arith.constant 0 : index
      %swap3A_45 = arith.constant 0 : index
      %swap3A_46 = vector.load %arg5[%swap3A, %swap3A_45] : memref<8x128xf32, #tpu.memory_space<vmem>>, vector<8x128xf32>
      tpu.vector_store %arg5[%swap3A, %swap3A_45], %concatenate3A {strides = array<i32>} : memref<8x128xf32, #tpu.memory_space<vmem>>, vector<8x128xf32>,
    } else {
    }
    %gt3A = arith.constant 0 : i32
    %gt3A_17 = arith.cmpi sgt, %arg0, %gt3A : i32
    %convert_element_type3A_18 = arith.extui %gt3A_17 : i1 to i32
    %cond3A_19 = arith.constant 0 : i32
    %cond3A_20 = arith.cmpi ne, %convert_element_type3A_18, %cond3A_19 : i32
    scf.if %cond3A_20 {
      %get3A_45 = arith.constant 0 : index
      %get3A_46 = arith.constant 0 : index
      %get3A_47 = vector.load %arg5[%get3A_45, %get3A_46] : memref<8x128xf32, #tpu.memory_space<vmem>>, vector<8x128xf32>
      %add3A_48 = arith.addf %get3A_47, %concatenate3A : vector<8x128xf32>
      %swap3A = arith.constant 0 : index
      %swap3A_49 = arith.constant 0 : index
      %swap3A_50 = vector.load %arg5[%swap3A, %swap3A_49] : memref<8x128xf32, #tpu.memory_space<vmem>>, vector<8x128xf32>
      tpu.vector_store %arg5[%swap3A, %swap3A_49], %add3A_48 {strides = array<i32>} : memref<8x128xf32, #tpu.memory_space<vmem>>, vector<8x128xf32>,
    } else {
    }
    %iota3A = tpu.iota {dimensions = array<i32: 1>} : vector<1000x128xi32>
    %get3A_21 = arith.constant 0 : index
    %get3A_22 = arith.constant 0 : index
    %get3A_23 = vector.load %arg4[%get3A_21, %get3A_22] : memref<1000x1xi32, #tpu.memory_space<vmem>>, vector<1000x1xi32>
    %eq3A_24 = vector.broadcast %get3A_23 : vector<1000x1xi32> to vector<1000x128xi32>
    %eq3A_25 = arith.cmpi eq, %eq3A_24, %iota3A : vector<1000x128xi32>
    %convert_element_type3A_26 = arith.extui %eq3A_25 : vector<1000x128xi1> to vector<1000x128xi32>
    %convert_element_type3A_27 = arith.sitofp %convert_element_type3A_26 : vector<1000x128xi32> to vector<1000x128xf32>
    %dot_general3A = arith.constant dense<0.000000e+00> : vector<128x128xf32>
    %dot_general3A_28 = tpu.matmul %convert_element_type3A_27, %add3A_8, %dot_general3A {dimension_numbers = #tpu.dot_dimension_numbers<[0], [0], [1], [1], [0, 1, 1, 1], [], []>, transpose_lhs_hint = false} : vector<1000x128xf32>, vector<1000x128xf32>, vector<128x128xf32> -> vector<128x128xf32>
    %reduce_sum3A_29 = arith.constant dense<0.000000e+00> : vector<128xf32>
    %reduce_sum3A_30 = vector.multi_reduction <add>, %convert_element_type3A_27, %reduce_sum3A_29 [0] : vector<1000x128xf32> to vector<128xf32>
    %broadcast_in_dim3A_31 = vector.shape_cast %reduce_sum3A_30 : vector<128xf32> to vector<1x128xf32>
    %broadcast_in_dim3A_32 = arith.constant 0.000000e+00 : f32
    %broadcast_in_dim3A_33 = vector.broadcast %broadcast_in_dim3A_32 : f32 to vector<7x128xf32>
    %concatenate3A_34 = tpu.concatenate %broadcast_in_dim3A_31, %broadcast_in_dim3A_33 in 0 : vector<1x128xf32>, vector<7x128xf32> -> vector<8x128xf32>
    %eq3A_35 = arith.constant 0 : i32
    %eq3A_36 = arith.cmpi eq, %arg0, %eq3A_35 : i32
    %convert_element_type3A_37 = arith.extui %eq3A_36 : i1 to i32
    %cond3A_38 = arith.constant 0 : i32
    %cond3A_39 = arith.cmpi ne, %convert_element_type3A_37, %cond3A_38 : i32
    scf.if %cond3A_39 {
      %swap3A = arith.constant 0 : index
      %swap3A_45 = arith.constant 0 : index
      %swap3A_46 = vector.load %arg6[%swap3A, %swap3A_45] : memref<128x128xf32, #tpu.memory_space<vmem>>, vector<128x128xf32>
      tpu.vector_store %arg6[%swap3A, %swap3A_45], %dot_general3A_28 {strides = array<i32>} : memref<128x128xf32, #tpu.memory_space<vmem>>, vector<128x128xf32>,
      %swap3A_47 = arith.constant 0 : index
      %swap3A_48 = arith.constant 0 : index
      %swap3A_49 = vector.load %arg7[%swap3A_47, %swap3A_48] : memref<8x128xf32, #tpu.memory_space<vmem>>, vector<8x128xf32>
      tpu.vector_store %arg7[%swap3A_47, %swap3A_48], %concatenate3A_34 {strides = array<i32>} : memref<8x128xf32, #tpu.memory_space<vmem>>, vector<8x128xf32>,
    } else {
    }
    %gt3A_40 = arith.constant 0 : i32
    %gt3A_41 = arith.cmpi sgt, %arg0, %gt3A_40 : i32
    %convert_element_type3A_42 = arith.extui %gt3A_41 : i1 to i32
    %cond3A_43 = arith.constant 0 : i32
    %cond3A_44 = arith.cmpi ne, %convert_element_type3A_42, %cond3A_43 : i32
    scf.if %cond3A_44 {
      %get3A_45 = arith.constant 0 : index
      %get3A_46 = arith.constant 0 : index
      %get3A_47 = vector.load %arg6[%get3A_45, %get3A_46] : memref<128x128xf32, #tpu.memory_space<vmem>>, vector<128x128xf32>
      %add3A_48 = arith.addf %get3A_47, %dot_general3A_28 : vector<128x128xf32>
      %swap3A = arith.constant 0 : index
      %swap3A_49 = arith.constant 0 : index
      %swap3A_50 = vector.load %arg6[%swap3A, %swap3A_49] : memref<128x128xf32, #tpu.memory_space<vmem>>, vector<128x128xf32>
      tpu.vector_store %arg6[%swap3A, %swap3A_49], %add3A_48 {strides = array<i32>} : memref<128x128xf32, #tpu.memory_space<vmem>>, vector<128x128xf32>,
      %get3A_51 = arith.constant 0 : index
      %get3A_52 = arith.constant 0 : index
      %get3A_53 = vector.load %arg7[%get3A_51, %get3A_52] : memref<8x128xf32, #tpu.memory_space<vmem>>, vector<8x128xf32>
      %add3A_54 = arith.addf %get3A_53, %concatenate3A_34 : vector<8x128xf32>
      %swap3A_55 = arith.constant 0 : index
      %swap3A_56 = arith.constant 0 : index
      %swap3A_57 = vector.load %arg7[%swap3A_55, %swap3A_56] : memref<8x128xf32, #tpu.memory_space<vmem>>, vector<8x128xf32>
      tpu.vector_store %arg7[%swap3A_55, %swap3A_56], %add3A_54 {strides = array<i32>} : memref<8x128xf32, #tpu.memory_space<vmem>>, vector<8x128xf32>,
    } else {
    }
    return
  }
  func.func @transform_0(%arg0: i32) -> (i32, i32) {
    %c0_i32 = arith.constant 0 : i32
    %c0_i32_0 = arith.constant 0 : i32
    return %arg0, %c0_i32 : i32, i32
  }
  func.func @transform_1(%arg0: i32) -> (i32, i32) {
    %c0_i32 = arith.constant 0 : i32
    %c0_i32_0 = arith.constant 0 : i32
    return %arg0, %c0_i32 : i32, i32
  }
  func.func @transform_2(%arg0: i32) -> (i32, i32) {
    %c0_i32 = arith.constant 0 : i32
    %c0_i32_0 = arith.constant 0 : i32
    return %arg0, %c0_i32 : i32, i32
  }
  func.func @transform_3(%arg0: i32) -> (i32, i32) {
    %c0_i32 = arith.constant 0 : i32
    %c0_i32_0 = arith.constant 0 : i32
    return %arg0, %c0_i32 : i32, i32
  }
  func.func @transform_4(%arg0: i32) -> (i32, i32) {
    %c0_i32 = arith.constant 0 : i32
    %c0_i32_0 = arith.constant 0 : i32
    %c0_i32_1 = arith.constant 0 : i32
    return %c0_i32, %c0_i32_0 : i32, i32
  }
  func.func @transform_5(%arg0: i32) -> (i32, i32) {
    %c0_i32 = arith.constant 0 : i32
    %c0_i32_0 = arith.constant 0 : i32
    %c0_i32_1 = arith.constant 0 : i32
    return %c0_i32, %c0_i32_0 : i32, i32
  }
  func.func @transform_6(%arg0: i32) -> (i32, i32) {
    %c0_i32 = arith.constant 0 : i32
    %c0_i32_0 = arith.constant 0 : i32
    %c0_i32_1 = arith.constant 0 : i32
    return %c0_i32, %c0_i32_0 : i32, i32
  }
}

</mosaic_0001>

<sc_bundles>
// kernel: kernel.12.cloned.1.call-start
scs
__scs_entry_jumppad:
0x0: {  	(pc) =	sbr.rel $0x88, $3  }
0x1: {  	(tag) =	ssettag $0x0;
	lr =	simm.s32 $0x1  }
0x2: {  	[smem:$0x3F91] =	sst lr;
	_ =	strace $0xD0000000  }
0x3: {  	_ = 	snop  }
0x4: {  	_ = 	snop  }
0x5: {  	_ = 	snop  }
0x6: {  	_ = 	snop  }
0x7: {  	_ = 	snop  }
__scs_overlays_trampoline_lowered:
0x8: {  	[smem:$0x3FA0] =	sst s0  }
0x9: {  	[smem:$0x3FA1] =	sst s1  }
0xa: {  	[smem:$0x3FA2] =	sst s2  }
0xb: {  	[smem:$0x3FA3] =	sst s3  }
0xc: {  	[smem:$0x3FA4] =	sst s4  }
0xd: {  	[smem:$0x3FA5] =	sst s5  }
0xe: {  	[smem:$0x3FA6] =	sst s6  }
0xf: {  	[smem:$0x3FA7] =	sst s7  }
0x10: {  	[smem:$0x3FA8] =	sst s8  }
0x11: {  	[smem:$0x3FA9] =	sst s9;
	s0 =	simm.s32 @!p0 $0x0  }
0x12: {  	s1 =	sld [smem:$0x3F8F];
	s0 =	simm.s32 @p0 $0x1  }
0x13: {  	[smem:$0x3FAA] =	sst s0;
	s0 =	simm.s32 @!p1 $0x0  }
0x14: {  	s2 =	sld [smem:$0x3F8E];
	s0 =	simm.s32 @p1 $0x1  }
0x15: {  	[smem:$0x3FAB] =	sst s0;
	s0 =	simm.s32 @!p2 $0x0  }
0x16: {  	s3 =	sld [smem:$0x3FDB];
	s0 =	simm.s32 @p2 $0x1  }
0x17: {  	s4 =	simm.s32 $0x1BF5;
	[smem:$0x3FAD] =	sst s0  }
0x18: {  	s0 =	sld [smem:$0x3F90];
	_ =	swait.ge [sflag:s4], $0x0  }
0x19: {  	s7 =	sld [smem:$0x3F91]  }
0x1a: {  	s8 =	sadd.s32 $0xFFFFE003, lr  }
0x1b: {  	s9 =	sadd.s32 $0xFFFFFEF7, lr;
	s5 =	simm.s32 $0xFFFFFFFF;
	p2 =	slt.u32 s8, $0xFFFFF086  }
0x1c: {  	p1 =	slt.u32 s9, $0xF7A;
	s5 =	simm.s32 @!p2 $0x0  }
0x1d: {  	s5 =	simm.s32 @p1 $0x1;
	p0 =	seq.s32 s7, s2  }
0x1e: {  	s7 =	smul.u32 @!p0 $0xF7A, s2;
	p2 =	seq.s32 @!p0 s5, $0x0  }
0x1f: {  	s9 =	smul.u32 $0xF7A, s1;
	s8 =	simm.s32 @!p0 $0x1BF5;
	p2 =	por !p2, p0  }
0x20: {  	[sflag:s8] =	ssyncset.s32 @!p0 $0xFFFFF086;
	s6 =	sadd.s32 @!p0 s3, s7;
	s7 =	simm.s32 @!p0 $0x108  }
0x21: {  	s3 =	sadd.s32 s3, s9;
	s6 =	sadd.s32 @!p0 $0x88, s6;
	s7 =	simm.s32 @p2 $0x1082  }
0x22: {  	[simem:s7], [sflag:s8] =	dma.local @!p0 [hbm:s6], $0xF7A  }
0x23: {  	s9 =	sor.u32 $0xD0000000, s2;
	s6 =	simm.s32 $0x108;
	_ =	swait.ge @!p0 [sflag:s8], $0x0  }
0x24: {  	s3 =	sadd.s32 $0x88, s3;
	s6 =	simm.s32 @!p1 $0x1082;
	[sflag:s4] =	ssyncset.s32 $0xFFFFF086  }
0x25: {  	[simem:s6], [sflag:s4] =	dma.local [hbm:s3], $0xF7A  }
0x26: {  	[smem:$0x3F91] =	sst s1;
	(tag) =	ssettag s2;
	_ =	strace s9  }
0x27: {  	s1 =	sld [smem:$0x3FA1]  }
0x28: {  	s2 =	sld [smem:$0x3FA2]  }
0x29: {  	s4 =	sld [smem:$0x3FA4]  }
0x2a: {  	p0 =	seq.s32 s5, $0x0;
	s5 =	sld [smem:$0x3FA5]  }
0x2b: {  	s6 =	sld [smem:$0x3FA6]  }
0x2c: {  	s7 =	sld [smem:$0x3FA7]  }
0x2d: {  	s3 =	simm.s32 $0x108;
	s8 =	sld [smem:$0x3FA8]  }
0x2e: {  	s3 =	simm.s32 @!p0 $0x1082;
	s9 =	sld [smem:$0x3FA9]  }
0x2f: {  	lr =	sadd.s32 s0, s3;
	s0 =	sld [smem:$0x3FA0]  }
0x30: {  	s3 =	sld [smem:$0x3FA3]  }
0x31: {  	[smem:$0x3FAC] =	sst s10  }
0x32: {  	s10 =	sld [smem:$0x3FAA];
	_ =	sdelay $0x3  }
0x33: {  	p0 =	seq.s32 s10, $0x1;
	s10 =	sld [smem:$0x3FAC];
	_ =	sdelay $0x3  }
0x34: {  	[smem:$0x3FAC] =	sst s10  }
0x35: {  	s10 =	sld [smem:$0x3FAB];
	_ =	sdelay $0x3  }
0x36: {  	p1 =	seq.s32 s10, $0x1;
	s10 =	sld [smem:$0x3FAC];
	_ =	sdelay $0x3  }
0x37: {  	[smem:$0x3FAC] =	sst s10  }
0x38: {  	s10 =	sld [smem:$0x3FAD]  }
0x39: {  	_ = 	snop;
	(pc) =	sbr.ind lr, $3  }
0x3a: {  	_ = 	snop  }
0x3b: {  	_ = 	snop  }
0x3c: {  	p2 =	seq.s32 s10, $0x1;
	s10 =	sld [smem:$0x3FAC]  }
0x3d: {  	_ =	shalt  }
0x3e: {  	_ =	shalt  }
0x3f: {  	_ =	shalt  }
0x40: {  	_ =	shalt  }
0x41: {  	_ =	shalt  }
0x42: {  	_ =	shalt  }
0x43: {  	_ =	shalt  }
0x44: {  	_ =	shalt  }
0x45: {  	_ =	shalt  }
0x46: {  	_ =	shalt  }
0x47: {  	_ =	shalt  }
0x48: {  	_ =	shalt  }
0x49: {  	_ =	shalt  }
0x4a: {  	_ =	shalt  }
0x4b: {  	_ =	shalt  }
0x4c: {  	_ =	shalt  }
0x4d: {  	_ =	shalt  }
0x4e: {  	_ =	shalt  }
0x4f: {  	_ =	shalt  }
0x50: {  	_ =	shalt  }
0x51: {  	_ =	shalt  }
0x52: {  	_ =	shalt  }
0x53: {  	_ =	shalt  }
0x54: {  	_ =	shalt  }
0x55: {  	_ =	shalt  }
0x56: {  	_ =	shalt  }
0x57: {  	_ =	shalt  }
0x58: {  	_ =	shalt  }
0x59: {  	_ =	shalt  }
0x5a: {  	_ =	shalt  }
0x5b: {  	_ =	shalt  }
0x5c: {  	_ =	shalt  }
0x5d: {  	_ =	shalt  }
0x5e: {  	_ =	shalt  }
0x5f: {  	_ =	shalt  }
0x60: {  	_ =	shalt  }
0x61: {  	_ =	shalt  }
0x62: {  	_ =	shalt  }
0x63: {  	_ =	shalt  }
0x64: {  	_ =	shalt  }
0x65: {  	_ =	shalt  }
0x66: {  	_ =	shalt  }
0x67: {  	_ =	shalt  }
0x68: {  	_ =	shalt  }
0x69: {  	_ =	shalt  }
0x6a: {  	_ =	shalt  }
0x6b: {  	_ =	shalt  }
0x6c: {  	_ =	shalt  }
0x6d: {  	_ =	shalt  }
0x6e: {  	_ =	shalt  }
0x6f: {  	_ =	shalt  }
0x70: {  	_ =	shalt  }
0x71: {  	_ =	shalt  }
0x72: {  	_ =	shalt  }
0x73: {  	_ =	shalt  }
0x74: {  	_ =	shalt  }
0x75: {  	_ =	shalt  }
0x76: {  	_ =	shalt  }
0x77: {  	_ =	shalt  }
0x78: {  	_ =	shalt  }
0x79: {  	_ =	shalt  }
0x7a: {  	_ =	shalt  }
0x7b: {  	_ =	shalt  }
0x7c: {  	_ =	shalt  }
0x7d: {  	_ =	shalt  }
0x7e: {  	_ =	shalt  }
0x7f: {  	_ =	shalt  }
0x80: {  	_ =	shalt  }
0x81: {  	_ =	shalt  }
0x82: {  	_ =	shalt  }
0x83: {  	_ =	shalt  }
0x84: {  	_ =	shalt  }
0x85: {  	_ =	shalt  }
0x86: {  	_ =	shalt  }
0x87: {  	_ =	shalt  }
.Lfunc_end0:
.L_simem_size_0:
called_computation_lowered:
.L_overlay_start_0:
0x88: {  	s2 =	sld [smem:$0x3FD9]  }
0x89: {  	s3 =	sld [smem:$0x3FFE];
	_ =	sdelay $0x1  }
0x8a: {  	s1 =	srdreg.scid  }
0x8b: {  	s0 =	sand.u32 $0x1, s1  }
0x8c: {  	s16 =	sshll.u32 s0, $0xA;
	s2 =	sadd.s32 s3, s2  }
0x8d: {  	s2 =	sadd.s32 s2, s16  }
0x8e: {  	[smem:$0x3FB8] =	sst s2  }
0x8f: {  	_ = 	snop  }
0x90: {  	(tm) =	ssettm $0x1  }
0x91: {  	s17 =	sld [smem:$0x3FFB];
	_ =	sdelay $0x3  }
0x92: {  	_ =	strace s17  }
0x93: {  	s2 =	sld [smem:$0x3FFC];
	_ =	sdelay $0x3  }
0x94: {  	_ =	strace s2  }
0x95: {  	s2 =	sld [smem:$0x3FFD];
	_ =	sdelay $0x3  }
0x96: {  	_ =	strace s2  }
0x97: {  	_ =	strace $0x8FFFFFFF  }
0x98: {  	s18 =	sld [smem:$0x3FDB];
	_ =	sdelay $0x1  }
0x99: {  	s19 =	simm.s32 $_scs_section_size  }
0x9a: {  	s4 =	simm.s32 $_size__tile_overlayer_lowered;
	s5 =	simm.s32 $_tile_overlayer_lowered  }
0x9b: {  	s22 =	simm.s32 $0x1BFF;
	s21 =	sshll.u32 s5, $0x1;
	s2 =	sadd.s32 s19, s18  }
0x9c: {  	s6 =	simm.s32 $0x0;
	s20 =	sshll.u32 s4, $0x1;
	s4 =	sadd.s32 s21, s2  }
0x9d: {  	[timem:s6], [sflag:s22] =	dma.local [hbm:s4], s20  }
0x9e: {  	_ =	swait.ge [sflag:s22], s20  }
0x9f: {  	s3 =	ssub.s32 $0x0, s20;
	[sflag:s22] =	ssyncset.done $0x0  }
0xa0: {  	[sflag:s22] =	ssyncadd.s32 s3;
	_ =	sdelay $0x1  }
0xa1: {  	s23 =	simm.s32 $0x1B8B  }
0xa2: {  	_ =	swait.ge [sflag:s23], $0x1  }
0xa3: {  	[sflag:s23] =	ssyncset.done $0x0  }
0xa4: {  	s25 =	simm.s32 $0x1B8E;
	s24 =	sld [smem:$0x3FFE];
	[sflag:s23] =	ssyncadd.s32 $0xFFFFFFFF  }
0xa5: {  	s26 =	simm.s32 $execute0_lowered;
	[smem:$0x3FD2] =	sst s25  }
0xa6: {  	s4 =	sshll.u32 s26, $0x1;
	_ =	strace $0x80000046;
	[dreg:$0x1] =	wrdreg $0xFFFFFFFF  }
0xa7: {  	s28 =	simm.s32 $_size_execute0_lowered;
	s2 =	sadd.s32 s2, s4;
	[dreg:$0x0] =	wrdreg $0x0  }
0xa8: {  	s4 =	sshll.u32 s28, $0x1;
	[dreg:$0x2] =	wrdreg s2  }
0xa9: {  	[dreg:$0x3] =	wrdreg s4  }
0xaa: {  	[dreg:$0x4] =	wrdreg $0xC0  }
0xab: {  	_ =	task [dreg:s6], $0x5FFFF  }
0xac: {  	[dreg:$0x1] =	wrdreg $0xFFFFFFFF  }
0xad: {  	[dreg:$0x0] =	wrdreg $0x60  }
0xae: {  	[dreg:$0x2] =	wrdreg s24  }
0xaf: {  	[dreg:$0x3] =	wrdreg $0x9  }
0xb0: {  	_ =	task.clear_ibuf [dreg:s6], $0x4FFFF;
	_ =	strace $0x90000046  }
0xb1: {  	s29 =	simm.s32 $0x9;
	_ =	strace $0x80000048  }
0xb2: {  	_ =	swait.ge [sflag:s29], $0x1  }
0xb3: {  	[sflag:s29] =	ssyncadd.s32 $0xFFFFFFFF  }
0xb4: {  	_ =	strace $0x90000048  }
0xb5: {  	_ =	sfence  }
0xb6: {  	s30 =	sld [smem:$0x0];
	_ =	sdelay $0x2  }
0xb7: {  	s31 =	sshll.u32 s1, $0xD;
	s1 =	sshrl.u32 s1, $0x2  }
0xb8: {  	s3 =	sand.u32 $0x4000, s31;
	s1 =	sadd.s32 s1, s30  }
0xb9: {  	s0 =	sor.u32 s3, s0;
	s1 =	sshll.u32 s1, $0x11  }
0xba: {  	s0 =	sor.u32 s1, s0  }
0xbb: {  	s0 =	sadd.s32 $0x8F2B, s0  }
0xbc: {  	[sflag:s0] =	ssyncadd.remote.s32 $0x1  }
0xbd: {  	_ =	sfence.sel $0xFFFF  }
0xbe: {  	[dreg:$0x0] =	wrdreg $0xFFFFFFFF;
	(pc) =	sbr.abs _section_cstart, $3  }
0xbf: {  	[dreg:$0x1] =	wrdreg $0xFFFFFFFF  }
0xc0: {  	_ =	task.clear_ibuf [dreg:s6], $0x2FFFF;
	_ =	strace $0x9FFFFFFF  }
0xc1: {  	(tm) =	ssettm $0x7FFFFFFF  }
tec
execute0_lowered:
.L_overlay_start_1:
0x0: {  	(tag) =	ssettag $0x1  }
0x1: {  	s0 =	rddreg [dreg:$0x0];
	s1 =	simm.s32 $0x0  }
0x2: {  	s2 =	srdreg.scid;
	s16 =	stileid.u32;
	s17 =	simm.s32 $0x50  }
0x3: {  	s18 =	simm.s32 $0x200;
	s19 =	simm.s32 $0x2A00;
	s28 =	simm.s32 $0x4  }
0x4: {  	[smem:$0x7FF] =	sst s1;
	s3 =	sadd.s32 $0x1C400, s0;
	s2 =	sand.u32 $0x1, s2  }
0x5: {  	s4 =	sadd.s32 $0x43600, s0;
	s5 =	sadd.s32 $0x8800, s0;
	s15 =	smul.u32 $0x2710, s16  }
0x6: {  	s6 =	sadd.s32 $0x12600, s0;
	s12 =	sadd.s32 $0x6A800, s0;
	s14 =	smul.u32 $0x271000, s2  }
0x7: {  	s7 =	sshll.u32 s2, $0x4;
	s8 =	ssub.s32 $0x2, s2;
	s2 =	smul.u32 $0x27100, s2  }
0x8: {  	s0 =	sadd.s32 $0x54C800, s0;
	s7 =	sor.u32 s16, s7;
	s16 =	smul.u32 $0x27100, s16  }
0x9: {  	s29 =	simm.s32 $0x0;
	_ =	strace $0x80000047;
	s9 =	smul.u32 $0x2710, s7  }
0xa: {  	s10 =	sshrl.u32 s8, $0x1;
	s11 =	smul.u32 $0x138800, s7;
	s2 =	sadd.s32 s15, s2  }
0xb: {  	s13 =	ssub.s32 s8, s10;
	s15 =	simm.s32 $0x5;
	s30 =	sadd.s32 $0x50, s2  }
0xc: {  	s20 =	sshrl.u32 s9, $0x3;
	s22 =	sshrl.u32 s11, $0x3;
	s11 =	smax.u32 s13, $0x1  }
0xd: {  	s31 =	sshrl.u32 s30, $0x3;
	s21 =	sadd.s32 s6, s20;
	s23 =	sadd.s32 s5, s20  }
0xe: {  	s24 =	sadd.s32 $0x26C00, s22;
	s20 =	simm.s32 $0x100;
	[dreg:$0x4] =	wrdreg s21  }
0xf: {  	s22 =	simm.s32 $0x5200;
	[dreg:$0x5] =	wrdreg s23;
	s25 =	sadd.s32 s12, s24  }
0x10: {  	s26 =	sadd.s32 s0, s24;
	s12 =	sadd.s32 s14, s12;
	s0 =	sadd.s32 s14, s0  }
0x11: {  	s14 =	sadd.s32 s31, s6;
	s21 =	simm.s32 $0x180;
	[dreg:$0x6] =	wrdreg s25  }
0x12: {  	s23 =	simm.s32 $0x7A00;
	s24 =	simm.s32 $0x1;
	[dreg:$0x7] =	wrdreg s26  }
0x13: {  	s12 =	sadd.s32 s16, s12;
	s0 =	sadd.s32 s16, s0;
	s16 =	simm.s32 $0x80  }
0x14: {  	s25 =	simm.s32 $0x2;
	s26 =	simm.s32 $0x3;
	[dreg:$0x2] =	wrdreg s12  }
0x15: {  	[dreg:$0x3] =	wrdreg s0;
	s0 =	sadd.s32 $0xA0, s2;
	s2 =	sadd.s32 s31, s5  }
.LBB2_1:
0x16: {  	s7 =	rddreg [dreg:$0x4]  }
0x17: {  	[tilespmem:s1], [sflag:$0x5] =	stream.linear.gather [hbm4b:s7+s1], $0x50, $0x38;
	[tilespmem:$0xA200] =	vst v63  }
0x18: {  	_ =	swait.ge [sflag:s15], $0x50  }
0x19: {  	[sflag:s15] =	ssyncset.done $0x0  }
0x1a: {  	s12 =	rddreg [dreg:$0x5];
	[sflag:s15] =	ssyncadd.s32 $0xFFFFFFB0  }
0x1b: {  	[tilespmem:s16], [sflag:$0x5] =	stream.linear.gather [hbm4b:s12+s1], $0x50, $0x38;
	[tilespmem:$0xA200] =	vst v63  }
0x1c: {  	_ =	swait.ge [sflag:s15], $0x50  }
0x1d: {  	[sflag:s15] =	ssyncset.done $0x0  }
0x1e: {  	[sflag:s15] =	ssyncadd.s32 $0xFFFFFFB0  }
0x1f: {  	[tilespmem:s18], [sflag:$0x1] =	stream.indirect.gather [hbm4b:s3+s17], $0x80, s1, s17, $0xb8;
	[tilespmem:$0xA200] =	vst v63  }
0x20: {  	_ = 	snop  }
0x21: {  	[tilespmem:s19], [sflag:$0x2] =	stream.indirect.gather [hbm4b:s4+s17], $0x80, s16, s17, $0xb8;
	[tilespmem:$0xA200] =	vst v63  }
0x22: {  	_ = 	snop  }
0x23: {  	[tilespmem:s20], [sflag:$0x5] =	stream.linear.gather [hbm4b:s14+s1], $0x50, $0x38;
	[tilespmem:$0xA200] =	vst v63  }
0x24: {  	_ =	swait.ge [sflag:s15], $0x50  }
0x25: {  	[sflag:s15] =	ssyncset.done $0x0  }
0x26: {  	[sflag:s15] =	ssyncadd.s32 $0xFFFFFFB0  }
0x27: {  	[tilespmem:s21], [sflag:$0x5] =	stream.linear.gather [hbm4b:s2+s1], $0x50, $0x38;
	[tilespmem:$0xA200] =	vst v63  }
0x28: {  	_ =	swait.ge [sflag:s15], $0x50  }
0x29: {  	[sflag:s15] =	ssyncset.done $0x0  }
0x2a: {  	[sflag:s15] =	ssyncadd.s32 $0xFFFFFFB0  }
0x2b: {  	[tilespmem:s22], [sflag:$0x3] =	stream.indirect.gather [hbm4b:s3+s17], $0x80, s20, s17, $0xb8;
	[tilespmem:$0xA200] =	vst v63  }
0x2c: {  	_ = 	snop  }
0x2d: {  	[tilespmem:s23], [sflag:$0x4] =	stream.indirect.gather [hbm4b:s4+s17], $0x80, s21, s17, $0xb8;
	[tilespmem:$0xA200] =	vst v63  }
0x2e: {  	_ =	swait.ge [sflag:s24], $0x2800  }
0x2f: {  	[sflag:s24] =	ssyncset.done $0x0  }
0x30: {  	[sflag:s24] =	ssyncadd.s32 $0xFFFFD800  }
0x31: {  	_ =	swait.ge [sflag:s25], $0x2800  }
0x32: {  	s12 =	rddreg [dreg:$0x2];
	[sflag:s25] =	ssyncset.done $0x0  }
0x33: {  	[sflag:s25] =	ssyncadd.s32 $0xFFFFD800;
	s12 =	sadd.s32 $0x0, s12  }
0x34: {  	[hbm4b:s12+s1] =	stream.linear.scatter [tilespmem:s18], [sflag:$0x5], $0x2800, $0x38;
	[tilespmem:$0xA200] =	vst v63  }
0x35: {  	_ =	swait.ge [sflag:s15], $0x2800  }
0x36: {  	s13 =	rddreg [dreg:$0x3];
	[sflag:s15] =	ssyncset.done $0x0  }
0x37: {  	[sflag:s15] =	ssyncadd.s32 $0xFFFFD800;
	s13 =	sadd.s32 $0x0, s13  }
0x38: {  	[hbm4b:s13+s1] =	stream.linear.scatter [tilespmem:s19], [sflag:$0x5], $0x2800, $0x38;
	[tilespmem:$0xA200] =	vst v63  }
0x39: {  	_ =	swait.ge [sflag:s15], $0x2800  }
0x3a: {  	s30 =	sshrl.u32 s0, $0x3;
	[sflag:s15] =	ssyncset.done $0x0  }
0x3b: {  	s31 =	sadd.s32 s6, s30;
	[sflag:s15] =	ssyncadd.s32 $0xFFFFD800  }
0x3c: {  	[tilespmem:s1], [sflag:$0x5] =	stream.linear.gather [hbm4b:s31+s1], $0x50, $0x38;
	[tilespmem:$0xA200] =	vst v63  }
0x3d: {  	_ =	swait.ge [sflag:s15], $0x50  }
0x3e: {  	[sflag:s15] =	ssyncset.done $0x0  }
0x3f: {  	s30 =	sadd.s32 s5, s30;
	[sflag:s15] =	ssyncadd.s32 $0xFFFFFFB0  }
0x40: {  	[tilespmem:s16], [sflag:$0x5] =	stream.linear.gather [hbm4b:s30+s1], $0x50, $0x38;
	[tilespmem:$0xA200] =	vst v63  }
0x41: {  	_ =	swait.ge [sflag:s15], $0x50  }
0x42: {  	[sflag:s15] =	ssyncset.done $0x0  }
0x43: {  	[sflag:s15] =	ssyncadd.s32 $0xFFFFFFB0  }
0x44: {  	[tilespmem:s18], [sflag:$0x1] =	stream.indirect.gather [hbm4b:s3+s17], $0x80, s1, s17, $0xb8;
	[tilespmem:$0xA200] =	vst v63  }
0x45: {  	_ = 	snop  }
0x46: {  	[tilespmem:s19], [sflag:$0x2] =	stream.indirect.gather [hbm4b:s4+s17], $0x80, s16, s17, $0xb8;
	[tilespmem:$0xA200] =	vst v63  }
0x47: {  	_ =	swait.ge [sflag:s26], $0x2800  }
0x48: {  	[sflag:s26] =	ssyncset.done $0x0  }
0x49: {  	[sflag:s26] =	ssyncadd.s32 $0xFFFFD800  }
0x4a: {  	_ =	swait.ge [sflag:s28], $0x2800  }
0x4b: {  	[sflag:s28] =	ssyncset.done $0x0  }
0x4c: {  	s12 =	sadd.s32 $0x500, s12;
	[sflag:s28] =	ssyncadd.s32 $0xFFFFD800  }
0x4d: {  	[hbm4b:s12+s1] =	stream.linear.scatter [tilespmem:s22], [sflag:$0x5], $0x2800, $0x38;
	[tilespmem:$0xA200] =	vst v63  }
0x4e: {  	_ =	swait.ge [sflag:s15], $0x2800  }
0x4f: {  	[sflag:s15] =	ssyncset.done $0x0  }
0x50: {  	s13 =	sadd.s32 $0x500, s13;
	[sflag:s15] =	ssyncadd.s32 $0xFFFFD800  }
0x51: {  	[hbm4b:s13+s1] =	stream.linear.scatter [tilespmem:s23], [sflag:$0x5], $0x2800, $0x38;
	[tilespmem:$0xA200] =	vst v63  }
0x52: {  	s31 =	sadd.s32 $0x14, s14;
	s30 =	simm.s32 $0xA00;
	_ =	swait.ge [sflag:s15], $0x2800  }
0x53: {  	s12 =	smov.u32 s0;
	s13 =	smov.u32 s2;
	[sflag:s15] =	ssyncset.done $0x0  }
.LBB2_2:
0x54: {  	[sflag:s15] =	ssyncadd.s32 $0xFFFFD800  }
0x55: {  	[tilespmem:s20], [sflag:$0x5] =	stream.linear.gather [hbm4b:s31+s1], $0x50, $0x38;
	[tilespmem:$0xA200] =	vst v63  }
0x56: {  	_ =	swait.ge [sflag:s15], $0x50  }
0x57: {  	[sflag:s15] =	ssyncset.done $0x0  }
0x58: {  	s13 =	sadd.s32 $0x14, s13;
	[sflag:s15] =	ssyncadd.s32 $0xFFFFFFB0  }
0x59: {  	[tilespmem:s21], [sflag:$0x5] =	stream.linear.gather [hbm4b:s13+s1], $0x50, $0x38;
	[tilespmem:$0xA200] =	vst v63  }
0x5a: {  	_ =	swait.ge [sflag:s15], $0x50  }
0x5b: {  	[sflag:s15] =	ssyncset.done $0x0  }
0x5c: {  	[sflag:s15] =	ssyncadd.s32 $0xFFFFFFB0  }
0x5d: {  	[tilespmem:s22], [sflag:$0x3] =	stream.indirect.gather [hbm4b:s3+s17], $0x80, s20, s17, $0xb8;
	[tilespmem:$0xA200] =	vst v63  }
0x5e: {  	_ = 	snop  }
0x5f: {  	[tilespmem:s23], [sflag:$0x4] =	stream.indirect.gather [hbm4b:s4+s17], $0x80, s21, s17, $0xb8;
	[tilespmem:$0xA200] =	vst v63  }
0x60: {  	_ =	swait.ge [sflag:s24], $0x2800  }
0x61: {  	[sflag:s24] =	ssyncset.done $0x0  }
0x62: {  	[sflag:s24] =	ssyncadd.s32 $0xFFFFD800  }
0x63: {  	_ =	swait.ge [sflag:s25], $0x2800  }
0x64: {  	s7 =	smov.u32 s30;
	s8 =	rddreg [dreg:$0x2];
	[sflag:s25] =	ssyncset.done $0x0  }
0x65: {  	[sflag:s25] =	ssyncadd.s32 $0xFFFFD800;
	s8 =	sadd.s32 s7, s8  }
0x66: {  	[hbm4b:s8+s1] =	stream.linear.scatter [tilespmem:s18], [sflag:$0x5], $0x2800, $0x38;
	[tilespmem:$0xA200] =	vst v63  }
0x67: {  	_ =	swait.ge [sflag:s15], $0x2800  }
0x68: {  	s9 =	rddreg [dreg:$0x3];
	[sflag:s15] =	ssyncset.done $0x0  }
0x69: {  	[sflag:s15] =	ssyncadd.s32 $0xFFFFD800;
	s7 =	sadd.s32 s7, s9  }
0x6a: {  	[hbm4b:s7+s1] =	stream.linear.scatter [tilespmem:s19], [sflag:$0x5], $0x2800, $0x38;
	[tilespmem:$0xA200] =	vst v63  }
0x6b: {  	s12 =	sadd.s32 $0xA0, s12;
	_ =	swait.ge [sflag:s15], $0x2800  }
0x6c: {  	s9 =	sshrl.u32 s12, $0x3;
	[sflag:s15] =	ssyncset.done $0x0  }
0x6d: {  	s10 =	sadd.s32 s6, s9;
	[sflag:s15] =	ssyncadd.s32 $0xFFFFD800  }
0x6e: {  	[tilespmem:s1], [sflag:$0x5] =	stream.linear.gather [hbm4b:s10+s1], $0x50, $0x38;
	[tilespmem:$0xA200] =	vst v63  }
0x6f: {  	_ =	swait.ge [sflag:s15], $0x50  }
0x70: {  	[sflag:s15] =	ssyncset.done $0x0  }
0x71: {  	s9 =	sadd.s32 s5, s9;
	[sflag:s15] =	ssyncadd.s32 $0xFFFFFFB0  }
0x72: {  	[tilespmem:s16], [sflag:$0x5] =	stream.linear.gather [hbm4b:s9+s1], $0x50, $0x38;
	[tilespmem:$0xA200] =	vst v63  }
0x73: {  	_ =	swait.ge [sflag:s15], $0x50  }
0x74: {  	[sflag:s15] =	ssyncset.done $0x0  }
0x75: {  	[sflag:s15] =	ssyncadd.s32 $0xFFFFFFB0  }
0x76: {  	[tilespmem:s18], [sflag:$0x1] =	stream.indirect.gather [hbm4b:s3+s17], $0x80, s1, s17, $0xb8;
	[tilespmem:$0xA200] =	vst v63  }
0x77: {  	_ = 	snop  }
0x78: {  	[tilespmem:s19], [sflag:$0x2] =	stream.indirect.gather [hbm4b:s4+s17], $0x80, s16, s17, $0xb8;
	[tilespmem:$0xA200] =	vst v63  }
0x79: {  	_ =	swait.ge [sflag:s26], $0x2800  }
0x7a: {  	[sflag:s26] =	ssyncset.done $0x0  }
0x7b: {  	[sflag:s26] =	ssyncadd.s32 $0xFFFFD800  }
0x7c: {  	_ =	swait.ge [sflag:s28], $0x2800  }
0x7d: {  	[sflag:s28] =	ssyncset.done $0x0  }
0x7e: {  	s8 =	sadd.s32 $0x500, s8;
	[sflag:s28] =	ssyncadd.s32 $0xFFFFD800  }
0x7f: {  	[hbm4b:s8+s1] =	stream.linear.scatter [tilespmem:s22], [sflag:$0x5], $0x2800, $0x38;
	[tilespmem:$0xA200] =	vst v63  }
0x80: {  	p0 =	sne.s32 s30, $0x26200;
	_ =	swait.ge [sflag:s15], $0x2800  }
.Ltmp0:
0x81: {  	[sflag:s15] =	ssyncset.done $0x0;
	(pc) =	sbr.rel @p0 .LBB2_2-.Ltmp0, $4  }
0x82: {  	s7 =	sadd.s32 $0x500, s7;
	[sflag:s15] =	ssyncadd.s32 $0xFFFFD800  }
0x83: {  	[hbm4b:s7+s1] =	stream.linear.scatter [tilespmem:s23], [sflag:$0x5], $0x2800, $0x38;
	[tilespmem:$0xA200] =	vst v63  }
0x84: {  	_ =	swait.ge [sflag:s15], $0x2800  }
0x85: {  	s30 =	sadd.s32 $0xA00, s30;
	s31 =	sadd.s32 $0x14, s31;
	[sflag:s15] =	ssyncset.done $0x0  }
0x86: {  	[sflag:s15] =	ssyncadd.s32 $0xFFFFD800  }
0x87: {  	_ =	swait.ge [sflag:s24], $0x2800  }
0x88: {  	[sflag:s24] =	ssyncset.done $0x0  }
0x89: {  	[sflag:s24] =	ssyncadd.s32 $0xFFFFD800  }
0x8a: {  	_ =	swait.ge [sflag:s25], $0x2800  }
0x8b: {  	[sflag:s25] =	ssyncset.done $0x0  }
0x8c: {  	s7 =	rddreg [dreg:$0x6];
	[sflag:s25] =	ssyncadd.s32 $0xFFFFD800  }
0x8d: {  	[hbm4b:s7+s1] =	stream.linear.scatter [tilespmem:s18], [sflag:$0x5], $0x2800, $0x38;
	[tilespmem:$0xA200] =	vst v63  }
0x8e: {  	s29 =	sadd.s32 $0x1, s29;
	_ =	swait.ge [sflag:s15], $0x2800  }
0x8f: {  	p0 =	sne.s32 s29, s11;
	[sflag:s15] =	ssyncset.done $0x0  }
.Ltmp1:
0x90: {  	s31 =	rddreg [dreg:$0x7];
	[sflag:s15] =	ssyncadd.s32 $0xFFFFD800;
	(pc) =	sbr.rel @p0 .LBB2_1-.Ltmp1, $4  }
0x91: {  	[hbm4b:s31+s1] =	stream.linear.scatter [tilespmem:s19], [sflag:$0x5], $0x2800, $0x38;
	[tilespmem:$0xA200] =	vst v63  }
0x92: {  	_ =	swait.ge [sflag:s15], $0x2800  }
0x93: {  	[sflag:s15] =	ssyncset.done $0x0  }
0x94: {  	[sflag:s15] =	ssyncadd.s32 $0xFFFFD800  }
0x95: {  	_ =	sfence.sel $0x180000  }
0x96: {  	[bflag:$0x0] =	sbarrier.arrive $0xFFFF  }
0x97: {  	_ =	strace $0x90000047  }
0x98: {  	s0 =	stileid.u32;
	[bflag:$0x2] =	sbarrier.arrive $0xFFFF  }
0x99: {  	p0 =	sne.s32 s0, $0x0;
	s0 =	rddreg [dreg:$0x1]  }
0x9a: {  	s0 =	sadd.s32 @!p0 $0x100000, s0  }
0x9b: {  	[sflag:s0] =	ssyncadd.tile.s32 @!p0 $0x1;
	_ =	shalt  }
.Lfunc_end2:
_tile_overlayer_lowered:
.L_overlay_start_2:
0x9c: {  	(tag) =	ssettag $0x2  }
0x9d: {  	s0 =	rddreg [dreg:$0x0];
	s2 =	stileid.u32  }
0x9e: {  	s1 =	rddreg [dreg:$0x1];
	p0 =	sne.s32 s2, $0x0  }
0x9f: {  	s3 =	rddreg [dreg:$0x2];
	[bflag:$0x3] =	sbarrier.arrive $0xFFFF;
	s2 =	simm.s32 @!p0 $0x1C05  }
0xa0: {  	[timem:s3], [sflag:s2] =	dma.local @!p0 [hbm:s0], s1  }
0xa1: {  	s0 =	simm.s32 @!p0 $0x5  }
0xa2: {  	_ =	swait.ge @!p0 [sflag:s0], s1  }
0xa3: {  	s1 =	ssub.s32 @!p0 $0x0, s1;
	[sflag:s0] =	ssyncset.done @!p0 $0x0  }
0xa4: {  	[sflag:s0] =	ssyncadd.s32 @!p0 s1  }
0xa5: {  	[bflag:$0x3] =	sbarrier.arrive $0xFFFF  }
0xa6: {  	_ =	shalt  }

// kernel: kernel.15.cloned.1.call-start
scs
__scs_entry_jumppad:
0x0: {  	(pc) =	sbr.rel $0x88, $3  }
0x1: {  	(tag) =	ssettag $0x0;
	lr =	simm.s32 $0x1  }
0x2: {  	[smem:$0x3F91] =	sst lr;
	_ =	strace $0xD0000000  }
0x3: {  	_ = 	snop  }
0x4: {  	_ = 	snop  }
0x5: {  	_ = 	snop  }
0x6: {  	_ = 	snop  }
0x7: {  	_ = 	snop  }
__scs_overlays_trampoline_lowered:
0x8: {  	[smem:$0x3FA0] =	sst s0  }
0x9: {  	[smem:$0x3FA1] =	sst s1  }
0xa: {  	[smem:$0x3FA2] =	sst s2  }
0xb: {  	[smem:$0x3FA3] =	sst s3  }
0xc: {  	[smem:$0x3FA4] =	sst s4  }
0xd: {  	[smem:$0x3FA5] =	sst s5  }
0xe: {  	[smem:$0x3FA6] =	sst s6  }
0xf: {  	[smem:$0x3FA7] =	sst s7  }
0x10: {  	[smem:$0x3FA8] =	sst s8  }
0x11: {  	[smem:$0x3FA9] =	sst s9;
	s0 =	simm.s32 @!p0 $0x0  }
0x12: {  	s1 =	sld [smem:$0x3F8F];
	s0 =	simm.s32 @p0 $0x1  }
0x13: {  	[smem:$0x3FAA] =	sst s0;
	s0 =	simm.s32 @!p1 $0x0  }
0x14: {  	s2 =	sld [smem:$0x3F8E];
	s0 =	simm.s32 @p1 $0x1  }
0x15: {  	[smem:$0x3FAB] =	sst s0;
	s0 =	simm.s32 @!p2 $0x0  }
0x16: {  	s3 =	sld [smem:$0x3FDB];
	s0 =	simm.s32 @p2 $0x1  }
0x17: {  	s4 =	simm.s32 $0x1BF5;
	[smem:$0x3FAD] =	sst s0  }
0x18: {  	s0 =	sld [smem:$0x3F90];
	_ =	swait.ge [sflag:s4], $0x0  }
0x19: {  	s7 =	sld [smem:$0x3F91]  }
0x1a: {  	s8 =	sadd.s32 $0xFFFFE003, lr  }
0x1b: {  	s9 =	sadd.s32 $0xFFFFFEF7, lr;
	s5 =	simm.s32 $0xFFFFFFFF;
	p2 =	slt.u32 s8, $0xFFFFF086  }
0x1c: {  	p1 =	slt.u32 s9, $0xF7A;
	s5 =	simm.s32 @!p2 $0x0  }
0x1d: {  	s5 =	simm.s32 @p1 $0x1;
	p0 =	seq.s32 s7, s2  }
0x1e: {  	s7 =	smul.u32 @!p0 $0xF7A, s2;
	p2 =	seq.s32 @!p0 s5, $0x0  }
0x1f: {  	s9 =	smul.u32 $0xF7A, s1;
	s8 =	simm.s32 @!p0 $0x1BF5;
	p2 =	por !p2, p0  }
0x20: {  	[sflag:s8] =	ssyncset.s32 @!p0 $0xFFFFF086;
	s6 =	sadd.s32 @!p0 s3, s7;
	s7 =	simm.s32 @!p0 $0x108  }
0x21: {  	s3 =	sadd.s32 s3, s9;
	s6 =	sadd.s32 @!p0 $0x88, s6;
	s7 =	simm.s32 @p2 $0x1082  }
0x22: {  	[simem:s7], [sflag:s8] =	dma.local @!p0 [hbm:s6], $0xF7A  }
0x23: {  	s9 =	sor.u32 $0xD0000000, s2;
	s6 =	simm.s32 $0x108;
	_ =	swait.ge @!p0 [sflag:s8], $0x0  }
0x24: {  	s3 =	sadd.s32 $0x88, s3;
	s6 =	simm.s32 @!p1 $0x1082;
	[sflag:s4] =	ssyncset.s32 $0xFFFFF086  }
0x25: {  	[simem:s6], [sflag:s4] =	dma.local [hbm:s3], $0xF7A  }
0x26: {  	[smem:$0x3F91] =	sst s1;
	(tag) =	ssettag s2;
	_ =	strace s9  }
0x27: {  	s1 =	sld [smem:$0x3FA1]  }
0x28: {  	s2 =	sld [smem:$0x3FA2]  }
0x29: {  	s4 =	sld [smem:$0x3FA4]  }
0x2a: {  	p0 =	seq.s32 s5, $0x0;
	s5 =	sld [smem:$0x3FA5]  }
0x2b: {  	s6 =	sld [smem:$0x3FA6]  }
0x2c: {  	s7 =	sld [smem:$0x3FA7]  }
0x2d: {  	s3 =	simm.s32 $0x108;
	s8 =	sld [smem:$0x3FA8]  }
0x2e: {  	s3 =	simm.s32 @!p0 $0x1082;
	s9 =	sld [smem:$0x3FA9]  }
0x2f: {  	lr =	sadd.s32 s0, s3;
	s0 =	sld [smem:$0x3FA0]  }
0x30: {  	s3 =	sld [smem:$0x3FA3]  }
0x31: {  	[smem:$0x3FAC] =	sst s10  }
0x32: {  	s10 =	sld [smem:$0x3FAA];
	_ =	sdelay $0x3  }
0x33: {  	p0 =	seq.s32 s10, $0x1;
	s10 =	sld [smem:$0x3FAC];
	_ =	sdelay $0x3  }
0x34: {  	[smem:$0x3FAC] =	sst s10  }
0x35: {  	s10 =	sld [smem:$0x3FAB];
	_ =	sdelay $0x3  }
0x36: {  	p1 =	seq.s32 s10, $0x1;
	s10 =	sld [smem:$0x3FAC];
	_ =	sdelay $0x3  }
0x37: {  	[smem:$0x3FAC] =	sst s10  }
0x38: {  	s10 =	sld [smem:$0x3FAD]  }
0x39: {  	_ = 	snop;
	(pc) =	sbr.ind lr, $3  }
0x3a: {  	_ = 	snop  }
0x3b: {  	_ = 	snop  }
0x3c: {  	p2 =	seq.s32 s10, $0x1;
	s10 =	sld [smem:$0x3FAC]  }
0x3d: {  	_ =	shalt  }
0x3e: {  	_ =	shalt  }
0x3f: {  	_ =	shalt  }
0x40: {  	_ =	shalt  }
0x41: {  	_ =	shalt  }
0x42: {  	_ =	shalt  }
0x43: {  	_ =	shalt  }
0x44: {  	_ =	shalt  }
0x45: {  	_ =	shalt  }
0x46: {  	_ =	shalt  }
0x47: {  	_ =	shalt  }
0x48: {  	_ =	shalt  }
0x49: {  	_ =	shalt  }
0x4a: {  	_ =	shalt  }
0x4b: {  	_ =	shalt  }
0x4c: {  	_ =	shalt  }
0x4d: {  	_ =	shalt  }
0x4e: {  	_ =	shalt  }
0x4f: {  	_ =	shalt  }
0x50: {  	_ =	shalt  }
0x51: {  	_ =	shalt  }
0x52: {  	_ =	shalt  }
0x53: {  	_ =	shalt  }
0x54: {  	_ =	shalt  }
0x55: {  	_ =	shalt  }
0x56: {  	_ =	shalt  }
0x57: {  	_ =	shalt  }
0x58: {  	_ =	shalt  }
0x59: {  	_ =	shalt  }
0x5a: {  	_ =	shalt  }
0x5b: {  	_ =	shalt  }
0x5c: {  	_ =	shalt  }
0x5d: {  	_ =	shalt  }
0x5e: {  	_ =	shalt  }
0x5f: {  	_ =	shalt  }
0x60: {  	_ =	shalt  }
0x61: {  	_ =	shalt  }
0x62: {  	_ =	shalt  }
0x63: {  	_ =	shalt  }
0x64: {  	_ =	shalt  }
0x65: {  	_ =	shalt  }
0x66: {  	_ =	shalt  }
0x67: {  	_ =	shalt  }
0x68: {  	_ =	shalt  }
0x69: {  	_ =	shalt  }
0x6a: {  	_ =	shalt  }
0x6b: {  	_ =	shalt  }
0x6c: {  	_ =	shalt  }
0x6d: {  	_ =	shalt  }
0x6e: {  	_ =	shalt  }
0x6f: {  	_ =	shalt  }
0x70: {  	_ =	shalt  }
0x71: {  	_ =	shalt  }
0x72: {  	_ =	shalt  }
0x73: {  	_ =	shalt  }
0x74: {  	_ =	shalt  }
0x75: {  	_ =	shalt  }
0x76: {  	_ =	shalt  }
0x77: {  	_ =	shalt  }
0x78: {  	_ =	shalt  }
0x79: {  	_ =	shalt  }
0x7a: {  	_ =	shalt  }
0x7b: {  	_ =	shalt  }
0x7c: {  	_ =	shalt  }
0x7d: {  	_ =	shalt  }
0x7e: {  	_ =	shalt  }
0x7f: {  	_ =	shalt  }
0x80: {  	_ =	shalt  }
0x81: {  	_ =	shalt  }
0x82: {  	_ =	shalt  }
0x83: {  	_ =	shalt  }
0x84: {  	_ =	shalt  }
0x85: {  	_ =	shalt  }
0x86: {  	_ =	shalt  }
0x87: {  	_ =	shalt  }
.Lfunc_end0:
.L_simem_size_0:
called_computation.1_lowered:
.L_overlay_start_0:
0x88: {  	s2 =	sld [smem:$0x3FD9]  }
0x89: {  	s3 =	sld [smem:$0x3FFE];
	_ =	sdelay $0x1  }
0x8a: {  	s1 =	srdreg.scid  }
0x8b: {  	s0 =	sand.u32 $0x1, s1  }
0x8c: {  	s16 =	sshll.u32 s0, $0xA;
	s2 =	sadd.s32 s3, s2  }
0x8d: {  	s2 =	sadd.s32 s2, s16  }
0x8e: {  	[smem:$0x3FB8] =	sst s2  }
0x8f: {  	_ = 	snop  }
0x90: {  	(tm) =	ssettm $0x1  }
0x91: {  	s17 =	sld [smem:$0x3FFB];
	_ =	sdelay $0x3  }
0x92: {  	_ =	strace s17  }
0x93: {  	s2 =	sld [smem:$0x3FFC];
	_ =	sdelay $0x3  }
0x94: {  	_ =	strace s2  }
0x95: {  	s2 =	sld [smem:$0x3FFD];
	_ =	sdelay $0x3  }
0x96: {  	_ =	strace s2  }
0x97: {  	_ =	strace $0x8FFFFFFF  }
0x98: {  	s18 =	sld [smem:$0x3FDB];
	_ =	sdelay $0x1  }
0x99: {  	s19 =	simm.s32 $_scs_section_size  }
0x9a: {  	s4 =	simm.s32 $_size__tile_overlayer_lowered;
	s5 =	simm.s32 $_tile_overlayer_lowered  }
0x9b: {  	s22 =	simm.s32 $0x1BFF;
	s21 =	sshll.u32 s5, $0x1;
	s2 =	sadd.s32 s19, s18  }
0x9c: {  	s6 =	simm.s32 $0x0;
	s20 =	sshll.u32 s4, $0x1;
	s4 =	sadd.s32 s21, s2  }
0x9d: {  	[timem:s6], [sflag:s22] =	dma.local [hbm:s4], s20  }
0x9e: {  	_ =	swait.ge [sflag:s22], s20  }
0x9f: {  	s3 =	ssub.s32 $0x0, s20;
	[sflag:s22] =	ssyncset.done $0x0  }
0xa0: {  	[sflag:s22] =	ssyncadd.s32 s3;
	_ =	sdelay $0x1  }
0xa1: {  	s23 =	simm.s32 $0x1B8B  }
0xa2: {  	_ =	swait.ge [sflag:s23], $0x1  }
0xa3: {  	[sflag:s23] =	ssyncset.done $0x0  }
0xa4: {  	s25 =	simm.s32 $0x1B8E;
	s24 =	sld [smem:$0x3FFE];
	[sflag:s23] =	ssyncadd.s32 $0xFFFFFFFF  }
0xa5: {  	s26 =	simm.s32 $execute0_lowered;
	[smem:$0x3FD2] =	sst s25  }
0xa6: {  	s4 =	sshll.u32 s26, $0x1;
	_ =	strace $0x80000049;
	[dreg:$0x1] =	wrdreg $0xFFFFFFFF  }
0xa7: {  	s28 =	simm.s32 $_size_execute0_lowered;
	s2 =	sadd.s32 s2, s4;
	[dreg:$0x0] =	wrdreg $0x0  }
0xa8: {  	s4 =	sshll.u32 s28, $0x1;
	[dreg:$0x2] =	wrdreg s2  }
0xa9: {  	[dreg:$0x3] =	wrdreg s4  }
0xaa: {  	[dreg:$0x4] =	wrdreg $0xC0  }
0xab: {  	_ =	task [dreg:s6], $0x5FFFF  }
0xac: {  	[dreg:$0x1] =	wrdreg $0xFFFFFFFF  }
0xad: {  	[dreg:$0x0] =	wrdreg $0x60  }
0xae: {  	[dreg:$0x2] =	wrdreg s24  }
0xaf: {  	[dreg:$0x3] =	wrdreg $0x51000  }
0xb0: {  	[dreg:$0x4] =	wrdreg $0x9  }
0xb1: {  	_ =	task.clear_ibuf [dreg:s6], $0x5FFFF;
	_ =	strace $0x90000049  }
0xb2: {  	s29 =	simm.s32 $0x9;
	_ =	strace $0x8000004B  }
0xb3: {  	_ =	swait.ge [sflag:s29], $0x1  }
0xb4: {  	[sflag:s29] =	ssyncadd.s32 $0xFFFFFFFF  }
0xb5: {  	_ =	strace $0x9000004B  }
0xb6: {  	_ =	sfence  }
0xb7: {  	s30 =	sld [smem:$0x0];
	_ =	sdelay $0x2  }
0xb8: {  	s31 =	sshll.u32 s1, $0xD;
	s1 =	sshrl.u32 s1, $0x2  }
0xb9: {  	s3 =	sand.u32 $0x4000, s31;
	s1 =	sadd.s32 s1, s30  }
0xba: {  	s0 =	sor.u32 s3, s0;
	s1 =	sshll.u32 s1, $0x11  }
0xbb: {  	s0 =	sor.u32 s1, s0  }
0xbc: {  	s0 =	sadd.s32 $0x8F2B, s0  }
0xbd: {  	[sflag:s0] =	ssyncadd.remote.s32 $0x1  }
0xbe: {  	_ =	sfence.sel $0xFFFF  }
0xbf: {  	[dreg:$0x0] =	wrdreg $0xFFFFFFFF;
	(pc) =	sbr.abs _section_cstart, $3  }
0xc0: {  	[dreg:$0x1] =	wrdreg $0xFFFFFFFF  }
0xc1: {  	_ =	task.clear_ibuf [dreg:s6], $0x2FFFF;
	_ =	strace $0x9FFFFFFF  }
0xc2: {  	(tm) =	ssettm $0x7FFFFFFF  }
0xc3: {  	_ =	shalt  }
tec
execute0_lowered:
.L_overlay_start_1:
0x0: {  	(tag) =	ssettag $0x1  }
0x1: {  	s5 =	rddreg [dreg:$0x0]  }
0x2: {  	s1 =	rddreg [dreg:$0x1]  }
0x3: {  	s0 =	rddreg [dreg:$0x2];
	s3 =	simm.s32 $0x0  }
0x4: {  	s2 =	stileid.u32;
	s7 =	srdreg.scid;
	s16 =	simm.s32 $0x6C400  }
0x5: {  	s18 =	simm.s32 $0x80;
	s19 =	simm.s32 $0x2900;
	s20 =	simm.s32 $0x1  }
0x6: {  	s21 =	simm.s32 $0x2;
	s22 =	simm.s32 $0x0;
	s6 =	smul.u32 $0x2800, s2  }
0x7: {  	[smem:$0x7FF] =	sst s3;
	s10 =	sadd.s32 $0xF10800, s5;
	s23 =	smul.u32 $0x50000, s2  }
0x8: {  	s4 =	sadd.s32 $0x12600, s5;
	s11 =	sand.u32 $0x1, s7;
	s30 =	smul.u32 $0x2710, s2  }
0x9: {  	s28 =	sshll.u32 s2, $0x6;
	s17 =	smul.u32 $0x27100, s2;
	_ =	strace $0x8000004A  }
0xa: {  	s24 =	ssub.s32 $0x2, s11;
	s25 =	sshll.u32 s11, $0x4;
	s15 =	smul.u32 $0x27100, s11  }
0xb: {  	p0 =	seq.s32 s11, $0x1;
	s11 =	smul.u32 $0x271000, s11;
	s12 =	sadd.s32 s6, s5  }
0xc: {  	s8 =	sshrl.u32 s24, $0x1;
	s6 =	sor.u32 s2, s25;
	s7 =	sshrl.u32 s23, $0x2  }
0xd: {  	s16 =	simm.s32 @!p0 $0x44400;
	s9 =	ssub.s32 s24, s8;
	s26 =	smul.u32 $0x2710, s6  }
0xe: {  	s14 =	sadd.s32 s7, s1;
	s5 =	sadd.s32 $0x1C400, s12;
	s13 =	smul.u32 $0x27100, s6  }
0xf: {  	s6 =	sor.u32 $0x1C03, s28;
	s11 =	sadd.s32 s11, s10;
	s9 =	smax.u32 s9, $0x1  }
0x10: {  	s11 =	sadd.s32 s17, s11;
	s14 =	sshrl.u32 s14, $0x3;
	s17 =	simm.s32 $0x50  }
0x11: {  	s29 =	sshrl.u32 s26, $0x3;
	s8 =	sadd.s32 s10, s13;
	s13 =	sadd.s32 s30, s15  }
0x12: {  	s10 =	sadd.s32 s16, s12;
	s11 =	sadd.s32 $0x500, s11;
	s15 =	sadd.s32 $0x50, s13  }
0x13: {  	s16 =	simm.s32 $0x100;
	s7 =	sadd.s32 s4, s29;
	s31 =	sshrl.u32 s15, $0x3  }
0x14: {  	s13 =	sadd.s32 $0xA0, s13;
	s15 =	simm.s32 $0x3;
	s12 =	sadd.s32 s31, s4  }
.LBB2_1:
0x15: {  	[spmem:s14], [sflag:s6] =	dma.local [hbm:s5], $0x2800  }
0x16: {  	_ =	swait.ge [sflag:s15], $0x2800  }
0x17: {  	[sflag:s15] =	ssyncset.done $0x0  }
0x18: {  	[sflag:s15] =	ssyncadd.s32 $0xFFFFD800  }
0x19: {  	[bflag:$0x0] =	sbarrier.arrive $0xFFFF  }
0x1a: {  	[tilespmem:s3], [sflag:$0x3] =	stream.linear.gather [hbm4b:s7+s3], $0x50, $0x38;
	[tilespmem:$0x19100] =	vst v63  }
0x1b: {  	_ =	swait.ge [sflag:s15], $0x50  }
0x1c: {  	[sflag:s15] =	ssyncset.done $0x0  }
0x1d: {  	[sflag:s15] =	ssyncadd.s32 $0xFFFFFFB0  }
0x1e: {  	[tilespmem:s16], [sflag:$0x3] =	stream.linear.gather [hbm4b:s8+s3], $0x2800, $0x38;
	[tilespmem:$0x19100] =	vst v63  }
0x1f: {  	_ =	swait.ge [sflag:s15], $0x2800  }
0x20: {  	[sflag:s15] =	ssyncset.done $0x0  }
0x21: {  	[sflag:s15] =	ssyncadd.s32 $0xFFFFD800  }
0x22: {  	[spmem:s1] =	stream.indirect.scatter.add.f32 [tilespmem:s16], [sflag:$0x1], $0x80, s3, s17, $0xb8;
	[tilespmem:$0x19100] =	vst v63  }
0x23: {  	s23 =	sadd.s32 $0x0, s12  }
0x24: {  	[tilespmem:s18], [sflag:$0x3] =	stream.linear.gather [hbm4b:s23+s3], $0x50, $0x38;
	[tilespmem:$0x19100] =	vst v63  }
0x25: {  	_ =	swait.ge [sflag:s15], $0x50  }
0x26: {  	[sflag:s15] =	ssyncset.done $0x0  }
0x27: {  	[sflag:s15] =	ssyncadd.s32 $0xFFFFFFB0  }
0x28: {  	[tilespmem:s19], [sflag:$0x3] =	stream.linear.gather [hbm4b:s11+s3], $0x2800, $0x38;
	[tilespmem:$0x19100] =	vst v63  }
0x29: {  	_ =	swait.ge [sflag:s15], $0x2800  }
0x2a: {  	[sflag:s15] =	ssyncset.done $0x0  }
0x2b: {  	[sflag:s15] =	ssyncadd.s32 $0xFFFFD800  }
0x2c: {  	_ =	swait.ge [sflag:s20], $0x2800  }
0x2d: {  	[sflag:s20] =	ssyncset.done $0x0  }
0x2e: {  	s30 =	sshrl.u32 s13, $0x3;
	[sflag:s20] =	ssyncadd.s32 $0xFFFFD800  }
0x2f: {  	[spmem:s1] =	stream.indirect.scatter.add.f32 [tilespmem:s19], [sflag:$0x2], $0x80, s18, s17, $0xb8;
	[tilespmem:$0x19100] =	vst v63  }
0x30: {  	s23 =	sadd.s32 s4, s30  }
0x31: {  	[tilespmem:s3], [sflag:$0x3] =	stream.linear.gather [hbm4b:s23+s3], $0x50, $0x38;
	[tilespmem:$0x19100] =	vst v63  }
0x32: {  	_ =	swait.ge [sflag:s15], $0x50  }
0x33: {  	[sflag:s15] =	ssyncset.done $0x0  }
0x34: {  	s31 =	sadd.s32 $0x500, s11;
	[sflag:s15] =	ssyncadd.s32 $0xFFFFFFB0  }
0x35: {  	[tilespmem:s16], [sflag:$0x3] =	stream.linear.gather [hbm4b:s31+s3], $0x2800, $0x38;
	[tilespmem:$0x19100] =	vst v63  }
0x36: {  	_ =	swait.ge [sflag:s15], $0x2800  }
0x37: {  	[sflag:s15] =	ssyncset.done $0x0  }
0x38: {  	[sflag:s15] =	ssyncadd.s32 $0xFFFFD800  }
0x39: {  	s24 =	smov.u32 s11;
	_ =	swait.ge [sflag:s21], $0x2800  }
0x3a: {  	s25 =	smov.u32 s13;
	s23 =	simm.s32 $0x14;
	[sflag:s21] =	ssyncset.done $0x0  }
.LBB2_2:
0x3b: {  	[sflag:s21] =	ssyncadd.s32 $0xFFFFD800;
	s24 =	sadd.s32 $0xA00, s24;
	s25 =	sadd.s32 $0xA0, s25  }
0x3c: {  	[spmem:s1] =	stream.indirect.scatter.add.f32 [tilespmem:s16], [sflag:$0x1], $0x80, s3, s17, $0xb8;
	[tilespmem:$0x19100] =	vst v63  }
0x3d: {  	s26 =	sadd.s32 s23, s12;
	p0 =	sne.s32 s23, $0x4C4;
	s23 =	sadd.s32 $0x14, s23  }
0x3e: {  	[tilespmem:s18], [sflag:$0x3] =	stream.linear.gather [hbm4b:s26+s3], $0x50, $0x38;
	[tilespmem:$0x19100] =	vst v63  }
0x3f: {  	_ =	swait.ge [sflag:s15], $0x50  }
0x40: {  	[sflag:s15] =	ssyncset.done $0x0  }
0x41: {  	[sflag:s15] =	ssyncadd.s32 $0xFFFFFFB0  }
0x42: {  	[tilespmem:s19], [sflag:$0x3] =	stream.linear.gather [hbm4b:s24+s3], $0x2800, $0x38;
	[tilespmem:$0x19100] =	vst v63  }
0x43: {  	_ =	swait.ge [sflag:s15], $0x2800  }
0x44: {  	[sflag:s15] =	ssyncset.done $0x0  }
0x45: {  	[sflag:s15] =	ssyncadd.s32 $0xFFFFD800  }
0x46: {  	_ =	swait.ge [sflag:s20], $0x2800  }
0x47: {  	[sflag:s20] =	ssyncset.done $0x0  }
0x48: {  	s26 =	sshrl.u32 s25, $0x3;
	[sflag:s20] =	ssyncadd.s32 $0xFFFFD800  }
0x49: {  	[spmem:s1] =	stream.indirect.scatter.add.f32 [tilespmem:s19], [sflag:$0x2], $0x80, s18, s17, $0xb8;
	[tilespmem:$0x19100] =	vst v63  }
0x4a: {  	s26 =	sadd.s32 s4, s26  }
0x4b: {  	[tilespmem:s3], [sflag:$0x3] =	stream.linear.gather [hbm4b:s26+s3], $0x50, $0x38;
	[tilespmem:$0x19100] =	vst v63  }
0x4c: {  	_ =	swait.ge [sflag:s15], $0x50  }
0x4d: {  	[sflag:s15] =	ssyncset.done $0x0  }
0x4e: {  	s26 =	sadd.s32 $0x500, s24;
	[sflag:s15] =	ssyncadd.s32 $0xFFFFFFB0  }
0x4f: {  	[tilespmem:s16], [sflag:$0x3] =	stream.linear.gather [hbm4b:s26+s3], $0x2800, $0x38;
	[tilespmem:$0x19100] =	vst v63  }
.Ltmp0:
0x50: {  	_ =	swait.ge [sflag:s15], $0x2800;
	(pc) =	sbr.rel @p0 .LBB2_2-.Ltmp0, $4  }
0x51: {  	[sflag:s15] =	ssyncset.done $0x0  }
0x52: {  	[sflag:s15] =	ssyncadd.s32 $0xFFFFD800  }
0x53: {  	_ =	swait.ge [sflag:s21], $0x2800  }
0x54: {  	[sflag:s21] =	ssyncset.done $0x0  }
0x55: {  	[sflag:s21] =	ssyncadd.s32 $0xFFFFD800  }
0x56: {  	[spmem:s1] =	stream.indirect.scatter.add.f32 [tilespmem:s16], [sflag:$0x1], $0x80, s3, s17, $0xb8;
	[tilespmem:$0x19100] =	vst v63  }
0x57: {  	_ =	swait.ge [sflag:s20], $0x2800  }
0x58: {  	s22 =	sadd.s32 $0x1, s22;
	[sflag:s20] =	ssyncset.done $0x0  }
0x59: {  	p0 =	sne.s32 s22, s9;
	[sflag:s20] =	ssyncadd.s32 $0xFFFFD800  }
.Ltmp1:
0x5a: {  	[bflag:$0x0] =	sbarrier.arrive $0xFFFF;
	(pc) =	sbr.rel @p0 .LBB2_1-.Ltmp1, $4  }
0x5b: {  	[hbm:s10], [sflag:s6] =	dma.local [spmem:s14], $0x2800  }
0x5c: {  	_ =	swait.ge [sflag:s15], $0x2800  }
0x5d: {  	[sflag:s15] =	ssyncset.done $0x0  }
0x5e: {  	[sflag:s15] =	ssyncadd.s32 $0xFFFFD800  }
0x5f: {  	_ =	sfence.sel $0x180000  }
0x60: {  	[bflag:$0x0] =	sbarrier.arrive $0xFFFF  }
0x61: {  	p0 =	sne.s32 s2, $0x0;
	_ =	strace $0x9000004A  }
0x62: {  	s0 =	sadd.s32 @!p0 $0x100000, s0;
	[bflag:$0x2] =	sbarrier.arrive $0xFFFF  }
0x63: {  	[sflag:s0] =	ssyncadd.tile.s32 @!p0 $0x1;
	_ =	shalt  }
.Lfunc_end2:
_tile_overlayer_lowered:
.L_overlay_start_2:
0x64: {  	(tag) =	ssettag $0x2  }
0x65: {  	s0 =	rddreg [dreg:$0x0];
	s2 =	stileid.u32  }
0x66: {  	s1 =	rddreg [dreg:$0x1];
	p0 =	sne.s32 s2, $0x0  }
0x67: {  	s3 =	rddreg [dreg:$0x2];
	[bflag:$0x3] =	sbarrier.arrive $0xFFFF;
	s2 =	simm.s32 @!p0 $0x1C03  }
0x68: {  	[timem:s3], [sflag:s2] =	dma.local @!p0 [hbm:s0], s1  }
0x69: {  	s0 =	simm.s32 @!p0 $0x3  }
0x6a: {  	_ =	swait.ge @!p0 [sflag:s0], s1  }
0x6b: {  	s1 =	ssub.s32 @!p0 $0x0, s1;
	[sflag:s0] =	ssyncset.done @!p0 $0x0  }
0x6c: {  	[sflag:s0] =	ssyncadd.s32 @!p0 s1  }
0x6d: {  	[bflag:$0x3] =	sbarrier.arrive $0xFFFF  }
0x6e: {  	_ =	shalt  }

// kernel: kernel.18.cloned.1.call-start
scs
__scs_entry_jumppad:
0x0: {  	(pc) =	sbr.rel $0x88, $3  }
0x1: {  	(tag) =	ssettag $0x0;
	lr =	simm.s32 $0x1  }
0x2: {  	[smem:$0x3F91] =	sst lr;
	_ =	strace $0xD0000000  }
0x3: {  	_ = 	snop  }
0x4: {  	_ = 	snop  }
0x5: {  	_ = 	snop  }
0x6: {  	_ = 	snop  }
0x7: {  	_ = 	snop  }
__scs_overlays_trampoline_lowered:
0x8: {  	[smem:$0x3FA0] =	sst s0  }
0x9: {  	[smem:$0x3FA1] =	sst s1  }
0xa: {  	[smem:$0x3FA2] =	sst s2  }
0xb: {  	[smem:$0x3FA3] =	sst s3  }
0xc: {  	[smem:$0x3FA4] =	sst s4  }
0xd: {  	[smem:$0x3FA5] =	sst s5  }
0xe: {  	[smem:$0x3FA6] =	sst s6  }
0xf: {  	[smem:$0x3FA7] =	sst s7  }
0x10: {  	[smem:$0x3FA8] =	sst s8  }
0x11: {  	[smem:$0x3FA9] =	sst s9;
	s0 =	simm.s32 @!p0 $0x0  }
0x12: {  	s1 =	sld [smem:$0x3F8F];
	s0 =	simm.s32 @p0 $0x1  }
0x13: {  	[smem:$0x3FAA] =	sst s0;
	s0 =	simm.s32 @!p1 $0x0  }
0x14: {  	s2 =	sld [smem:$0x3F8E];
	s0 =	simm.s32 @p1 $0x1  }
0x15: {  	[smem:$0x3FAB] =	sst s0;
	s0 =	simm.s32 @!p2 $0x0  }
0x16: {  	s3 =	sld [smem:$0x3FDB];
	s0 =	simm.s32 @p2 $0x1  }
0x17: {  	s4 =	simm.s32 $0x1BF5;
	[smem:$0x3FAD] =	sst s0  }
0x18: {  	s0 =	sld [smem:$0x3F90];
	_ =	swait.ge [sflag:s4], $0x0  }
0x19: {  	s7 =	sld [smem:$0x3F91]  }
0x1a: {  	s8 =	sadd.s32 $0xFFFFE003, lr  }
0x1b: {  	s9 =	sadd.s32 $0xFFFFFEF7, lr;
	s5 =	simm.s32 $0xFFFFFFFF;
	p2 =	slt.u32 s8, $0xFFFFF086  }
0x1c: {  	p1 =	slt.u32 s9, $0xF7A;
	s5 =	simm.s32 @!p2 $0x0  }
0x1d: {  	s5 =	simm.s32 @p1 $0x1;
	p0 =	seq.s32 s7, s2  }
0x1e: {  	s7 =	smul.u32 @!p0 $0xF7A, s2;
	p2 =	seq.s32 @!p0 s5, $0x0  }
0x1f: {  	s9 =	smul.u32 $0xF7A, s1;
	s8 =	simm.s32 @!p0 $0x1BF5;
	p2 =	por !p2, p0  }
0x20: {  	[sflag:s8] =	ssyncset.s32 @!p0 $0xFFFFF086;
	s6 =	sadd.s32 @!p0 s3, s7;
	s7 =	simm.s32 @!p0 $0x108  }
0x21: {  	s3 =	sadd.s32 s3, s9;
	s6 =	sadd.s32 @!p0 $0x88, s6;
	s7 =	simm.s32 @p2 $0x1082  }
0x22: {  	[simem:s7], [sflag:s8] =	dma.local @!p0 [hbm:s6], $0xF7A  }
0x23: {  	s9 =	sor.u32 $0xD0000000, s2;
	s6 =	simm.s32 $0x108;
	_ =	swait.ge @!p0 [sflag:s8], $0x0  }
0x24: {  	s3 =	sadd.s32 $0x88, s3;
	s6 =	simm.s32 @!p1 $0x1082;
	[sflag:s4] =	ssyncset.s32 $0xFFFFF086  }
0x25: {  	[simem:s6], [sflag:s4] =	dma.local [hbm:s3], $0xF7A  }
0x26: {  	[smem:$0x3F91] =	sst s1;
	(tag) =	ssettag s2;
	_ =	strace s9  }
0x27: {  	s1 =	sld [smem:$0x3FA1]  }
0x28: {  	s2 =	sld [smem:$0x3FA2]  }
0x29: {  	s4 =	sld [smem:$0x3FA4]  }
0x2a: {  	p0 =	seq.s32 s5, $0x0;
	s5 =	sld [smem:$0x3FA5]  }
0x2b: {  	s6 =	sld [smem:$0x3FA6]  }
0x2c: {  	s7 =	sld [smem:$0x3FA7]  }
0x2d: {  	s3 =	simm.s32 $0x108;
	s8 =	sld [smem:$0x3FA8]  }
0x2e: {  	s3 =	simm.s32 @!p0 $0x1082;
	s9 =	sld [smem:$0x3FA9]  }
0x2f: {  	lr =	sadd.s32 s0, s3;
	s0 =	sld [smem:$0x3FA0]  }
0x30: {  	s3 =	sld [smem:$0x3FA3]  }
0x31: {  	[smem:$0x3FAC] =	sst s10  }
0x32: {  	s10 =	sld [smem:$0x3FAA];
	_ =	sdelay $0x3  }
0x33: {  	p0 =	seq.s32 s10, $0x1;
	s10 =	sld [smem:$0x3FAC];
	_ =	sdelay $0x3  }
0x34: {  	[smem:$0x3FAC] =	sst s10  }
0x35: {  	s10 =	sld [smem:$0x3FAB];
	_ =	sdelay $0x3  }
0x36: {  	p1 =	seq.s32 s10, $0x1;
	s10 =	sld [smem:$0x3FAC];
	_ =	sdelay $0x3  }
0x37: {  	[smem:$0x3FAC] =	sst s10  }
0x38: {  	s10 =	sld [smem:$0x3FAD]  }
0x39: {  	_ = 	snop;
	(pc) =	sbr.ind lr, $3  }
0x3a: {  	_ = 	snop  }
0x3b: {  	_ = 	snop  }
0x3c: {  	p2 =	seq.s32 s10, $0x1;
	s10 =	sld [smem:$0x3FAC]  }
0x3d: {  	_ =	shalt  }
0x3e: {  	_ =	shalt  }
0x3f: {  	_ =	shalt  }
0x40: {  	_ =	shalt  }
0x41: {  	_ =	shalt  }
0x42: {  	_ =	shalt  }
0x43: {  	_ =	shalt  }
0x44: {  	_ =	shalt  }
0x45: {  	_ =	shalt  }
0x46: {  	_ =	shalt  }
0x47: {  	_ =	shalt  }
0x48: {  	_ =	shalt  }
0x49: {  	_ =	shalt  }
0x4a: {  	_ =	shalt  }
0x4b: {  	_ =	shalt  }
0x4c: {  	_ =	shalt  }
0x4d: {  	_ =	shalt  }
0x4e: {  	_ =	shalt  }
0x4f: {  	_ =	shalt  }
0x50: {  	_ =	shalt  }
0x51: {  	_ =	shalt  }
0x52: {  	_ =	shalt  }
0x53: {  	_ =	shalt  }
0x54: {  	_ =	shalt  }
0x55: {  	_ =	shalt  }
0x56: {  	_ =	shalt  }
0x57: {  	_ =	shalt  }
0x58: {  	_ =	shalt  }
0x59: {  	_ =	shalt  }
0x5a: {  	_ =	shalt  }
0x5b: {  	_ =	shalt  }
0x5c: {  	_ =	shalt  }
0x5d: {  	_ =	shalt  }
0x5e: {  	_ =	shalt  }
0x5f: {  	_ =	shalt  }
0x60: {  	_ =	shalt  }
0x61: {  	_ =	shalt  }
0x62: {  	_ =	shalt  }
0x63: {  	_ =	shalt  }
0x64: {  	_ =	shalt  }
0x65: {  	_ =	shalt  }
0x66: {  	_ =	shalt  }
0x67: {  	_ =	shalt  }
0x68: {  	_ =	shalt  }
0x69: {  	_ =	shalt  }
0x6a: {  	_ =	shalt  }
0x6b: {  	_ =	shalt  }
0x6c: {  	_ =	shalt  }
0x6d: {  	_ =	shalt  }
0x6e: {  	_ =	shalt  }
0x6f: {  	_ =	shalt  }
0x70: {  	_ =	shalt  }
0x71: {  	_ =	shalt  }
0x72: {  	_ =	shalt  }
0x73: {  	_ =	shalt  }
0x74: {  	_ =	shalt  }
0x75: {  	_ =	shalt  }
0x76: {  	_ =	shalt  }
0x77: {  	_ =	shalt  }
0x78: {  	_ =	shalt  }
0x79: {  	_ =	shalt  }
0x7a: {  	_ =	shalt  }
0x7b: {  	_ =	shalt  }
0x7c: {  	_ =	shalt  }
0x7d: {  	_ =	shalt  }
0x7e: {  	_ =	shalt  }
0x7f: {  	_ =	shalt  }
0x80: {  	_ =	shalt  }
0x81: {  	_ =	shalt  }
0x82: {  	_ =	shalt  }
0x83: {  	_ =	shalt  }
0x84: {  	_ =	shalt  }
0x85: {  	_ =	shalt  }
0x86: {  	_ =	shalt  }
0x87: {  	_ =	shalt  }
.Lfunc_end0:
.L_simem_size_0:
called_computation.2_lowered:
.L_overlay_start_0:
0x88: {  	s2 =	sld [smem:$0x3FD9]  }
0x89: {  	s3 =	sld [smem:$0x3FFE];
	_ =	sdelay $0x1  }
0x8a: {  	s1 =	srdreg.scid  }
0x8b: {  	s0 =	sand.u32 $0x1, s1  }
0x8c: {  	s16 =	sshll.u32 s0, $0xA;
	s2 =	sadd.s32 s3, s2  }
0x8d: {  	s2 =	sadd.s32 s2, s16  }
0x8e: {  	[smem:$0x3FB8] =	sst s2  }
0x8f: {  	_ = 	snop  }
0x90: {  	(tm) =	ssettm $0x1  }
0x91: {  	s17 =	sld [smem:$0x3FFB];
	_ =	sdelay $0x3  }
0x92: {  	_ =	strace s17  }
0x93: {  	s2 =	sld [smem:$0x3FFC];
	_ =	sdelay $0x3  }
0x94: {  	_ =	strace s2  }
0x95: {  	s2 =	sld [smem:$0x3FFD];
	_ =	sdelay $0x3  }
0x96: {  	_ =	strace s2  }
0x97: {  	_ =	strace $0x8FFFFFFF  }
0x98: {  	s18 =	sld [smem:$0x3FDB];
	_ =	sdelay $0x1  }
0x99: {  	s19 =	simm.s32 $_scs_section_size  }
0x9a: {  	s4 =	simm.s32 $_size__tile_overlayer_lowered;
	s5 =	simm.s32 $_tile_overlayer_lowered  }
0x9b: {  	s22 =	simm.s32 $0x1BFF;
	s21 =	sshll.u32 s5, $0x1;
	s2 =	sadd.s32 s19, s18  }
0x9c: {  	s6 =	simm.s32 $0x0;
	s20 =	sshll.u32 s4, $0x1;
	s4 =	sadd.s32 s21, s2  }
0x9d: {  	[timem:s6], [sflag:s22] =	dma.local [hbm:s4], s20  }
0x9e: {  	_ =	swait.ge [sflag:s22], s20  }
0x9f: {  	s3 =	ssub.s32 $0x0, s20;
	[sflag:s22] =	ssyncset.done $0x0  }
0xa0: {  	[sflag:s22] =	ssyncadd.s32 s3;
	_ =	sdelay $0x1  }
0xa1: {  	s23 =	simm.s32 $0x1B8B  }
0xa2: {  	_ =	swait.ge [sflag:s23], $0x1  }
0xa3: {  	[sflag:s23] =	ssyncset.done $0x0  }
0xa4: {  	s25 =	simm.s32 $0x1B8E;
	s24 =	sld [smem:$0x3FFE];
	[sflag:s23] =	ssyncadd.s32 $0xFFFFFFFF  }
0xa5: {  	s26 =	simm.s32 $execute0_lowered;
	[smem:$0x3FD2] =	sst s25  }
0xa6: {  	s4 =	sshll.u32 s26, $0x1;
	_ =	strace $0x8000004C;
	[dreg:$0x1] =	wrdreg $0xFFFFFFFF  }
0xa7: {  	s28 =	simm.s32 $_size_execute0_lowered;
	s2 =	sadd.s32 s2, s4;
	[dreg:$0x0] =	wrdreg $0x0  }
0xa8: {  	s4 =	sshll.u32 s28, $0x1;
	[dreg:$0x2] =	wrdreg s2  }
0xa9: {  	[dreg:$0x3] =	wrdreg s4  }
0xaa: {  	[dreg:$0x4] =	wrdreg $0xC0  }
0xab: {  	_ =	task [dreg:s6], $0x5FFFF  }
0xac: {  	[dreg:$0x1] =	wrdreg $0xFFFFFFFF  }
0xad: {  	[dreg:$0x0] =	wrdreg $0x60  }
0xae: {  	[dreg:$0x2] =	wrdreg s24  }
0xaf: {  	[dreg:$0x3] =	wrdreg $0x9  }
0xb0: {  	_ =	task.clear_ibuf [dreg:s6], $0x4FFFF;
	_ =	strace $0x9000004C  }
0xb1: {  	s29 =	simm.s32 $0x9;
	_ =	strace $0x8000004E  }
0xb2: {  	_ =	swait.ge [sflag:s29], $0x1  }
0xb3: {  	[sflag:s29] =	ssyncadd.s32 $0xFFFFFFFF  }
0xb4: {  	_ =	strace $0x9000004E  }
0xb5: {  	_ =	sfence  }
0xb6: {  	s30 =	sld [smem:$0x0];
	_ =	sdelay $0x2  }
0xb7: {  	s31 =	sshll.u32 s1, $0xD;
	s1 =	sshrl.u32 s1, $0x2  }
0xb8: {  	s3 =	sand.u32 $0x4000, s31;
	s1 =	sadd.s32 s1, s30  }
0xb9: {  	s0 =	sor.u32 s3, s0;
	s1 =	sshll.u32 s1, $0x11  }
0xba: {  	s0 =	sor.u32 s1, s0  }
0xbb: {  	s0 =	sadd.s32 $0x8F2B, s0  }
0xbc: {  	[sflag:s0] =	ssyncadd.remote.s32 $0x1  }
0xbd: {  	_ =	sfence.sel $0xFFFF  }
0xbe: {  	[dreg:$0x0] =	wrdreg $0xFFFFFFFF;
	(pc) =	sbr.abs _section_cstart, $3  }
0xbf: {  	[dreg:$0x1] =	wrdreg $0xFFFFFFFF  }
0xc0: {  	_ =	task.clear_ibuf [dreg:s6], $0x2FFFF;
	_ =	strace $0x9FFFFFFF  }
0xc1: {  	(tm) =	ssettm $0x7FFFFFFF  }
tec
execute0_lowered:
.L_overlay_start_1:
0x0: {  	(tag) =	ssettag $0x1  }
0x1: {  	s0 =	rddreg [dreg:$0x0];
	s1 =	simm.s32 $0x0  }
0x2: {  	s2 =	srdreg.scid;
	s16 =	stileid.u32;
	s17 =	simm.s32 $0x50  }
0x3: {  	s18 =	simm.s32 $0x200;
	s19 =	simm.s32 $0x2A00;
	s28 =	simm.s32 $0x4  }
0x4: {  	[smem:$0x7FF] =	sst s1;
	s3 =	sadd.s32 $0x44400, s0;
	s2 =	sand.u32 $0x1, s2  }
0x5: {  	s4 =	sadd.s32 $0x6B600, s0;
	s5 =	sadd.s32 $0x8800, s0;
	s15 =	smul.u32 $0x2710, s16  }
0x6: {  	s6 =	sadd.s32 $0x12600, s0;
	s12 =	sadd.s32 $0xB9A00, s0;
	s14 =	smul.u32 $0x271000, s2  }
0x7: {  	s7 =	sshll.u32 s2, $0x4;
	s8 =	ssub.s32 $0x2, s2;
	s2 =	smul.u32 $0x27100, s2  }
0x8: {  	s0 =	sadd.s32 $0xF10800, s0;
	s7 =	sor.u32 s16, s7;
	s16 =	smul.u32 $0x27100, s16  }
0x9: {  	s29 =	simm.s32 $0x0;
	_ =	strace $0x8000004D;
	s9 =	smul.u32 $0x2710, s7  }
0xa: {  	s10 =	sshrl.u32 s8, $0x1;
	s11 =	smul.u32 $0x138800, s7;
	s2 =	sadd.s32 s15, s2  }
0xb: {  	s13 =	ssub.s32 s8, s10;
	s15 =	simm.s32 $0x5;
	s30 =	sadd.s32 $0x50, s2  }
0xc: {  	s20 =	sshrl.u32 s9, $0x3;
	s22 =	sshrl.u32 s11, $0x3;
	s11 =	smax.u32 s13, $0x1  }
0xd: {  	s31 =	sshrl.u32 s30, $0x3;
	s21 =	sadd.s32 s6, s20;
	s23 =	sadd.s32 s5, s20  }
0xe: {  	s24 =	sadd.s32 $0x26C00, s22;
	s20 =	simm.s32 $0x100;
	[dreg:$0x4] =	wrdreg s21  }
0xf: {  	s22 =	simm.s32 $0x5200;
	[dreg:$0x5] =	wrdreg s23;
	s25 =	sadd.s32 s12, s24  }
0x10: {  	s26 =	sadd.s32 s0, s24;
	s12 =	sadd.s32 s14, s12;
	s0 =	sadd.s32 s14, s0  }
0x11: {  	s14 =	sadd.s32 s31, s6;
	s21 =	simm.s32 $0x180;
	[dreg:$0x6] =	wrdreg s25  }
0x12: {  	s23 =	simm.s32 $0x7A00;
	s24 =	simm.s32 $0x1;
	[dreg:$0x7] =	wrdreg s26  }
0x13: {  	s12 =	sadd.s32 s16, s12;
	s0 =	sadd.s32 s16, s0;
	s16 =	simm.s32 $0x80  }
0x14: {  	s25 =	simm.s32 $0x2;
	s26 =	simm.s32 $0x3;
	[dreg:$0x2] =	wrdreg s12  }
0x15: {  	[dreg:$0x3] =	wrdreg s0;
	s0 =	sadd.s32 $0xA0, s2;
	s2 =	sadd.s32 s31, s5  }
.LBB2_1:
0x16: {  	s7 =	rddreg [dreg:$0x4]  }
0x17: {  	[tilespmem:s1], [sflag:$0x5] =	stream.linear.gather [hbm4b:s7+s1], $0x50, $0x38;
	[tilespmem:$0xA200] =	vst v63  }
0x18: {  	_ =	swait.ge [sflag:s15], $0x50  }
0x19: {  	[sflag:s15] =	ssyncset.done $0x0  }
0x1a: {  	s12 =	rddreg [dreg:$0x5];
	[sflag:s15] =	ssyncadd.s32 $0xFFFFFFB0  }
0x1b: {  	[tilespmem:s16], [sflag:$0x5] =	stream.linear.gather [hbm4b:s12+s1], $0x50, $0x38;
	[tilespmem:$0xA200] =	vst v63  }
0x1c: {  	_ =	swait.ge [sflag:s15], $0x50  }
0x1d: {  	[sflag:s15] =	ssyncset.done $0x0  }
0x1e: {  	[sflag:s15] =	ssyncadd.s32 $0xFFFFFFB0  }
0x1f: {  	[tilespmem:s18], [sflag:$0x1] =	stream.indirect.gather [hbm4b:s3+s17], $0x80, s1, s17, $0xb8;
	[tilespmem:$0xA200] =	vst v63  }
0x20: {  	_ = 	snop  }
0x21: {  	[tilespmem:s19], [sflag:$0x2] =	stream.indirect.gather [hbm4b:s4+s17], $0x80, s16, s17, $0xb8;
	[tilespmem:$0xA200] =	vst v63  }
0x22: {  	_ = 	snop  }
0x23: {  	[tilespmem:s20], [sflag:$0x5] =	stream.linear.gather [hbm4b:s14+s1], $0x50, $0x38;
	[tilespmem:$0xA200] =	vst v63  }
0x24: {  	_ =	swait.ge [sflag:s15], $0x50  }
0x25: {  	[sflag:s15] =	ssyncset.done $0x0  }
0x26: {  	[sflag:s15] =	ssyncadd.s32 $0xFFFFFFB0  }
0x27: {  	[tilespmem:s21], [sflag:$0x5] =	stream.linear.gather [hbm4b:s2+s1], $0x50, $0x38;
	[tilespmem:$0xA200] =	vst v63  }
0x28: {  	_ =	swait.ge [sflag:s15], $0x50  }
0x29: {  	[sflag:s15] =	ssyncset.done $0x0  }
0x2a: {  	[sflag:s15] =	ssyncadd.s32 $0xFFFFFFB0  }
0x2b: {  	[tilespmem:s22], [sflag:$0x3] =	stream.indirect.gather [hbm4b:s3+s17], $0x80, s20, s17, $0xb8;
	[tilespmem:$0xA200] =	vst v63  }
0x2c: {  	_ = 	snop  }
0x2d: {  	[tilespmem:s23], [sflag:$0x4] =	stream.indirect.gather [hbm4b:s4+s17], $0x80, s21, s17, $0xb8;
	[tilespmem:$0xA200] =	vst v63  }
0x2e: {  	_ =	swait.ge [sflag:s24], $0x2800  }
0x2f: {  	[sflag:s24] =	ssyncset.done $0x0  }
0x30: {  	[sflag:s24] =	ssyncadd.s32 $0xFFFFD800  }
0x31: {  	_ =	swait.ge [sflag:s25], $0x2800  }
0x32: {  	s12 =	rddreg [dreg:$0x2];
	[sflag:s25] =	ssyncset.done $0x0  }
0x33: {  	[sflag:s25] =	ssyncadd.s32 $0xFFFFD800;
	s12 =	sadd.s32 $0x0, s12  }
0x34: {  	[hbm4b:s12+s1] =	stream.linear.scatter [tilespmem:s18], [sflag:$0x5], $0x2800, $0x38;
	[tilespmem:$0xA200] =	vst v63  }
0x35: {  	_ =	swait.ge [sflag:s15], $0x2800  }
0x36: {  	s13 =	rddreg [dreg:$0x3];
	[sflag:s15] =	ssyncset.done $0x0  }
0x37: {  	[sflag:s15] =	ssyncadd.s32 $0xFFFFD800;
	s13 =	sadd.s32 $0x0, s13  }
0x38: {  	[hbm4b:s13+s1] =	stream.linear.scatter [tilespmem:s19], [sflag:$0x5], $0x2800, $0x38;
	[tilespmem:$0xA200] =	vst v63  }
0x39: {  	_ =	swait.ge [sflag:s15], $0x2800  }
0x3a: {  	s30 =	sshrl.u32 s0, $0x3;
	[sflag:s15] =	ssyncset.done $0x0  }
0x3b: {  	s31 =	sadd.s32 s6, s30;
	[sflag:s15] =	ssyncadd.s32 $0xFFFFD800  }
0x3c: {  	[tilespmem:s1], [sflag:$0x5] =	stream.linear.gather [hbm4b:s31+s1], $0x50, $0x38;
	[tilespmem:$0xA200] =	vst v63  }
0x3d: {  	_ =	swait.ge [sflag:s15], $0x50  }
0x3e: {  	[sflag:s15] =	ssyncset.done $0x0  }
0x3f: {  	s30 =	sadd.s32 s5, s30;
	[sflag:s15] =	ssyncadd.s32 $0xFFFFFFB0  }
0x40: {  	[tilespmem:s16], [sflag:$0x5] =	stream.linear.gather [hbm4b:s30+s1], $0x50, $0x38;
	[tilespmem:$0xA200] =	vst v63  }
0x41: {  	_ =	swait.ge [sflag:s15], $0x50  }
0x42: {  	[sflag:s15] =	ssyncset.done $0x0  }
0x43: {  	[sflag:s15] =	ssyncadd.s32 $0xFFFFFFB0  }
0x44: {  	[tilespmem:s18], [sflag:$0x1] =	stream.indirect.gather [hbm4b:s3+s17], $0x80, s1, s17, $0xb8;
	[tilespmem:$0xA200] =	vst v63  }
0x45: {  	_ = 	snop  }
0x46: {  	[tilespmem:s19], [sflag:$0x2] =	stream.indirect.gather [hbm4b:s4+s17], $0x80, s16, s17, $0xb8;
	[tilespmem:$0xA200] =	vst v63  }
0x47: {  	_ =	swait.ge [sflag:s26], $0x2800  }
0x48: {  	[sflag:s26] =	ssyncset.done $0x0  }
0x49: {  	[sflag:s26] =	ssyncadd.s32 $0xFFFFD800  }
0x4a: {  	_ =	swait.ge [sflag:s28], $0x2800  }
0x4b: {  	[sflag:s28] =	ssyncset.done $0x0  }
0x4c: {  	s12 =	sadd.s32 $0x500, s12;
	[sflag:s28] =	ssyncadd.s32 $0xFFFFD800  }
0x4d: {  	[hbm4b:s12+s1] =	stream.linear.scatter [tilespmem:s22], [sflag:$0x5], $0x2800, $0x38;
	[tilespmem:$0xA200] =	vst v63  }
0x4e: {  	_ =	swait.ge [sflag:s15], $0x2800  }
0x4f: {  	[sflag:s15] =	ssyncset.done $0x0  }
0x50: {  	s13 =	sadd.s32 $0x500, s13;
	[sflag:s15] =	ssyncadd.s32 $0xFFFFD800  }
0x51: {  	[hbm4b:s13+s1] =	stream.linear.scatter [tilespmem:s23], [sflag:$0x5], $0x2800, $0x38;
	[tilespmem:$0xA200] =	vst v63  }
0x52: {  	s31 =	sadd.s32 $0x14, s14;
	s30 =	simm.s32 $0xA00;
	_ =	swait.ge [sflag:s15], $0x2800  }
0x53: {  	s12 =	smov.u32 s0;
	s13 =	smov.u32 s2;
	[sflag:s15] =	ssyncset.done $0x0  }
.LBB2_2:
0x54: {  	[sflag:s15] =	ssyncadd.s32 $0xFFFFD800  }
0x55: {  	[tilespmem:s20], [sflag:$0x5] =	stream.linear.gather [hbm4b:s31+s1], $0x50, $0x38;
	[tilespmem:$0xA200] =	vst v63  }
0x56: {  	_ =	swait.ge [sflag:s15], $0x50  }
0x57: {  	[sflag:s15] =	ssyncset.done $0x0  }
0x58: {  	s13 =	sadd.s32 $0x14, s13;
	[sflag:s15] =	ssyncadd.s32 $0xFFFFFFB0  }
0x59: {  	[tilespmem:s21], [sflag:$0x5] =	stream.linear.gather [hbm4b:s13+s1], $0x50, $0x38;
	[tilespmem:$0xA200] =	vst v63  }
0x5a: {  	_ =	swait.ge [sflag:s15], $0x50  }
0x5b: {  	[sflag:s15] =	ssyncset.done $0x0  }
0x5c: {  	[sflag:s15] =	ssyncadd.s32 $0xFFFFFFB0  }
0x5d: {  	[tilespmem:s22], [sflag:$0x3] =	stream.indirect.gather [hbm4b:s3+s17], $0x80, s20, s17, $0xb8;
	[tilespmem:$0xA200] =	vst v63  }
0x5e: {  	_ = 	snop  }
0x5f: {  	[tilespmem:s23], [sflag:$0x4] =	stream.indirect.gather [hbm4b:s4+s17], $0x80, s21, s17, $0xb8;
	[tilespmem:$0xA200] =	vst v63  }
0x60: {  	_ =	swait.ge [sflag:s24], $0x2800  }
0x61: {  	[sflag:s24] =	ssyncset.done $0x0  }
0x62: {  	[sflag:s24] =	ssyncadd.s32 $0xFFFFD800  }
0x63: {  	_ =	swait.ge [sflag:s25], $0x2800  }
0x64: {  	s7 =	smov.u32 s30;
	s8 =	rddreg [dreg:$0x2];
	[sflag:s25] =	ssyncset.done $0x0  }
0x65: {  	[sflag:s25] =	ssyncadd.s32 $0xFFFFD800;
	s8 =	sadd.s32 s7, s8  }
0x66: {  	[hbm4b:s8+s1] =	stream.linear.scatter [tilespmem:s18], [sflag:$0x5], $0x2800, $0x38;
	[tilespmem:$0xA200] =	vst v63  }
0x67: {  	_ =	swait.ge [sflag:s15], $0x2800  }
0x68: {  	s9 =	rddreg [dreg:$0x3];
	[sflag:s15] =	ssyncset.done $0x0  }
0x69: {  	[sflag:s15] =	ssyncadd.s32 $0xFFFFD800;
	s7 =	sadd.s32 s7, s9  }
0x6a: {  	[hbm4b:s7+s1] =	stream.linear.scatter [tilespmem:s19], [sflag:$0x5], $0x2800, $0x38;
	[tilespmem:$0xA200] =	vst v63  }
0x6b: {  	s12 =	sadd.s32 $0xA0, s12;
	_ =	swait.ge [sflag:s15], $0x2800  }
0x6c: {  	s9 =	sshrl.u32 s12, $0x3;
	[sflag:s15] =	ssyncset.done $0x0  }
0x6d: {  	s10 =	sadd.s32 s6, s9;
	[sflag:s15] =	ssyncadd.s32 $0xFFFFD800  }
0x6e: {  	[tilespmem:s1], [sflag:$0x5] =	stream.linear.gather [hbm4b:s10+s1], $0x50, $0x38;
	[tilespmem:$0xA200] =	vst v63  }
0x6f: {  	_ =	swait.ge [sflag:s15], $0x50  }
0x70: {  	[sflag:s15] =	ssyncset.done $0x0  }
0x71: {  	s9 =	sadd.s32 s5, s9;
	[sflag:s15] =	ssyncadd.s32 $0xFFFFFFB0  }
0x72: {  	[tilespmem:s16], [sflag:$0x5] =	stream.linear.gather [hbm4b:s9+s1], $0x50, $0x38;
	[tilespmem:$0xA200] =	vst v63  }
0x73: {  	_ =	swait.ge [sflag:s15], $0x50  }
0x74: {  	[sflag:s15] =	ssyncset.done $0x0  }
0x75: {  	[sflag:s15] =	ssyncadd.s32 $0xFFFFFFB0  }
0x76: {  	[tilespmem:s18], [sflag:$0x1] =	stream.indirect.gather [hbm4b:s3+s17], $0x80, s1, s17, $0xb8;
	[tilespmem:$0xA200] =	vst v63  }
0x77: {  	_ = 	snop  }
0x78: {  	[tilespmem:s19], [sflag:$0x2] =	stream.indirect.gather [hbm4b:s4+s17], $0x80, s16, s17, $0xb8;
	[tilespmem:$0xA200] =	vst v63  }
0x79: {  	_ =	swait.ge [sflag:s26], $0x2800  }
0x7a: {  	[sflag:s26] =	ssyncset.done $0x0  }
0x7b: {  	[sflag:s26] =	ssyncadd.s32 $0xFFFFD800  }
0x7c: {  	_ =	swait.ge [sflag:s28], $0x2800  }
0x7d: {  	[sflag:s28] =	ssyncset.done $0x0  }
0x7e: {  	s8 =	sadd.s32 $0x500, s8;
	[sflag:s28] =	ssyncadd.s32 $0xFFFFD800  }
0x7f: {  	[hbm4b:s8+s1] =	stream.linear.scatter [tilespmem:s22], [sflag:$0x5], $0x2800, $0x38;
	[tilespmem:$0xA200] =	vst v63  }
0x80: {  	p0 =	sne.s32 s30, $0x26200;
	_ =	swait.ge [sflag:s15], $0x2800  }
.Ltmp0:
0x81: {  	[sflag:s15] =	ssyncset.done $0x0;
	(pc) =	sbr.rel @p0 .LBB2_2-.Ltmp0, $4  }
0x82: {  	s7 =	sadd.s32 $0x500, s7;
	[sflag:s15] =	ssyncadd.s32 $0xFFFFD800  }
0x83: {  	[hbm4b:s7+s1] =	stream.linear.scatter [tilespmem:s23], [sflag:$0x5], $0x2800, $0x38;
	[tilespmem:$0xA200] =	vst v63  }
0x84: {  	_ =	swait.ge [sflag:s15], $0x2800  }
0x85: {  	s30 =	sadd.s32 $0xA00, s30;
	s31 =	sadd.s32 $0x14, s31;
	[sflag:s15] =	ssyncset.done $0x0  }
0x86: {  	[sflag:s15] =	ssyncadd.s32 $0xFFFFD800  }
0x87: {  	_ =	swait.ge [sflag:s24], $0x2800  }
0x88: {  	[sflag:s24] =	ssyncset.done $0x0  }
0x89: {  	[sflag:s24] =	ssyncadd.s32 $0xFFFFD800  }
0x8a: {  	_ =	swait.ge [sflag:s25], $0x2800  }
0x8b: {  	[sflag:s25] =	ssyncset.done $0x0  }
0x8c: {  	s7 =	rddreg [dreg:$0x6];
	[sflag:s25] =	ssyncadd.s32 $0xFFFFD800  }
0x8d: {  	[hbm4b:s7+s1] =	stream.linear.scatter [tilespmem:s18], [sflag:$0x5], $0x2800, $0x38;
	[tilespmem:$0xA200] =	vst v63  }
0x8e: {  	s29 =	sadd.s32 $0x1, s29;
	_ =	swait.ge [sflag:s15], $0x2800  }
0x8f: {  	p0 =	sne.s32 s29, s11;
	[sflag:s15] =	ssyncset.done $0x0  }
.Ltmp1:
0x90: {  	s31 =	rddreg [dreg:$0x7];
	[sflag:s15] =	ssyncadd.s32 $0xFFFFD800;
	(pc) =	sbr.rel @p0 .LBB2_1-.Ltmp1, $4  }
0x91: {  	[hbm4b:s31+s1] =	stream.linear.scatter [tilespmem:s19], [sflag:$0x5], $0x2800, $0x38;
	[tilespmem:$0xA200] =	vst v63  }
0x92: {  	_ =	swait.ge [sflag:s15], $0x2800  }
0x93: {  	[sflag:s15] =	ssyncset.done $0x0  }
0x94: {  	[sflag:s15] =	ssyncadd.s32 $0xFFFFD800  }
0x95: {  	_ =	sfence.sel $0x180000  }
0x96: {  	[bflag:$0x0] =	sbarrier.arrive $0xFFFF  }
0x97: {  	_ =	strace $0x9000004D  }
0x98: {  	s0 =	stileid.u32;
	[bflag:$0x2] =	sbarrier.arrive $0xFFFF  }
0x99: {  	p0 =	sne.s32 s0, $0x0;
	s0 =	rddreg [dreg:$0x1]  }
0x9a: {  	s0 =	sadd.s32 @!p0 $0x100000, s0  }
0x9b: {  	[sflag:s0] =	ssyncadd.tile.s32 @!p0 $0x1;
	_ =	shalt  }
.Lfunc_end2:
_tile_overlayer_lowered:
.L_overlay_start_2:
0x9c: {  	(tag) =	ssettag $0x2  }
0x9d: {  	s0 =	rddreg [dreg:$0x0];
	s2 =	stileid.u32  }
0x9e: {  	s1 =	rddreg [dreg:$0x1];
	p0 =	sne.s32 s2, $0x0  }
0x9f: {  	s3 =	rddreg [dreg:$0x2];
	[bflag:$0x3] =	sbarrier.arrive $0xFFFF;
	s2 =	simm.s32 @!p0 $0x1C05  }
0xa0: {  	[timem:s3], [sflag:s2] =	dma.local @!p0 [hbm:s0], s1  }
0xa1: {  	s0 =	simm.s32 @!p0 $0x5  }
0xa2: {  	_ =	swait.ge @!p0 [sflag:s0], s1  }
0xa3: {  	s1 =	ssub.s32 @!p0 $0x0, s1;
	[sflag:s0] =	ssyncset.done @!p0 $0x0  }
0xa4: {  	[sflag:s0] =	ssyncadd.s32 @!p0 s1  }
0xa5: {  	[bflag:$0x3] =	sbarrier.arrive $0xFFFF  }
0xa6: {  	_ =	shalt  }

// kernel: kernel.21.cloned.1.call-start
scs
__scs_entry_jumppad:
0x0: {  	(pc) =	sbr.rel $0x88, $3  }
0x1: {  	(tag) =	ssettag $0x0;
	lr =	simm.s32 $0x1  }
0x2: {  	[smem:$0x3F91] =	sst lr;
	_ =	strace $0xD0000000  }
0x3: {  	_ = 	snop  }
0x4: {  	_ = 	snop  }
0x5: {  	_ = 	snop  }
0x6: {  	_ = 	snop  }
0x7: {  	_ = 	snop  }
__scs_overlays_trampoline_lowered:
0x8: {  	[smem:$0x3FA0] =	sst s0  }
0x9: {  	[smem:$0x3FA1] =	sst s1  }
0xa: {  	[smem:$0x3FA2] =	sst s2  }
0xb: {  	[smem:$0x3FA3] =	sst s3  }
0xc: {  	[smem:$0x3FA4] =	sst s4  }
0xd: {  	[smem:$0x3FA5] =	sst s5  }
0xe: {  	[smem:$0x3FA6] =	sst s6  }
0xf: {  	[smem:$0x3FA7] =	sst s7  }
0x10: {  	[smem:$0x3FA8] =	sst s8  }
0x11: {  	[smem:$0x3FA9] =	sst s9;
	s0 =	simm.s32 @!p0 $0x0  }
0x12: {  	s1 =	sld [smem:$0x3F8F];
	s0 =	simm.s32 @p0 $0x1  }
0x13: {  	[smem:$0x3FAA] =	sst s0;
	s0 =	simm.s32 @!p1 $0x0  }
0x14: {  	s2 =	sld [smem:$0x3F8E];
	s0 =	simm.s32 @p1 $0x1  }
0x15: {  	[smem:$0x3FAB] =	sst s0;
	s0 =	simm.s32 @!p2 $0x0  }
0x16: {  	s3 =	sld [smem:$0x3FDB];
	s0 =	simm.s32 @p2 $0x1  }
0x17: {  	s4 =	simm.s32 $0x1BF5;
	[smem:$0x3FAD] =	sst s0  }
0x18: {  	s0 =	sld [smem:$0x3F90];
	_ =	swait.ge [sflag:s4], $0x0  }
0x19: {  	s7 =	sld [smem:$0x3F91]  }
0x1a: {  	s8 =	sadd.s32 $0xFFFFE003, lr  }
0x1b: {  	s9 =	sadd.s32 $0xFFFFFEF7, lr;
	s5 =	simm.s32 $0xFFFFFFFF;
	p2 =	slt.u32 s8, $0xFFFFF086  }
0x1c: {  	p1 =	slt.u32 s9, $0xF7A;
	s5 =	simm.s32 @!p2 $0x0  }
0x1d: {  	s5 =	simm.s32 @p1 $0x1;
	p0 =	seq.s32 s7, s2  }
0x1e: {  	s7 =	smul.u32 @!p0 $0xF7A, s2;
	p2 =	seq.s32 @!p0 s5, $0x0  }
0x1f: {  	s9 =	smul.u32 $0xF7A, s1;
	s8 =	simm.s32 @!p0 $0x1BF5;
	p2 =	por !p2, p0  }
0x20: {  	[sflag:s8] =	ssyncset.s32 @!p0 $0xFFFFF086;
	s6 =	sadd.s32 @!p0 s3, s7;
	s7 =	simm.s32 @!p0 $0x108  }
0x21: {  	s3 =	sadd.s32 s3, s9;
	s6 =	sadd.s32 @!p0 $0x88, s6;
	s7 =	simm.s32 @p2 $0x1082  }
0x22: {  	[simem:s7], [sflag:s8] =	dma.local @!p0 [hbm:s6], $0xF7A  }
0x23: {  	s9 =	sor.u32 $0xD0000000, s2;
	s6 =	simm.s32 $0x108;
	_ =	swait.ge @!p0 [sflag:s8], $0x0  }
0x24: {  	s3 =	sadd.s32 $0x88, s3;
	s6 =	simm.s32 @!p1 $0x1082;
	[sflag:s4] =	ssyncset.s32 $0xFFFFF086  }
0x25: {  	[simem:s6], [sflag:s4] =	dma.local [hbm:s3], $0xF7A  }
0x26: {  	[smem:$0x3F91] =	sst s1;
	(tag) =	ssettag s2;
	_ =	strace s9  }
0x27: {  	s1 =	sld [smem:$0x3FA1]  }
0x28: {  	s2 =	sld [smem:$0x3FA2]  }
0x29: {  	s4 =	sld [smem:$0x3FA4]  }
0x2a: {  	p0 =	seq.s32 s5, $0x0;
	s5 =	sld [smem:$0x3FA5]  }
0x2b: {  	s6 =	sld [smem:$0x3FA6]  }
0x2c: {  	s7 =	sld [smem:$0x3FA7]  }
0x2d: {  	s3 =	simm.s32 $0x108;
	s8 =	sld [smem:$0x3FA8]  }
0x2e: {  	s3 =	simm.s32 @!p0 $0x1082;
	s9 =	sld [smem:$0x3FA9]  }
0x2f: {  	lr =	sadd.s32 s0, s3;
	s0 =	sld [smem:$0x3FA0]  }
0x30: {  	s3 =	sld [smem:$0x3FA3]  }
0x31: {  	[smem:$0x3FAC] =	sst s10  }
0x32: {  	s10 =	sld [smem:$0x3FAA];
	_ =	sdelay $0x3  }
0x33: {  	p0 =	seq.s32 s10, $0x1;
	s10 =	sld [smem:$0x3FAC];
	_ =	sdelay $0x3  }
0x34: {  	[smem:$0x3FAC] =	sst s10  }
0x35: {  	s10 =	sld [smem:$0x3FAB];
	_ =	sdelay $0x3  }
0x36: {  	p1 =	seq.s32 s10, $0x1;
	s10 =	sld [smem:$0x3FAC];
	_ =	sdelay $0x3  }
0x37: {  	[smem:$0x3FAC] =	sst s10  }
0x38: {  	s10 =	sld [smem:$0x3FAD]  }
0x39: {  	_ = 	snop;
	(pc) =	sbr.ind lr, $3  }
0x3a: {  	_ = 	snop  }
0x3b: {  	_ = 	snop  }
0x3c: {  	p2 =	seq.s32 s10, $0x1;
	s10 =	sld [smem:$0x3FAC]  }
0x3d: {  	_ =	shalt  }
0x3e: {  	_ =	shalt  }
0x3f: {  	_ =	shalt  }
0x40: {  	_ =	shalt  }
0x41: {  	_ =	shalt  }
0x42: {  	_ =	shalt  }
0x43: {  	_ =	shalt  }
0x44: {  	_ =	shalt  }
0x45: {  	_ =	shalt  }
0x46: {  	_ =	shalt  }
0x47: {  	_ =	shalt  }
0x48: {  	_ =	shalt  }
0x49: {  	_ =	shalt  }
0x4a: {  	_ =	shalt  }
0x4b: {  	_ =	shalt  }
0x4c: {  	_ =	shalt  }
0x4d: {  	_ =	shalt  }
0x4e: {  	_ =	shalt  }
0x4f: {  	_ =	shalt  }
0x50: {  	_ =	shalt  }
0x51: {  	_ =	shalt  }
0x52: {  	_ =	shalt  }
0x53: {  	_ =	shalt  }
0x54: {  	_ =	shalt  }
0x55: {  	_ =	shalt  }
0x56: {  	_ =	shalt  }
0x57: {  	_ =	shalt  }
0x58: {  	_ =	shalt  }
0x59: {  	_ =	shalt  }
0x5a: {  	_ =	shalt  }
0x5b: {  	_ =	shalt  }
0x5c: {  	_ =	shalt  }
0x5d: {  	_ =	shalt  }
0x5e: {  	_ =	shalt  }
0x5f: {  	_ =	shalt  }
0x60: {  	_ =	shalt  }
0x61: {  	_ =	shalt  }
0x62: {  	_ =	shalt  }
0x63: {  	_ =	shalt  }
0x64: {  	_ =	shalt  }
0x65: {  	_ =	shalt  }
0x66: {  	_ =	shalt  }
0x67: {  	_ =	shalt  }
0x68: {  	_ =	shalt  }
0x69: {  	_ =	shalt  }
0x6a: {  	_ =	shalt  }
0x6b: {  	_ =	shalt  }
0x6c: {  	_ =	shalt  }
0x6d: {  	_ =	shalt  }
0x6e: {  	_ =	shalt  }
0x6f: {  	_ =	shalt  }
0x70: {  	_ =	shalt  }
0x71: {  	_ =	shalt  }
0x72: {  	_ =	shalt  }
0x73: {  	_ =	shalt  }
0x74: {  	_ =	shalt  }
0x75: {  	_ =	shalt  }
0x76: {  	_ =	shalt  }
0x77: {  	_ =	shalt  }
0x78: {  	_ =	shalt  }
0x79: {  	_ =	shalt  }
0x7a: {  	_ =	shalt  }
0x7b: {  	_ =	shalt  }
0x7c: {  	_ =	shalt  }
0x7d: {  	_ =	shalt  }
0x7e: {  	_ =	shalt  }
0x7f: {  	_ =	shalt  }
0x80: {  	_ =	shalt  }
0x81: {  	_ =	shalt  }
0x82: {  	_ =	shalt  }
0x83: {  	_ =	shalt  }
0x84: {  	_ =	shalt  }
0x85: {  	_ =	shalt  }
0x86: {  	_ =	shalt  }
0x87: {  	_ =	shalt  }
.Lfunc_end0:
.L_simem_size_0:
called_computation.3_lowered:
.L_overlay_start_0:
0x88: {  	s2 =	sld [smem:$0x3FD9]  }
0x89: {  	s3 =	sld [smem:$0x3FFE];
	_ =	sdelay $0x1  }
0x8a: {  	s1 =	srdreg.scid  }
0x8b: {  	s0 =	sand.u32 $0x1, s1  }
0x8c: {  	s16 =	sshll.u32 s0, $0xA;
	s2 =	sadd.s32 s3, s2  }
0x8d: {  	s2 =	sadd.s32 s2, s16  }
0x8e: {  	[smem:$0x3FB8] =	sst s2  }
0x8f: {  	_ = 	snop  }
0x90: {  	(tm) =	ssettm $0x1  }
0x91: {  	s17 =	sld [smem:$0x3FFB];
	_ =	sdelay $0x3  }
0x92: {  	_ =	strace s17  }
0x93: {  	s2 =	sld [smem:$0x3FFC];
	_ =	sdelay $0x3  }
0x94: {  	_ =	strace s2  }
0x95: {  	s2 =	sld [smem:$0x3FFD];
	_ =	sdelay $0x3  }
0x96: {  	_ =	strace s2  }
0x97: {  	_ =	strace $0x8FFFFFFF  }
0x98: {  	s18 =	sld [smem:$0x3FDB];
	_ =	sdelay $0x1  }
0x99: {  	s19 =	simm.s32 $_scs_section_size  }
0x9a: {  	s4 =	simm.s32 $_size__tile_overlayer_lowered;
	s5 =	simm.s32 $_tile_overlayer_lowered  }
0x9b: {  	s22 =	simm.s32 $0x1BFF;
	s21 =	sshll.u32 s5, $0x1;
	s2 =	sadd.s32 s19, s18  }
0x9c: {  	s6 =	simm.s32 $0x0;
	s20 =	sshll.u32 s4, $0x1;
	s4 =	sadd.s32 s21, s2  }
0x9d: {  	[timem:s6], [sflag:s22] =	dma.local [hbm:s4], s20  }
0x9e: {  	_ =	swait.ge [sflag:s22], s20  }
0x9f: {  	s3 =	ssub.s32 $0x0, s20;
	[sflag:s22] =	ssyncset.done $0x0  }
0xa0: {  	[sflag:s22] =	ssyncadd.s32 s3;
	_ =	sdelay $0x1  }
0xa1: {  	s23 =	simm.s32 $0x1B8B  }
0xa2: {  	_ =	swait.ge [sflag:s23], $0x1  }
0xa3: {  	[sflag:s23] =	ssyncset.done $0x0  }
0xa4: {  	s25 =	simm.s32 $0x1B8E;
	s24 =	sld [smem:$0x3FFE];
	[sflag:s23] =	ssyncadd.s32 $0xFFFFFFFF  }
0xa5: {  	s26 =	simm.s32 $execute0_lowered;
	[smem:$0x3FD2] =	sst s25  }
0xa6: {  	s4 =	sshll.u32 s26, $0x1;
	_ =	strace $0x8000004F;
	[dreg:$0x1] =	wrdreg $0xFFFFFFFF  }
0xa7: {  	s28 =	simm.s32 $_size_execute0_lowered;
	s2 =	sadd.s32 s2, s4;
	[dreg:$0x0] =	wrdreg $0x0  }
0xa8: {  	s4 =	sshll.u32 s28, $0x1;
	[dreg:$0x2] =	wrdreg s2  }
0xa9: {  	[dreg:$0x3] =	wrdreg s4  }
0xaa: {  	[dreg:$0x4] =	wrdreg $0xC0  }
0xab: {  	_ =	task [dreg:s6], $0x5FFFF  }
0xac: {  	[dreg:$0x1] =	wrdreg $0xFFFFFFFF  }
0xad: {  	[dreg:$0x0] =	wrdreg $0x60  }
0xae: {  	[dreg:$0x2] =	wrdreg s24  }
0xaf: {  	[dreg:$0x3] =	wrdreg $0x51000  }
0xb0: {  	[dreg:$0x4] =	wrdreg $0x9  }
0xb1: {  	_ =	task.clear_ibuf [dreg:s6], $0x5FFFF;
	_ =	strace $0x9000004F  }
0xb2: {  	s29 =	simm.s32 $0x9;
	_ =	strace $0x80000051  }
0xb3: {  	_ =	swait.ge [sflag:s29], $0x1  }
0xb4: {  	[sflag:s29] =	ssyncadd.s32 $0xFFFFFFFF  }
0xb5: {  	_ =	strace $0x90000051  }
0xb6: {  	_ =	sfence  }
0xb7: {  	s30 =	sld [smem:$0x0];
	_ =	sdelay $0x2  }
0xb8: {  	s31 =	sshll.u32 s1, $0xD;
	s1 =	sshrl.u32 s1, $0x2  }
0xb9: {  	s3 =	sand.u32 $0x4000, s31;
	s1 =	sadd.s32 s1, s30  }
0xba: {  	s0 =	sor.u32 s3, s0;
	s1 =	sshll.u32 s1, $0x11  }
0xbb: {  	s0 =	sor.u32 s1, s0  }
0xbc: {  	s0 =	sadd.s32 $0x8F2B, s0  }
0xbd: {  	[sflag:s0] =	ssyncadd.remote.s32 $0x1  }
0xbe: {  	_ =	sfence.sel $0xFFFF  }
0xbf: {  	[dreg:$0x0] =	wrdreg $0xFFFFFFFF;
	(pc) =	sbr.abs _section_cstart, $3  }
0xc0: {  	[dreg:$0x1] =	wrdreg $0xFFFFFFFF  }
0xc1: {  	_ =	task.clear_ibuf [dreg:s6], $0x2FFFF;
	_ =	strace $0x9FFFFFFF  }
0xc2: {  	(tm) =	ssettm $0x7FFFFFFF  }
0xc3: {  	_ =	shalt  }
tec
execute0_lowered:
.L_overlay_start_1:
0x0: {  	(tag) =	ssettag $0x1  }
0x1: {  	s5 =	rddreg [dreg:$0x0]  }
0x2: {  	s1 =	rddreg [dreg:$0x1]  }
0x3: {  	s0 =	rddreg [dreg:$0x2];
	s3 =	simm.s32 $0x0  }
0x4: {  	s2 =	stileid.u32;
	s7 =	srdreg.scid;
	s16 =	simm.s32 $0xB9A00  }
0x5: {  	s18 =	simm.s32 $0x80;
	s19 =	simm.s32 $0x2900;
	s20 =	simm.s32 $0x1  }
0x6: {  	s21 =	simm.s32 $0x2;
	s22 =	simm.s32 $0x0;
	s6 =	smul.u32 $0x2800, s2  }
0x7: {  	[smem:$0x7FF] =	sst s3;
	s10 =	sadd.s32 $0x13F2800, s5;
	s23 =	smul.u32 $0x50000, s2  }
0x8: {  	s4 =	sadd.s32 $0x12600, s5;
	s11 =	sand.u32 $0x1, s7;
	s30 =	smul.u32 $0x2710, s2  }
0x9: {  	s28 =	sshll.u32 s2, $0x6;
	s17 =	smul.u32 $0x27100, s2;
	_ =	strace $0x80000050  }
0xa: {  	s24 =	ssub.s32 $0x2, s11;
	s25 =	sshll.u32 s11, $0x4;
	s15 =	smul.u32 $0x27100, s11  }
0xb: {  	p0 =	seq.s32 s11, $0x1;
	s11 =	smul.u32 $0x271000, s11;
	s12 =	sadd.s32 s6, s5  }
0xc: {  	s8 =	sshrl.u32 s24, $0x1;
	s6 =	sor.u32 s2, s25;
	s7 =	sshrl.u32 s23, $0x2  }
0xd: {  	s16 =	simm.s32 @!p0 $0x44400;
	s9 =	ssub.s32 s24, s8;
	s26 =	smul.u32 $0x2710, s6  }
0xe: {  	s14 =	sadd.s32 s7, s1;
	s5 =	sadd.s32 $0x1C400, s12;
	s13 =	smul.u32 $0x27100, s6  }
0xf: {  	s6 =	sor.u32 $0x1C03, s28;
	s11 =	sadd.s32 s11, s10;
	s9 =	smax.u32 s9, $0x1  }
0x10: {  	s11 =	sadd.s32 s17, s11;
	s14 =	sshrl.u32 s14, $0x3;
	s17 =	simm.s32 $0x50  }
0x11: {  	s29 =	sshrl.u32 s26, $0x3;
	s8 =	sadd.s32 s10, s13;
	s13 =	sadd.s32 s30, s15  }
0x12: {  	s10 =	sadd.s32 s16, s12;
	s11 =	sadd.s32 $0x500, s11;
	s15 =	sadd.s32 $0x50, s13  }
0x13: {  	s16 =	simm.s32 $0x100;
	s7 =	sadd.s32 s4, s29;
	s31 =	sshrl.u32 s15, $0x3  }
0x14: {  	s13 =	sadd.s32 $0xA0, s13;
	s15 =	simm.s32 $0x3;
	s12 =	sadd.s32 s31, s4  }
.LBB2_1:
0x15: {  	[spmem:s14], [sflag:s6] =	dma.local [hbm:s5], $0x2800  }
0x16: {  	_ =	swait.ge [sflag:s15], $0x2800  }
0x17: {  	[sflag:s15] =	ssyncset.done $0x0  }
0x18: {  	[sflag:s15] =	ssyncadd.s32 $0xFFFFD800  }
0x19: {  	[bflag:$0x0] =	sbarrier.arrive $0xFFFF  }
0x1a: {  	[tilespmem:s3], [sflag:$0x3] =	stream.linear.gather [hbm4b:s7+s3], $0x50, $0x38;
	[tilespmem:$0x19100] =	vst v63  }
0x1b: {  	_ =	swait.ge [sflag:s15], $0x50  }
0x1c: {  	[sflag:s15] =	ssyncset.done $0x0  }
0x1d: {  	[sflag:s15] =	ssyncadd.s32 $0xFFFFFFB0  }
0x1e: {  	[tilespmem:s16], [sflag:$0x3] =	stream.linear.gather [hbm4b:s8+s3], $0x2800, $0x38;
	[tilespmem:$0x19100] =	vst v63  }
0x1f: {  	_ =	swait.ge [sflag:s15], $0x2800  }
0x20: {  	[sflag:s15] =	ssyncset.done $0x0  }
0x21: {  	[sflag:s15] =	ssyncadd.s32 $0xFFFFD800  }
0x22: {  	[spmem:s1] =	stream.indirect.scatter.add.f32 [tilespmem:s16], [sflag:$0x1], $0x80, s3, s17, $0xb8;
	[tilespmem:$0x19100] =	vst v63  }
0x23: {  	s23 =	sadd.s32 $0x0, s12  }
0x24: {  	[tilespmem:s18], [sflag:$0x3] =	stream.linear.gather [hbm4b:s23+s3], $0x50, $0x38;
	[tilespmem:$0x19100] =	vst v63  }
0x25: {  	_ =	swait.ge [sflag:s15], $0x50  }
0x26: {  	[sflag:s15] =	ssyncset.done $0x0  }
0x27: {  	[sflag:s15] =	ssyncadd.s32 $0xFFFFFFB0  }
0x28: {  	[tilespmem:s19], [sflag:$0x3] =	stream.linear.gather [hbm4b:s11+s3], $0x2800, $0x38;
	[tilespmem:$0x19100] =	vst v63  }
0x29: {  	_ =	swait.ge [sflag:s15], $0x2800  }
0x2a: {  	[sflag:s15] =	ssyncset.done $0x0  }
0x2b: {  	[sflag:s15] =	ssyncadd.s32 $0xFFFFD800  }
0x2c: {  	_ =	swait.ge [sflag:s20], $0x2800  }
0x2d: {  	[sflag:s20] =	ssyncset.done $0x0  }
0x2e: {  	s30 =	sshrl.u32 s13, $0x3;
	[sflag:s20] =	ssyncadd.s32 $0xFFFFD800  }
0x2f: {  	[spmem:s1] =	stream.indirect.scatter.add.f32 [tilespmem:s19], [sflag:$0x2], $0x80, s18, s17, $0xb8;
	[tilespmem:$0x19100] =	vst v63  }
0x30: {  	s23 =	sadd.s32 s4, s30  }
0x31: {  	[tilespmem:s3], [sflag:$0x3] =	stream.linear.gather [hbm4b:s23+s3], $0x50, $0x38;
	[tilespmem:$0x19100] =	vst v63  }
0x32: {  	_ =	swait.ge [sflag:s15], $0x50  }
0x33: {  	[sflag:s15] =	ssyncset.done $0x0  }
0x34: {  	s31 =	sadd.s32 $0x500, s11;
	[sflag:s15] =	ssyncadd.s32 $0xFFFFFFB0  }
0x35: {  	[tilespmem:s16], [sflag:$0x3] =	stream.linear.gather [hbm4b:s31+s3], $0x2800, $0x38;
	[tilespmem:$0x19100] =	vst v63  }
0x36: {  	_ =	swait.ge [sflag:s15], $0x2800  }
0x37: {  	[sflag:s15] =	ssyncset.done $0x0  }
0x38: {  	[sflag:s15] =	ssyncadd.s32 $0xFFFFD800  }
0x39: {  	s24 =	smov.u32 s11;
	_ =	swait.ge [sflag:s21], $0x2800  }
0x3a: {  	s25 =	smov.u32 s13;
	s23 =	simm.s32 $0x14;
	[sflag:s21] =	ssyncset.done $0x0  }
.LBB2_2:
0x3b: {  	[sflag:s21] =	ssyncadd.s32 $0xFFFFD800;
	s24 =	sadd.s32 $0xA00, s24;
	s25 =	sadd.s32 $0xA0, s25  }
0x3c: {  	[spmem:s1] =	stream.indirect.scatter.add.f32 [tilespmem:s16], [sflag:$0x1], $0x80, s3, s17, $0xb8;
	[tilespmem:$0x19100] =	vst v63  }
0x3d: {  	s26 =	sadd.s32 s23, s12;
	p0 =	sne.s32 s23, $0x4C4;
	s23 =	sadd.s32 $0x14, s23  }
0x3e: {  	[tilespmem:s18], [sflag:$0x3] =	stream.linear.gather [hbm4b:s26+s3], $0x50, $0x38;
	[tilespmem:$0x19100] =	vst v63  }
0x3f: {  	_ =	swait.ge [sflag:s15], $0x50  }
0x40: {  	[sflag:s15] =	ssyncset.done $0x0  }
0x41: {  	[sflag:s15] =	ssyncadd.s32 $0xFFFFFFB0  }
0x42: {  	[tilespmem:s19], [sflag:$0x3] =	stream.linear.gather [hbm4b:s24+s3], $0x2800, $0x38;
	[tilespmem:$0x19100] =	vst v63  }
0x43: {  	_ =	swait.ge [sflag:s15], $0x2800  }
0x44: {  	[sflag:s15] =	ssyncset.done $0x0  }
0x45: {  	[sflag:s15] =	ssyncadd.s32 $0xFFFFD800  }
0x46: {  	_ =	swait.ge [sflag:s20], $0x2800  }
0x47: {  	[sflag:s20] =	ssyncset.done $0x0  }
0x48: {  	s26 =	sshrl.u32 s25, $0x3;
	[sflag:s20] =	ssyncadd.s32 $0xFFFFD800  }
0x49: {  	[spmem:s1] =	stream.indirect.scatter.add.f32 [tilespmem:s19], [sflag:$0x2], $0x80, s18, s17, $0xb8;
	[tilespmem:$0x19100] =	vst v63  }
0x4a: {  	s26 =	sadd.s32 s4, s26  }
0x4b: {  	[tilespmem:s3], [sflag:$0x3] =	stream.linear.gather [hbm4b:s26+s3], $0x50, $0x38;
	[tilespmem:$0x19100] =	vst v63  }
0x4c: {  	_ =	swait.ge [sflag:s15], $0x50  }
0x4d: {  	[sflag:s15] =	ssyncset.done $0x0  }
0x4e: {  	s26 =	sadd.s32 $0x500, s24;
	[sflag:s15] =	ssyncadd.s32 $0xFFFFFFB0  }
0x4f: {  	[tilespmem:s16], [sflag:$0x3] =	stream.linear.gather [hbm4b:s26+s3], $0x2800, $0x38;
	[tilespmem:$0x19100] =	vst v63  }
.Ltmp0:
0x50: {  	_ =	swait.ge [sflag:s15], $0x2800;
	(pc) =	sbr.rel @p0 .LBB2_2-.Ltmp0, $4  }
0x51: {  	[sflag:s15] =	ssyncset.done $0x0  }
0x52: {  	[sflag:s15] =	ssyncadd.s32 $0xFFFFD800  }
0x53: {  	_ =	swait.ge [sflag:s21], $0x2800  }
0x54: {  	[sflag:s21] =	ssyncset.done $0x0  }
0x55: {  	[sflag:s21] =	ssyncadd.s32 $0xFFFFD800  }
0x56: {  	[spmem:s1] =	stream.indirect.scatter.add.f32 [tilespmem:s16], [sflag:$0x1], $0x80, s3, s17, $0xb8;
	[tilespmem:$0x19100] =	vst v63  }
0x57: {  	_ =	swait.ge [sflag:s20], $0x2800  }
0x58: {  	s22 =	sadd.s32 $0x1, s22;
	[sflag:s20] =	ssyncset.done $0x0  }
0x59: {  	p0 =	sne.s32 s22, s9;
	[sflag:s20] =	ssyncadd.s32 $0xFFFFD800  }
.Ltmp1:
0x5a: {  	[bflag:$0x0] =	sbarrier.arrive $0xFFFF;
	(pc) =	sbr.rel @p0 .LBB2_1-.Ltmp1, $4  }
0x5b: {  	[hbm:s10], [sflag:s6] =	dma.local [spmem:s14], $0x2800  }
0x5c: {  	_ =	swait.ge [sflag:s15], $0x2800  }
0x5d: {  	[sflag:s15] =	ssyncset.done $0x0  }
0x5e: {  	[sflag:s15] =	ssyncadd.s32 $0xFFFFD800  }
0x5f: {  	_ =	sfence.sel $0x180000  }
0x60: {  	[bflag:$0x0] =	sbarrier.arrive $0xFFFF  }
0x61: {  	p0 =	sne.s32 s2, $0x0;
	_ =	strace $0x90000050  }
0x62: {  	s0 =	sadd.s32 @!p0 $0x100000, s0;
	[bflag:$0x2] =	sbarrier.arrive $0xFFFF  }
0x63: {  	[sflag:s0] =	ssyncadd.tile.s32 @!p0 $0x1;
	_ =	shalt  }
.Lfunc_end2:
_tile_overlayer_lowered:
.L_overlay_start_2:
0x64: {  	(tag) =	ssettag $0x2  }
0x65: {  	s0 =	rddreg [dreg:$0x0];
	s2 =	stileid.u32  }
0x66: {  	s1 =	rddreg [dreg:$0x1];
	p0 =	sne.s32 s2, $0x0  }
0x67: {  	s3 =	rddreg [dreg:$0x2];
	[bflag:$0x3] =	sbarrier.arrive $0xFFFF;
	s2 =	simm.s32 @!p0 $0x1C03  }
0x68: {  	[timem:s3], [sflag:s2] =	dma.local @!p0 [hbm:s0], s1  }
0x69: {  	s0 =	simm.s32 @!p0 $0x3  }
0x6a: {  	_ =	swait.ge @!p0 [sflag:s0], s1  }
0x6b: {  	s1 =	ssub.s32 @!p0 $0x0, s1;
	[sflag:s0] =	ssyncset.done @!p0 $0x0  }
0x6c: {  	[sflag:s0] =	ssyncadd.s32 @!p0 s1  }
0x6d: {  	[bflag:$0x3] =	sbarrier.arrive $0xFFFF  }
0x6e: {  	_ =	shalt  }

</sc_bundles>
